<compile_context>
chip_gen: v7x
topology: tpu7x:2x2x1
jax: 0.10.2.dev20260603
libtpu: 0.0.44.dev20260713+nightly
codegen_flags: <defaults>
</compile_context>

<pallas_src>
import jax
import jax.numpy as jnp
from jax import lax
from jax.experimental import pallas as pl
from jax.experimental.pallas import tpu as pltpu
from jax.experimental.pallas import tpu_sc as plsc

B = 512
D = 114688
V = 128
NCH = 64
NCHS = NCH // 2
DC = D // NCH
NS = 16
RPT = B // NS
VPT = V // NS
NSP = 22
NTS = NCHS - NSP


def _body(pf_hbm, tbl_hbm, out_hbm, idx_v, tb0, tb1, sp_a, sp_b,
          stg_a, stg_b, dsem, gsem, ws0, ws1):
    core = lax.axis_index("c")
    s = lax.axis_index("s")
    tout = s * RPT
    tbs = [tb0, tb1]
    wss = [ws0, ws1]

    def col(c):
        return (core * NCHS + c) * DC

    def stage(c, buf, sem):
        return pltpu.make_async_copy(
            tbl_hbm.at[pl.ds(s * VPT, VPT), pl.ds(col(c), DC)],
            buf.at[pl.ds(s * VPT, VPT), :], sem)

    def fanout(c, buf):
        return [
            pltpu.make_async_copy(
                buf.at[rows[j]], out_hbm.at[tout + j, pl.ds(col(c), DC)],
                dsem)
            for j in range(RPT)
        ]

    def ts_gather(c, g):
        return pltpu.make_async_copy(
            tbl_hbm.at[regs[g], pl.ds(col(c), DC)], tbs[g], gsem)

    def ts_write(c, g):
        return pltpu.make_async_copy(
            tbs[g],
            out_hbm.at[pl.ds(tout + g * 16, 16), pl.ds(col(c), DC)], wss[g])

    def ts_half(i, g):
        c3 = NSP + i
        @pl.when(jnp.logical_and(i > 0, i < NTS))
        def _():
            ts_write(c3, g).wait()
        @pl.when(i < NTS)
        def _():
            ts_gather(c3, g).start()
            ts_gather(c3, g).wait()
            ts_write(c3, g).start()

    last = jnp.int32(NSP - 1)
    stage(0, sp_a, stg_a).start()
    stage(1, sp_b, stg_b).start()
    pltpu.sync_copy(pf_hbm.at[s // 4, pl.ds((s % 4) * RPT, RPT)], idx_v)
    regs = [idx_v[pl.ds(0, 16)], idx_v[pl.ds(16, 16)]]
    rows = [regs[g][j] for g in range(2) for j in range(16)]

    def step(i, carry):
        c0 = 2 * i
        c1 = 2 * i + 1
        stage(c0, sp_a, stg_a).wait()
        plsc.subcore_barrier()
        cps = fanout(c0, sp_a)
        for cp in cps:
            cp.start()
        ts_half(i, 0)
        for cp in cps:
            cp.wait()
        plsc.subcore_barrier()
        stage(jnp.minimum(c0 + 2, last), sp_a, stg_a).start()

        stage(c1, sp_b, stg_b).wait()
        plsc.subcore_barrier()
        cps = fanout(c1, sp_b)
        for cp in cps:
            cp.start()
        ts_half(i, 1)
        for cp in cps:
            cp.wait()
        plsc.subcore_barrier()
        stage(jnp.minimum(c1 + 2, last), sp_b, stg_b).start()
        return carry

    lax.fori_loop(0, NSP // 2, step, 0)
    stage(last, sp_a, stg_a).wait()
    stage(last, sp_b, stg_b).wait()
    ts_write(NCHS - 1, 0).wait()
    ts_write(NCHS - 1, 1).wait()


_gather = pl.kernel(
    _body,
    out_type=jax.ShapeDtypeStruct((B, D), jnp.float32),
    mesh=plsc.VectorSubcoreMesh(core_axis_name="c", subcore_axis_name="s"),
    scratch_types=[
        pltpu.VMEM((RPT,), jnp.int32),
        pltpu.VMEM((16, DC), jnp.float32),
        pltpu.VMEM((16, DC), jnp.float32),
        pltpu.VMEM_SHARED((V, DC), jnp.float32),
        pltpu.VMEM_SHARED((V, DC), jnp.float32),
        pltpu.SemaphoreType.DMA,
        pltpu.SemaphoreType.DMA,
        pltpu.SemaphoreType.DMA,
        pltpu.SemaphoreType.DMA,
        pltpu.SemaphoreType.DMA,
        pltpu.SemaphoreType.DMA,
    ],
)


def kernel(prefix, embedding_table):
    pf = prefix.astype(jnp.int32)
    out = _gather(pf, embedding_table)
    return out.reshape(prefix.shape[0], prefix.shape[1], D)

# --- scband reference (transcript-rebuilt; emitter-appended) ---
"""Pipeline reference for scband-prefix-encoder-47038481826309 (READ-ONLY COPY).

The authoritative reference and input builder live on the scoring server;
editing this copy changes nothing except your own understanding.
"""

import jax, jax.numpy as jnp
import numpy as np

PRE_SEQ_LEN = 128
HIDDEN = 2048
N_LAYERS = 28
BATCH = 4
ROW_DIM = 2 * N_LAYERS * HIDDEN  # 114688


def setup_inputs(seed: int = 0) -> dict:
    key = jax.random.key(seed)
    k1, k2 = jax.random.split(key)
    prefix = jax.random.randint(k1, (BATCH, PRE_SEQ_LEN), 0, PRE_SEQ_LEN, dtype=jnp.int64 if jax.config.jax_enable_x64 else jnp.int32)
    embedding_table = jax.random.normal(k2, (PRE_SEQ_LEN, ROW_DIM), dtype=jnp.float32) * 0.02
    return {"prefix": prefix, "embedding_table": embedding_table}


def reference(prefix, embedding_table):
    # prefix_projection=False path: past_key_values = self.embedding(prefix)
    past_key_values = jnp.take(embedding_table, prefix, axis=0)
    return past_key_values

if __name__ == "__main__":
    import jax
    _d = setup_inputs()
    print(jax.jit(kernel)(*tuple(_d.values())))

</pallas_src>

<mosaic_0001>
#map = affine_map<(d0, d1) -> (0, 0)>
module attributes {stable_mosaic.version = 14 : i64} {
  func.func @_body(%arg0: i32, %arg1: i32, %arg2: memref<4x128xi32, #tpu.memory_space<hbm>>, %arg3: memref<128x114688xf32, #tpu.memory_space<hbm>>, %arg4: memref<512x114688xf32, #tpu.memory_space<hbm>>, %arg5: memref<32xi32, #tpu.memory_space<vmem>>, %arg6: memref<16x1792xf32, #tpu.memory_space<vmem>>, %arg7: memref<16x1792xf32, #tpu.memory_space<vmem>>, %arg8: memref<128x1792xf32, #tpu.memory_space<vmem_shared>>, %arg9: memref<128x1792xf32, #tpu.memory_space<vmem_shared>>, %arg10: memref<!tpu.dma_semaphore, #tpu.memory_space<semaphore_mem>>, %arg11: memref<!tpu.dma_semaphore, #tpu.memory_space<semaphore_mem>>, %arg12: memref<!tpu.dma_semaphore, #tpu.memory_space<semaphore_mem>>, %arg13: memref<!tpu.dma_semaphore, #tpu.memory_space<semaphore_mem>>, %arg14: memref<!tpu.dma_semaphore, #tpu.memory_space<semaphore_mem>>, %arg15: memref<!tpu.dma_semaphore, #tpu.memory_space<semaphore_mem>>) attributes {dimension_semantics = [#tpu.dimension_semantics<core_parallel>, #tpu.dimension_semantics<subcore_parallel>], iteration_bounds = array<i64: 2, 16>, scalar_prefetch = 0 : i64, scratch_operands = 11 : i64, tpu.core_type = #tpu.core_type<sc_vector_subcore>, window_params = [{transform_indices = #map}, {transform_indices = #map}, {transform_indices = #map}]} {
    %mul3A = arith.constant 32 : i32
    %mul3A_0 = arith.muli %arg1, %mul3A : i32
    %mul3A_1 = arith.constant 8 : i32
    %mul3A_2 = arith.muli %arg1, %mul3A_1 : i32
    %mul3A_3 = arith.constant 32 : i32
    %mul3A_4 = arith.muli %arg0, %mul3A_3 : i32
    %add3A = arith.constant 0 : i32
    %add3A_5 = arith.addi %mul3A_4, %add3A : i32
    %mul3A_6 = arith.constant 1792 : i32
    %mul3A_7 = arith.muli %add3A_5, %mul3A_6 : i32
    %mul3A_8 = arith.constant 8 : i32
    %mul3A_9 = arith.muli %arg1, %mul3A_8 : i32
    %dma_start3A = arith.constant 0 : i32
    %dma_start3A_10 = tpu.memref_slice %arg8[%mul3A_9, %dma_start3A] : memref<128x1792xf32, #tpu.memory_space<vmem_shared>> -> memref<8x1792xf32, #tpu.memory_space<vmem_shared>>
    %dma_start3A_11 = tpu.memref_slice %arg3[%mul3A_2, %mul3A_7] : memref<128x114688xf32, #tpu.memory_space<hbm>> -> memref<8x1792xf32, #tpu.memory_space<hbm>>
    tpu.enqueue_dma source(%dma_start3A_11 : memref<8x1792xf32, #tpu.memory_space<hbm>>) target(%dma_start3A_10 : memref<8x1792xf32, #tpu.memory_space<vmem_shared>>) target_semaphore(%arg10 : memref<!tpu.dma_semaphore, #tpu.memory_space<semaphore_mem>>)
    %mul3A_12 = arith.constant 8 : i32
    %mul3A_13 = arith.muli %arg1, %mul3A_12 : i32
    %mul3A_14 = arith.constant 32 : i32
    %mul3A_15 = arith.muli %arg0, %mul3A_14 : i32
    %add3A_16 = arith.constant 1 : i32
    %add3A_17 = arith.addi %mul3A_15, %add3A_16 : i32
    %mul3A_18 = arith.constant 1792 : i32
    %mul3A_19 = arith.muli %add3A_17, %mul3A_18 : i32
    %mul3A_20 = arith.constant 8 : i32
    %mul3A_21 = arith.muli %arg1, %mul3A_20 : i32
    %dma_start3A_22 = arith.constant 0 : i32
    %dma_start3A_23 = tpu.memref_slice %arg9[%mul3A_21, %dma_start3A_22] : memref<128x1792xf32, #tpu.memory_space<vmem_shared>> -> memref<8x1792xf32, #tpu.memory_space<vmem_shared>>
    %dma_start3A_24 = tpu.memref_slice %arg3[%mul3A_13, %mul3A_19] : memref<128x114688xf32, #tpu.memory_space<hbm>> -> memref<8x1792xf32, #tpu.memory_space<hbm>>
    tpu.enqueue_dma source(%dma_start3A_24 : memref<8x1792xf32, #tpu.memory_space<hbm>>) target(%dma_start3A_23 : memref<8x1792xf32, #tpu.memory_space<vmem_shared>>) target_semaphore(%arg11 : memref<!tpu.dma_semaphore, #tpu.memory_space<semaphore_mem>>)
    %jit3A = arith.constant 4 : i32
    %div3A = arith.divsi %arg1, %jit3A : i32
    %sign3A = arith.constant 0 : i32
    %sign3A_25 = arith.cmpi sgt, %arg1, %sign3A : i32
    %sign3A_26 = arith.extui %sign3A_25 : i1 to i32
    %sign3A_27 = arith.constant 0 : i32
    %sign3A_28 = arith.cmpi slt, %arg1, %sign3A_27 : i32
    %sign3A_29 = arith.extui %sign3A_28 : i1 to i32
    %sign3A_30 = arith.subi %sign3A_26, %sign3A_29 : i32
    %sign3A_31 = arith.constant 0 : i32
    %sign3A_32 = arith.cmpi sgt, %jit3A, %sign3A_31 : i32
    %sign3A_33 = arith.extui %sign3A_32 : i1 to i32
    %sign3A_34 = arith.constant 0 : i32
    %sign3A_35 = arith.cmpi slt, %jit3A, %sign3A_34 : i32
    %sign3A_36 = arith.extui %sign3A_35 : i1 to i32
    %sign3A_37 = arith.subi %sign3A_33, %sign3A_36 : i32
    %ne3A = arith.cmpi ne, %sign3A_30, %sign3A_37 : i32
    %rem3A = arith.remsi %arg1, %jit3A : i32
    %ne3A_38 = arith.constant 0 : i32
    %ne3A_39 = arith.cmpi ne, %rem3A, %ne3A_38 : i32
    %and3A = arith.andi %ne3A, %ne3A_39 : i1
    %sub3A = arith.constant 1 : i32
    %sub3A_40 = arith.subi %div3A, %sub3A : i32
    %select_n3A = arith.select %and3A, %sub3A_40, %div3A : i32
    %jit3A_41 = arith.constant 4 : i32
    %eq3A = arith.constant 0 : i32
    %eq3A_42 = arith.cmpi eq, %jit3A_41, %eq3A : i32
    %jit3A_43 = arith.constant 1 : i32
    %select_n3A_44 = arith.select %eq3A_42, %jit3A_43, %jit3A_41 : i32
    %rem3A_45 = arith.remsi %arg1, %select_n3A_44 : i32
    %ne3A_46 = arith.constant 0 : i32
    %ne3A_47 = arith.cmpi ne, %rem3A_45, %ne3A_46 : i32
    %lt3A = arith.constant 0 : i32
    %lt3A_48 = arith.cmpi slt, %rem3A_45, %lt3A : i32
    %lt3A_49 = arith.constant 0 : i32
    %lt3A_50 = arith.cmpi slt, %select_n3A_44, %lt3A_49 : i32
    %ne3A_51 = arith.xori %lt3A_48, %lt3A_50 : i1
    %and3A_52 = arith.andi %ne3A_51, %ne3A_47 : i1
    %add3A_53 = arith.addi %rem3A_45, %select_n3A_44 : i32
    %select_n3A_54 = arith.select %and3A_52, %add3A_53, %rem3A_45 : i32
    %mul3A_55 = arith.constant 32 : i32
    %mul3A_56 = arith.muli %select_n3A_54, %mul3A_55 : i32
    "tpu.region"() ({
      %run_scoped3A = tpu.sem_alloc : memref<!tpu.dma_semaphore, #tpu.memory_space<semaphore_mem>>
      %dma_start3A_175 = tpu.memref_slice %arg2[%select_n3A, %mul3A_56] : memref<4x128xi32, #tpu.memory_space<hbm>> -> memref<1x32xi32, #tpu.memory_space<hbm>>
      %dma_start3A_176 = tpu.memref_squeeze %dma_start3A_175 : memref<1x32xi32, #tpu.memory_space<hbm>> -> memref<32xi32, #tpu.memory_space<hbm>>
      %dma_start3A_177 = tpu.memref_slice %arg2[%select_n3A, %mul3A_56] : memref<4x128xi32, #tpu.memory_space<hbm>> -> memref<1x32xi32, #tpu.memory_space<hbm>>
      %dma_start3A_178 = tpu.memref_squeeze %dma_start3A_177 : memref<1x32xi32, #tpu.memory_space<hbm>> -> memref<32xi32, #tpu.memory_space<hbm>>
      tpu.enqueue_dma source(%dma_start3A_178 : memref<32xi32, #tpu.memory_space<hbm>>) target(%arg5 : memref<32xi32, #tpu.memory_space<vmem>>) target_semaphore(%run_scoped3A : memref<!tpu.dma_semaphore, #tpu.memory_space<semaphore_mem>>)
      %dma_wait3A_179 = tpu.memref_slice %arg2[%select_n3A, %mul3A_56] : memref<4x128xi32, #tpu.memory_space<hbm>> -> memref<1x32xi32, #tpu.memory_space<hbm>>
      %dma_wait3A_180 = tpu.memref_squeeze %dma_wait3A_179 : memref<1x32xi32, #tpu.memory_space<hbm>> -> memref<32xi32, #tpu.memory_space<hbm>>
      %dma_wait3A_181 = tpu.memref_slice %arg2[%select_n3A, %mul3A_56] : memref<4x128xi32, #tpu.memory_space<hbm>> -> memref<1x32xi32, #tpu.memory_space<hbm>>
      %dma_wait3A_182 = tpu.memref_squeeze %dma_wait3A_181 : memref<1x32xi32, #tpu.memory_space<hbm>> -> memref<32xi32, #tpu.memory_space<hbm>>
      tpu.wait_dma2 semaphore(%run_scoped3A : memref<!tpu.dma_semaphore, #tpu.memory_space<semaphore_mem>>) src(%dma_wait3A_182 : memref<32xi32, #tpu.memory_space<hbm>>) dst(%arg5 : memref<32xi32, #tpu.memory_space<vmem>>)
      tpu.yield
    }) : () -> ()
    %get3A = arith.constant 0 : index
    %get3A_57 = tpu.vector_load %arg5[%get3A] {strides = array<i32>} : memref<32xi32, #tpu.memory_space<vmem>>, vector<16xi32>,
    %get3A_58 = vector.shape_cast %get3A_57 : vector<16xi32> to vector<16xi32>
    %get3A_59 = arith.constant 16 : index
    %get3A_60 = tpu.vector_load %arg5[%get3A_59] {strides = array<i32>} : memref<32xi32, #tpu.memory_space<vmem>>, vector<16xi32>,
    %get3A_61 = vector.shape_cast %get3A_60 : vector<16xi32> to vector<16xi32>
    %slice3A = vector.extract_strided_slice %get3A_58 {offsets = [0], sizes = [1], strides = [1]} : vector<16xi32> to vector<1xi32>
    %squeeze3A = vector.extract %slice3A[0] : i32 from vector<1xi32>
    %slice3A_62 = vector.extract_strided_slice %get3A_58 {offsets = [1], sizes = [1], strides = [1]} : vector<16xi32> to vector<1xi32>
    %squeeze3A_63 = vector.extract %slice3A_62[0] : i32 from vector<1xi32>
    %slice3A_64 = vector.extract_strided_slice %get3A_58 {offsets = [2], sizes = [1], strides = [1]} : vector<16xi32> to vector<1xi32>
    %squeeze3A_65 = vector.extract %slice3A_64[0] : i32 from vector<1xi32>
    %slice3A_66 = vector.extract_strided_slice %get3A_58 {offsets = [3], sizes = [1], strides = [1]} : vector<16xi32> to vector<1xi32>
    %squeeze3A_67 = vector.extract %slice3A_66[0] : i32 from vector<1xi32>
    %slice3A_68 = vector.extract_strided_slice %get3A_58 {offsets = [4], sizes = [1], strides = [1]} : vector<16xi32> to vector<1xi32>
    %squeeze3A_69 = vector.extract %slice3A_68[0] : i32 from vector<1xi32>
    %slice3A_70 = vector.extract_strided_slice %get3A_58 {offsets = [5], sizes = [1], strides = [1]} : vector<16xi32> to vector<1xi32>
    %squeeze3A_71 = vector.extract %slice3A_70[0] : i32 from vector<1xi32>
    %slice3A_72 = vector.extract_strided_slice %get3A_58 {offsets = [6], sizes = [1], strides = [1]} : vector<16xi32> to vector<1xi32>
    %squeeze3A_73 = vector.extract %slice3A_72[0] : i32 from vector<1xi32>
    %slice3A_74 = vector.extract_strided_slice %get3A_58 {offsets = [7], sizes = [1], strides = [1]} : vector<16xi32> to vector<1xi32>
    %squeeze3A_75 = vector.extract %slice3A_74[0] : i32 from vector<1xi32>
    %slice3A_76 = vector.extract_strided_slice %get3A_58 {offsets = [8], sizes = [1], strides = [1]} : vector<16xi32> to vector<1xi32>
    %squeeze3A_77 = vector.extract %slice3A_76[0] : i32 from vector<1xi32>
    %slice3A_78 = vector.extract_strided_slice %get3A_58 {offsets = [9], sizes = [1], strides = [1]} : vector<16xi32> to vector<1xi32>
    %squeeze3A_79 = vector.extract %slice3A_78[0] : i32 from vector<1xi32>
    %slice3A_80 = vector.extract_strided_slice %get3A_58 {offsets = [10], sizes = [1], strides = [1]} : vector<16xi32> to vector<1xi32>
    %squeeze3A_81 = vector.extract %slice3A_80[0] : i32 from vector<1xi32>
    %slice3A_82 = vector.extract_strided_slice %get3A_58 {offsets = [11], sizes = [1], strides = [1]} : vector<16xi32> to vector<1xi32>
    %squeeze3A_83 = vector.extract %slice3A_82[0] : i32 from vector<1xi32>
    %slice3A_84 = vector.extract_strided_slice %get3A_58 {offsets = [12], sizes = [1], strides = [1]} : vector<16xi32> to vector<1xi32>
    %squeeze3A_85 = vector.extract %slice3A_84[0] : i32 from vector<1xi32>
    %slice3A_86 = vector.extract_strided_slice %get3A_58 {offsets = [13], sizes = [1], strides = [1]} : vector<16xi32> to vector<1xi32>
    %squeeze3A_87 = vector.extract %slice3A_86[0] : i32 from vector<1xi32>
    %slice3A_88 = vector.extract_strided_slice %get3A_58 {offsets = [14], sizes = [1], strides = [1]} : vector<16xi32> to vector<1xi32>
    %squeeze3A_89 = vector.extract %slice3A_88[0] : i32 from vector<1xi32>
    %slice3A_90 = vector.extract_strided_slice %get3A_58 {offsets = [15], sizes = [1], strides = [1]} : vector<16xi32> to vector<1xi32>
    %squeeze3A_91 = vector.extract %slice3A_90[0] : i32 from vector<1xi32>
    %slice3A_92 = vector.extract_strided_slice %get3A_61 {offsets = [0], sizes = [1], strides = [1]} : vector<16xi32> to vector<1xi32>
    %squeeze3A_93 = vector.extract %slice3A_92[0] : i32 from vector<1xi32>
    %slice3A_94 = vector.extract_strided_slice %get3A_61 {offsets = [1], sizes = [1], strides = [1]} : vector<16xi32> to vector<1xi32>
    %squeeze3A_95 = vector.extract %slice3A_94[0] : i32 from vector<1xi32>
    %slice3A_96 = vector.extract_strided_slice %get3A_61 {offsets = [2], sizes = [1], strides = [1]} : vector<16xi32> to vector<1xi32>
    %squeeze3A_97 = vector.extract %slice3A_96[0] : i32 from vector<1xi32>
    %slice3A_98 = vector.extract_strided_slice %get3A_61 {offsets = [3], sizes = [1], strides = [1]} : vector<16xi32> to vector<1xi32>
    %squeeze3A_99 = vector.extract %slice3A_98[0] : i32 from vector<1xi32>
    %slice3A_100 = vector.extract_strided_slice %get3A_61 {offsets = [4], sizes = [1], strides = [1]} : vector<16xi32> to vector<1xi32>
    %squeeze3A_101 = vector.extract %slice3A_100[0] : i32 from vector<1xi32>
    %slice3A_102 = vector.extract_strided_slice %get3A_61 {offsets = [5], sizes = [1], strides = [1]} : vector<16xi32> to vector<1xi32>
    %squeeze3A_103 = vector.extract %slice3A_102[0] : i32 from vector<1xi32>
    %slice3A_104 = vector.extract_strided_slice %get3A_61 {offsets = [6], sizes = [1], strides = [1]} : vector<16xi32> to vector<1xi32>
    %squeeze3A_105 = vector.extract %slice3A_104[0] : i32 from vector<1xi32>
    %slice3A_106 = vector.extract_strided_slice %get3A_61 {offsets = [7], sizes = [1], strides = [1]} : vector<16xi32> to vector<1xi32>
    %squeeze3A_107 = vector.extract %slice3A_106[0] : i32 from vector<1xi32>
    %slice3A_108 = vector.extract_strided_slice %get3A_61 {offsets = [8], sizes = [1], strides = [1]} : vector<16xi32> to vector<1xi32>
    %squeeze3A_109 = vector.extract %slice3A_108[0] : i32 from vector<1xi32>
    %slice3A_110 = vector.extract_strided_slice %get3A_61 {offsets = [9], sizes = [1], strides = [1]} : vector<16xi32> to vector<1xi32>
    %squeeze3A_111 = vector.extract %slice3A_110[0] : i32 from vector<1xi32>
    %slice3A_112 = vector.extract_strided_slice %get3A_61 {offsets = [10], sizes = [1], strides = [1]} : vector<16xi32> to vector<1xi32>
    %squeeze3A_113 = vector.extract %slice3A_112[0] : i32 from vector<1xi32>
    %slice3A_114 = vector.extract_strided_slice %get3A_61 {offsets = [11], sizes = [1], strides = [1]} : vector<16xi32> to vector<1xi32>
    %squeeze3A_115 = vector.extract %slice3A_114[0] : i32 from vector<1xi32>
    %slice3A_116 = vector.extract_strided_slice %get3A_61 {offsets = [12], sizes = [1], strides = [1]} : vector<16xi32> to vector<1xi32>
    %squeeze3A_117 = vector.extract %slice3A_116[0] : i32 from vector<1xi32>
    %slice3A_118 = vector.extract_strided_slice %get3A_61 {offsets = [13], sizes = [1], strides = [1]} : vector<16xi32> to vector<1xi32>
    %squeeze3A_119 = vector.extract %slice3A_118[0] : i32 from vector<1xi32>
    %slice3A_120 = vector.extract_strided_slice %get3A_61 {offsets = [14], sizes = [1], strides = [1]} : vector<16xi32> to vector<1xi32>
    %squeeze3A_121 = vector.extract %slice3A_120[0] : i32 from vector<1xi32>
    %slice3A_122 = vector.extract_strided_slice %get3A_61 {offsets = [15], sizes = [1], strides = [1]} : vector<16xi32> to vector<1xi32>
    %squeeze3A_123 = vector.extract %slice3A_122[0] : i32 from vector<1xi32>
    %scan3A = arith.constant 0 : i32
    %scan3A_124 = arith.constant 21 : i32
    %scan3A_125 = arith.constant 0 : i32
    %scan3A_126 = arith.constant 11 : i32
    %scan3A_127 = arith.addi %scan3A_125, %scan3A_126 : i32
    %scan3A_128 = arith.constant 1 : i32
    scf.for %scan3A_175 = %scan3A_125 to %scan3A_127 step %scan3A_128  : i32 {
      %mul3A_176 = arith.constant 2 : i32
      %mul3A_177 = arith.muli %mul3A_176, %scan3A_175 : i32
      %mul3A_178 = arith.constant 2 : i32
      %mul3A_179 = arith.muli %mul3A_178, %scan3A_175 : i32
      %add3A_180 = arith.constant 1 : i32
      %add3A_181 = arith.addi %mul3A_179, %add3A_180 : i32
      %mul3A_182 = arith.constant 8 : i32
      %mul3A_183 = arith.muli %arg1, %mul3A_182 : i32
      %mul3A_184 = arith.constant 32 : i32
      %mul3A_185 = arith.muli %arg0, %mul3A_184 : i32
      %add3A_186 = arith.addi %mul3A_185, %mul3A_177 : i32
      %mul3A_187 = arith.constant 1792 : i32
      %mul3A_188 = arith.muli %add3A_186, %mul3A_187 : i32
      %mul3A_189 = arith.constant 8 : i32
      %mul3A_190 = arith.muli %arg1, %mul3A_189 : i32
      %dma_wait3A_191 = arith.constant 0 : i32
      %dma_wait3A_192 = tpu.memref_slice %arg8[%mul3A_190, %dma_wait3A_191] : memref<128x1792xf32, #tpu.memory_space<vmem_shared>> -> memref<8x1792xf32, #tpu.memory_space<vmem_shared>>
      %dma_wait3A_193 = tpu.memref_slice %arg3[%mul3A_183, %mul3A_188] : memref<128x114688xf32, #tpu.memory_space<hbm>> -> memref<8x1792xf32, #tpu.memory_space<hbm>>
      tpu.wait_dma2 semaphore(%arg10 : memref<!tpu.dma_semaphore, #tpu.memory_space<semaphore_mem>>) src(%dma_wait3A_193 : memref<8x1792xf32, #tpu.memory_space<hbm>>) dst(%dma_wait3A_192 : memref<8x1792xf32, #tpu.memory_space<vmem_shared>>)
      %barrier3A = arith.constant 0 : index
      tpu.barrier barrier_id(%barrier3A)
      %add3A_194 = arith.constant 0 : i32
      %add3A_195 = arith.addi %mul3A_0, %add3A_194 : i32
      %mul3A_196 = arith.constant 32 : i32
      %mul3A_197 = arith.muli %arg0, %mul3A_196 : i32
      %add3A_198 = arith.addi %mul3A_197, %mul3A_177 : i32
      %mul3A_199 = arith.constant 1792 : i32
      %mul3A_200 = arith.muli %add3A_198, %mul3A_199 : i32
      %add3A_201 = arith.constant 1 : i32
      %add3A_202 = arith.addi %mul3A_0, %add3A_201 : i32
      %mul3A_203 = arith.constant 32 : i32
      %mul3A_204 = arith.muli %arg0, %mul3A_203 : i32
      %add3A_205 = arith.addi %mul3A_204, %mul3A_177 : i32
      %mul3A_206 = arith.constant 1792 : i32
      %mul3A_207 = arith.muli %add3A_205, %mul3A_206 : i32
      %add3A_208 = arith.constant 2 : i32
      %add3A_209 = arith.addi %mul3A_0, %add3A_208 : i32
      %mul3A_210 = arith.constant 32 : i32
      %mul3A_211 = arith.muli %arg0, %mul3A_210 : i32
      %add3A_212 = arith.addi %mul3A_211, %mul3A_177 : i32
      %mul3A_213 = arith.constant 1792 : i32
      %mul3A_214 = arith.muli %add3A_212, %mul3A_213 : i32
      %add3A_215 = arith.constant 3 : i32
      %add3A_216 = arith.addi %mul3A_0, %add3A_215 : i32
      %mul3A_217 = arith.constant 32 : i32
      %mul3A_218 = arith.muli %arg0, %mul3A_217 : i32
      %add3A_219 = arith.addi %mul3A_218, %mul3A_177 : i32
      %mul3A_220 = arith.constant 1792 : i32
      %mul3A_221 = arith.muli %add3A_219, %mul3A_220 : i32
      %add3A_222 = arith.constant 4 : i32
      %add3A_223 = arith.addi %mul3A_0, %add3A_222 : i32
      %mul3A_224 = arith.constant 32 : i32
      %mul3A_225 = arith.muli %arg0, %mul3A_224 : i32
      %add3A_226 = arith.addi %mul3A_225, %mul3A_177 : i32
      %mul3A_227 = arith.constant 1792 : i32
      %mul3A_228 = arith.muli %add3A_226, %mul3A_227 : i32
      %add3A_229 = arith.constant 5 : i32
      %add3A_230 = arith.addi %mul3A_0, %add3A_229 : i32
      %mul3A_231 = arith.constant 32 : i32
      %mul3A_232 = arith.muli %arg0, %mul3A_231 : i32
      %add3A_233 = arith.addi %mul3A_232, %mul3A_177 : i32
      %mul3A_234 = arith.constant 1792 : i32
      %mul3A_235 = arith.muli %add3A_233, %mul3A_234 : i32
      %add3A_236 = arith.constant 6 : i32
      %add3A_237 = arith.addi %mul3A_0, %add3A_236 : i32
      %mul3A_238 = arith.constant 32 : i32
      %mul3A_239 = arith.muli %arg0, %mul3A_238 : i32
      %add3A_240 = arith.addi %mul3A_239, %mul3A_177 : i32
      %mul3A_241 = arith.constant 1792 : i32
      %mul3A_242 = arith.muli %add3A_240, %mul3A_241 : i32
      %add3A_243 = arith.constant 7 : i32
      %add3A_244 = arith.addi %mul3A_0, %add3A_243 : i32
      %mul3A_245 = arith.constant 32 : i32
      %mul3A_246 = arith.muli %arg0, %mul3A_245 : i32
      %add3A_247 = arith.addi %mul3A_246, %mul3A_177 : i32
      %mul3A_248 = arith.constant 1792 : i32
      %mul3A_249 = arith.muli %add3A_247, %mul3A_248 : i32
      %add3A_250 = arith.constant 8 : i32
      %add3A_251 = arith.addi %mul3A_0, %add3A_250 : i32
      %mul3A_252 = arith.constant 32 : i32
      %mul3A_253 = arith.muli %arg0, %mul3A_252 : i32
      %add3A_254 = arith.addi %mul3A_253, %mul3A_177 : i32
      %mul3A_255 = arith.constant 1792 : i32
      %mul3A_256 = arith.muli %add3A_254, %mul3A_255 : i32
      %add3A_257 = arith.constant 9 : i32
      %add3A_258 = arith.addi %mul3A_0, %add3A_257 : i32
      %mul3A_259 = arith.constant 32 : i32
      %mul3A_260 = arith.muli %arg0, %mul3A_259 : i32
      %add3A_261 = arith.addi %mul3A_260, %mul3A_177 : i32
      %mul3A_262 = arith.constant 1792 : i32
      %mul3A_263 = arith.muli %add3A_261, %mul3A_262 : i32
      %add3A_264 = arith.constant 10 : i32
      %add3A_265 = arith.addi %mul3A_0, %add3A_264 : i32
      %mul3A_266 = arith.constant 32 : i32
      %mul3A_267 = arith.muli %arg0, %mul3A_266 : i32
      %add3A_268 = arith.addi %mul3A_267, %mul3A_177 : i32
      %mul3A_269 = arith.constant 1792 : i32
      %mul3A_270 = arith.muli %add3A_268, %mul3A_269 : i32
      %add3A_271 = arith.constant 11 : i32
      %add3A_272 = arith.addi %mul3A_0, %add3A_271 : i32
      %mul3A_273 = arith.constant 32 : i32
      %mul3A_274 = arith.muli %arg0, %mul3A_273 : i32
      %add3A_275 = arith.addi %mul3A_274, %mul3A_177 : i32
      %mul3A_276 = arith.constant 1792 : i32
      %mul3A_277 = arith.muli %add3A_275, %mul3A_276 : i32
      %add3A_278 = arith.constant 12 : i32
      %add3A_279 = arith.addi %mul3A_0, %add3A_278 : i32
      %mul3A_280 = arith.constant 32 : i32
      %mul3A_281 = arith.muli %arg0, %mul3A_280 : i32
      %add3A_282 = arith.addi %mul3A_281, %mul3A_177 : i32
      %mul3A_283 = arith.constant 1792 : i32
      %mul3A_284 = arith.muli %add3A_282, %mul3A_283 : i32
      %add3A_285 = arith.constant 13 : i32
      %add3A_286 = arith.addi %mul3A_0, %add3A_285 : i32
      %mul3A_287 = arith.constant 32 : i32
      %mul3A_288 = arith.muli %arg0, %mul3A_287 : i32
      %add3A_289 = arith.addi %mul3A_288, %mul3A_177 : i32
      %mul3A_290 = arith.constant 1792 : i32
      %mul3A_291 = arith.muli %add3A_289, %mul3A_290 : i32
      %add3A_292 = arith.constant 14 : i32
      %add3A_293 = arith.addi %mul3A_0, %add3A_292 : i32
      %mul3A_294 = arith.constant 32 : i32
      %mul3A_295 = arith.muli %arg0, %mul3A_294 : i32
      %add3A_296 = arith.addi %mul3A_295, %mul3A_177 : i32
      %mul3A_297 = arith.constant 1792 : i32
      %mul3A_298 = arith.muli %add3A_296, %mul3A_297 : i32
      %add3A_299 = arith.constant 15 : i32
      %add3A_300 = arith.addi %mul3A_0, %add3A_299 : i32
      %mul3A_301 = arith.constant 32 : i32
      %mul3A_302 = arith.muli %arg0, %mul3A_301 : i32
      %add3A_303 = arith.addi %mul3A_302, %mul3A_177 : i32
      %mul3A_304 = arith.constant 1792 : i32
      %mul3A_305 = arith.muli %add3A_303, %mul3A_304 : i32
      %add3A_306 = arith.constant 16 : i32
      %add3A_307 = arith.addi %mul3A_0, %add3A_306 : i32
      %mul3A_308 = arith.constant 32 : i32
      %mul3A_309 = arith.muli %arg0, %mul3A_308 : i32
      %add3A_310 = arith.addi %mul3A_309, %mul3A_177 : i32
      %mul3A_311 = arith.constant 1792 : i32
      %mul3A_312 = arith.muli %add3A_310, %mul3A_311 : i32
      %add3A_313 = arith.constant 17 : i32
      %add3A_314 = arith.addi %mul3A_0, %add3A_313 : i32
      %mul3A_315 = arith.constant 32 : i32
      %mul3A_316 = arith.muli %arg0, %mul3A_315 : i32
      %add3A_317 = arith.addi %mul3A_316, %mul3A_177 : i32
      %mul3A_318 = arith.constant 1792 : i32
      %mul3A_319 = arith.muli %add3A_317, %mul3A_318 : i32
      %add3A_320 = arith.constant 18 : i32
      %add3A_321 = arith.addi %mul3A_0, %add3A_320 : i32
      %mul3A_322 = arith.constant 32 : i32
      %mul3A_323 = arith.muli %arg0, %mul3A_322 : i32
      %add3A_324 = arith.addi %mul3A_323, %mul3A_177 : i32
      %mul3A_325 = arith.constant 1792 : i32
      %mul3A_326 = arith.muli %add3A_324, %mul3A_325 : i32
      %add3A_327 = arith.constant 19 : i32
      %add3A_328 = arith.addi %mul3A_0, %add3A_327 : i32
      %mul3A_329 = arith.constant 32 : i32
      %mul3A_330 = arith.muli %arg0, %mul3A_329 : i32
      %add3A_331 = arith.addi %mul3A_330, %mul3A_177 : i32
      %mul3A_332 = arith.constant 1792 : i32
      %mul3A_333 = arith.muli %add3A_331, %mul3A_332 : i32
      %add3A_334 = arith.constant 20 : i32
      %add3A_335 = arith.addi %mul3A_0, %add3A_334 : i32
      %mul3A_336 = arith.constant 32 : i32
      %mul3A_337 = arith.muli %arg0, %mul3A_336 : i32
      %add3A_338 = arith.addi %mul3A_337, %mul3A_177 : i32
      %mul3A_339 = arith.constant 1792 : i32
      %mul3A_340 = arith.muli %add3A_338, %mul3A_339 : i32
      %add3A_341 = arith.constant 21 : i32
      %add3A_342 = arith.addi %mul3A_0, %add3A_341 : i32
      %mul3A_343 = arith.constant 32 : i32
      %mul3A_344 = arith.muli %arg0, %mul3A_343 : i32
      %add3A_345 = arith.addi %mul3A_344, %mul3A_177 : i32
      %mul3A_346 = arith.constant 1792 : i32
      %mul3A_347 = arith.muli %add3A_345, %mul3A_346 : i32
      %add3A_348 = arith.constant 22 : i32
      %add3A_349 = arith.addi %mul3A_0, %add3A_348 : i32
      %mul3A_350 = arith.constant 32 : i32
      %mul3A_351 = arith.muli %arg0, %mul3A_350 : i32
      %add3A_352 = arith.addi %mul3A_351, %mul3A_177 : i32
      %mul3A_353 = arith.constant 1792 : i32
      %mul3A_354 = arith.muli %add3A_352, %mul3A_353 : i32
      %add3A_355 = arith.constant 23 : i32
      %add3A_356 = arith.addi %mul3A_0, %add3A_355 : i32
      %mul3A_357 = arith.constant 32 : i32
      %mul3A_358 = arith.muli %arg0, %mul3A_357 : i32
      %add3A_359 = arith.addi %mul3A_358, %mul3A_177 : i32
      %mul3A_360 = arith.constant 1792 : i32
      %mul3A_361 = arith.muli %add3A_359, %mul3A_360 : i32
      %add3A_362 = arith.constant 24 : i32
      %add3A_363 = arith.addi %mul3A_0, %add3A_362 : i32
      %mul3A_364 = arith.constant 32 : i32
      %mul3A_365 = arith.muli %arg0, %mul3A_364 : i32
      %add3A_366 = arith.addi %mul3A_365, %mul3A_177 : i32
      %mul3A_367 = arith.constant 1792 : i32
      %mul3A_368 = arith.muli %add3A_366, %mul3A_367 : i32
      %add3A_369 = arith.constant 25 : i32
      %add3A_370 = arith.addi %mul3A_0, %add3A_369 : i32
      %mul3A_371 = arith.constant 32 : i32
      %mul3A_372 = arith.muli %arg0, %mul3A_371 : i32
      %add3A_373 = arith.addi %mul3A_372, %mul3A_177 : i32
      %mul3A_374 = arith.constant 1792 : i32
      %mul3A_375 = arith.muli %add3A_373, %mul3A_374 : i32
      %add3A_376 = arith.constant 26 : i32
      %add3A_377 = arith.addi %mul3A_0, %add3A_376 : i32
      %mul3A_378 = arith.constant 32 : i32
      %mul3A_379 = arith.muli %arg0, %mul3A_378 : i32
      %add3A_380 = arith.addi %mul3A_379, %mul3A_177 : i32
      %mul3A_381 = arith.constant 1792 : i32
      %mul3A_382 = arith.muli %add3A_380, %mul3A_381 : i32
      %add3A_383 = arith.constant 27 : i32
      %add3A_384 = arith.addi %mul3A_0, %add3A_383 : i32
      %mul3A_385 = arith.constant 32 : i32
      %mul3A_386 = arith.muli %arg0, %mul3A_385 : i32
      %add3A_387 = arith.addi %mul3A_386, %mul3A_177 : i32
      %mul3A_388 = arith.constant 1792 : i32
      %mul3A_389 = arith.muli %add3A_387, %mul3A_388 : i32
      %add3A_390 = arith.constant 28 : i32
      %add3A_391 = arith.addi %mul3A_0, %add3A_390 : i32
      %mul3A_392 = arith.constant 32 : i32
      %mul3A_393 = arith.muli %arg0, %mul3A_392 : i32
      %add3A_394 = arith.addi %mul3A_393, %mul3A_177 : i32
      %mul3A_395 = arith.constant 1792 : i32
      %mul3A_396 = arith.muli %add3A_394, %mul3A_395 : i32
      %add3A_397 = arith.constant 29 : i32
      %add3A_398 = arith.addi %mul3A_0, %add3A_397 : i32
      %mul3A_399 = arith.constant 32 : i32
      %mul3A_400 = arith.muli %arg0, %mul3A_399 : i32
      %add3A_401 = arith.addi %mul3A_400, %mul3A_177 : i32
      %mul3A_402 = arith.constant 1792 : i32
      %mul3A_403 = arith.muli %add3A_401, %mul3A_402 : i32
      %add3A_404 = arith.constant 30 : i32
      %add3A_405 = arith.addi %mul3A_0, %add3A_404 : i32
      %mul3A_406 = arith.constant 32 : i32
      %mul3A_407 = arith.muli %arg0, %mul3A_406 : i32
      %add3A_408 = arith.addi %mul3A_407, %mul3A_177 : i32
      %mul3A_409 = arith.constant 1792 : i32
      %mul3A_410 = arith.muli %add3A_408, %mul3A_409 : i32
      %add3A_411 = arith.constant 31 : i32
      %add3A_412 = arith.addi %mul3A_0, %add3A_411 : i32
      %mul3A_413 = arith.constant 32 : i32
      %mul3A_414 = arith.muli %arg0, %mul3A_413 : i32
      %add3A_415 = arith.addi %mul3A_414, %mul3A_177 : i32
      %mul3A_416 = arith.constant 1792 : i32
      %mul3A_417 = arith.muli %add3A_415, %mul3A_416 : i32
      %dma_start3A_418 = tpu.memref_slice %arg4[%add3A_195, %mul3A_200] : memref<512x114688xf32, #tpu.memory_space<hbm>> -> memref<1x1792xf32, #tpu.memory_space<hbm>>
      %dma_start3A_419 = tpu.memref_squeeze %dma_start3A_418 : memref<1x1792xf32, #tpu.memory_space<hbm>> -> memref<1792xf32, #tpu.memory_space<hbm>>
      %dma_start3A_420 = arith.constant 0 : i32
      %dma_start3A_421 = tpu.memref_slice %arg8[%squeeze3A, %dma_start3A_420] : memref<128x1792xf32, #tpu.memory_space<vmem_shared>> -> memref<1x1792xf32, #tpu.memory_space<vmem_shared>>
      %dma_start3A_422 = tpu.memref_squeeze %dma_start3A_421 : memref<1x1792xf32, #tpu.memory_space<vmem_shared>> -> memref<1792xf32, #tpu.memory_space<vmem_shared>>
      tpu.enqueue_dma source(%dma_start3A_422 : memref<1792xf32, #tpu.memory_space<vmem_shared>>) target(%dma_start3A_419 : memref<1792xf32, #tpu.memory_space<hbm>>) target_semaphore(%arg12 : memref<!tpu.dma_semaphore, #tpu.memory_space<semaphore_mem>>)
      %dma_start3A_423 = tpu.memref_slice %arg4[%add3A_202, %mul3A_207] : memref<512x114688xf32, #tpu.memory_space<hbm>> -> memref<1x1792xf32, #tpu.memory_space<hbm>>
      %dma_start3A_424 = tpu.memref_squeeze %dma_start3A_423 : memref<1x1792xf32, #tpu.memory_space<hbm>> -> memref<1792xf32, #tpu.memory_space<hbm>>
      %dma_start3A_425 = arith.constant 0 : i32
      %dma_start3A_426 = tpu.memref_slice %arg8[%squeeze3A_63, %dma_start3A_425] : memref<128x1792xf32, #tpu.memory_space<vmem_shared>> -> memref<1x1792xf32, #tpu.memory_space<vmem_shared>>
      %dma_start3A_427 = tpu.memref_squeeze %dma_start3A_426 : memref<1x1792xf32, #tpu.memory_space<vmem_shared>> -> memref<1792xf32, #tpu.memory_space<vmem_shared>>
      tpu.enqueue_dma source(%dma_start3A_427 : memref<1792xf32, #tpu.memory_space<vmem_shared>>) target(%dma_start3A_424 : memref<1792xf32, #tpu.memory_space<hbm>>) target_semaphore(%arg12 : memref<!tpu.dma_semaphore, #tpu.memory_space<semaphore_mem>>)
      %dma_start3A_428 = tpu.memref_slice %arg4[%add3A_209, %mul3A_214] : memref<512x114688xf32, #tpu.memory_space<hbm>> -> memref<1x1792xf32, #tpu.memory_space<hbm>>
      %dma_start3A_429 = tpu.memref_squeeze %dma_start3A_428 : memref<1x1792xf32, #tpu.memory_space<hbm>> -> memref<1792xf32, #tpu.memory_space<hbm>>
      %dma_start3A_430 = arith.constant 0 : i32
      %dma_start3A_431 = tpu.memref_slice %arg8[%squeeze3A_65, %dma_start3A_430] : memref<128x1792xf32, #tpu.memory_space<vmem_shared>> -> memref<1x1792xf32, #tpu.memory_space<vmem_shared>>
      %dma_start3A_432 = tpu.memref_squeeze %dma_start3A_431 : memref<1x1792xf32, #tpu.memory_space<vmem_shared>> -> memref<1792xf32, #tpu.memory_space<vmem_shared>>
      tpu.enqueue_dma source(%dma_start3A_432 : memref<1792xf32, #tpu.memory_space<vmem_shared>>) target(%dma_start3A_429 : memref<1792xf32, #tpu.memory_space<hbm>>) target_semaphore(%arg12 : memref<!tpu.dma_semaphore, #tpu.memory_space<semaphore_mem>>)
      %dma_start3A_433 = tpu.memref_slice %arg4[%add3A_216, %mul3A_221] : memref<512x114688xf32, #tpu.memory_space<hbm>> -> memref<1x1792xf32, #tpu.memory_space<hbm>>
      %dma_start3A_434 = tpu.memref_squeeze %dma_start3A_433 : memref<1x1792xf32, #tpu.memory_space<hbm>> -> memref<1792xf32, #tpu.memory_space<hbm>>
      %dma_start3A_435 = arith.constant 0 : i32
      %dma_start3A_436 = tpu.memref_slice %arg8[%squeeze3A_67, %dma_start3A_435] : memref<128x1792xf32, #tpu.memory_space<vmem_shared>> -> memref<1x1792xf32, #tpu.memory_space<vmem_shared>>
      %dma_start3A_437 = tpu.memref_squeeze %dma_start3A_436 : memref<1x1792xf32, #tpu.memory_space<vmem_shared>> -> memref<1792xf32, #tpu.memory_space<vmem_shared>>
      tpu.enqueue_dma source(%dma_start3A_437 : memref<1792xf32, #tpu.memory_space<vmem_shared>>) target(%dma_start3A_434 : memref<1792xf32, #tpu.memory_space<hbm>>) target_semaphore(%arg12 : memref<!tpu.dma_semaphore, #tpu.memory_space<semaphore_mem>>)
      %dma_start3A_438 = tpu.memref_slice %arg4[%add3A_223, %mul3A_228] : memref<512x114688xf32, #tpu.memory_space<hbm>> -> memref<1x1792xf32, #tpu.memory_space<hbm>>
      %dma_start3A_439 = tpu.memref_squeeze %dma_start3A_438 : memref<1x1792xf32, #tpu.memory_space<hbm>> -> memref<1792xf32, #tpu.memory_space<hbm>>
      %dma_start3A_440 = arith.constant 0 : i32
      %dma_start3A_441 = tpu.memref_slice %arg8[%squeeze3A_69, %dma_start3A_440] : memref<128x1792xf32, #tpu.memory_space<vmem_shared>> -> memref<1x1792xf32, #tpu.memory_space<vmem_shared>>
      %dma_start3A_442 = tpu.memref_squeeze %dma_start3A_441 : memref<1x1792xf32, #tpu.memory_space<vmem_shared>> -> memref<1792xf32, #tpu.memory_space<vmem_shared>>
      tpu.enqueue_dma source(%dma_start3A_442 : memref<1792xf32, #tpu.memory_space<vmem_shared>>) target(%dma_start3A_439 : memref<1792xf32, #tpu.memory_space<hbm>>) target_semaphore(%arg12 : memref<!tpu.dma_semaphore, #tpu.memory_space<semaphore_mem>>)
      %dma_start3A_443 = tpu.memref_slice %arg4[%add3A_230, %mul3A_235] : memref<512x114688xf32, #tpu.memory_space<hbm>> -> memref<1x1792xf32, #tpu.memory_space<hbm>>
      %dma_start3A_444 = tpu.memref_squeeze %dma_start3A_443 : memref<1x1792xf32, #tpu.memory_space<hbm>> -> memref<1792xf32, #tpu.memory_space<hbm>>
      %dma_start3A_445 = arith.constant 0 : i32
      %dma_start3A_446 = tpu.memref_slice %arg8[%squeeze3A_71, %dma_start3A_445] : memref<128x1792xf32, #tpu.memory_space<vmem_shared>> -> memref<1x1792xf32, #tpu.memory_space<vmem_shared>>
      %dma_start3A_447 = tpu.memref_squeeze %dma_start3A_446 : memref<1x1792xf32, #tpu.memory_space<vmem_shared>> -> memref<1792xf32, #tpu.memory_space<vmem_shared>>
      tpu.enqueue_dma source(%dma_start3A_447 : memref<1792xf32, #tpu.memory_space<vmem_shared>>) target(%dma_start3A_444 : memref<1792xf32, #tpu.memory_space<hbm>>) target_semaphore(%arg12 : memref<!tpu.dma_semaphore, #tpu.memory_space<semaphore_mem>>)
      %dma_start3A_448 = tpu.memref_slice %arg4[%add3A_237, %mul3A_242] : memref<512x114688xf32, #tpu.memory_space<hbm>> -> memref<1x1792xf32, #tpu.memory_space<hbm>>
      %dma_start3A_449 = tpu.memref_squeeze %dma_start3A_448 : memref<1x1792xf32, #tpu.memory_space<hbm>> -> memref<1792xf32, #tpu.memory_space<hbm>>
      %dma_start3A_450 = arith.constant 0 : i32
      %dma_start3A_451 = tpu.memref_slice %arg8[%squeeze3A_73, %dma_start3A_450] : memref<128x1792xf32, #tpu.memory_space<vmem_shared>> -> memref<1x1792xf32, #tpu.memory_space<vmem_shared>>
      %dma_start3A_452 = tpu.memref_squeeze %dma_start3A_451 : memref<1x1792xf32, #tpu.memory_space<vmem_shared>> -> memref<1792xf32, #tpu.memory_space<vmem_shared>>
      tpu.enqueue_dma source(%dma_start3A_452 : memref<1792xf32, #tpu.memory_space<vmem_shared>>) target(%dma_start3A_449 : memref<1792xf32, #tpu.memory_space<hbm>>) target_semaphore(%arg12 : memref<!tpu.dma_semaphore, #tpu.memory_space<semaphore_mem>>)
      %dma_start3A_453 = tpu.memref_slice %arg4[%add3A_244, %mul3A_249] : memref<512x114688xf32, #tpu.memory_space<hbm>> -> memref<1x1792xf32, #tpu.memory_space<hbm>>
      %dma_start3A_454 = tpu.memref_squeeze %dma_start3A_453 : memref<1x1792xf32, #tpu.memory_space<hbm>> -> memref<1792xf32, #tpu.memory_space<hbm>>
      %dma_start3A_455 = arith.constant 0 : i32
      %dma_start3A_456 = tpu.memref_slice %arg8[%squeeze3A_75, %dma_start3A_455] : memref<128x1792xf32, #tpu.memory_space<vmem_shared>> -> memref<1x1792xf32, #tpu.memory_space<vmem_shared>>
      %dma_start3A_457 = tpu.memref_squeeze %dma_start3A_456 : memref<1x1792xf32, #tpu.memory_space<vmem_shared>> -> memref<1792xf32, #tpu.memory_space<vmem_shared>>
      tpu.enqueue_dma source(%dma_start3A_457 : memref<1792xf32, #tpu.memory_space<vmem_shared>>) target(%dma_start3A_454 : memref<1792xf32, #tpu.memory_space<hbm>>) target_semaphore(%arg12 : memref<!tpu.dma_semaphore, #tpu.memory_space<semaphore_mem>>)
      %dma_start3A_458 = tpu.memref_slice %arg4[%add3A_251, %mul3A_256] : memref<512x114688xf32, #tpu.memory_space<hbm>> -> memref<1x1792xf32, #tpu.memory_space<hbm>>
      %dma_start3A_459 = tpu.memref_squeeze %dma_start3A_458 : memref<1x1792xf32, #tpu.memory_space<hbm>> -> memref<1792xf32, #tpu.memory_space<hbm>>
      %dma_start3A_460 = arith.constant 0 : i32
      %dma_start3A_461 = tpu.memref_slice %arg8[%squeeze3A_77, %dma_start3A_460] : memref<128x1792xf32, #tpu.memory_space<vmem_shared>> -> memref<1x1792xf32, #tpu.memory_space<vmem_shared>>
      %dma_start3A_462 = tpu.memref_squeeze %dma_start3A_461 : memref<1x1792xf32, #tpu.memory_space<vmem_shared>> -> memref<1792xf32, #tpu.memory_space<vmem_shared>>
      tpu.enqueue_dma source(%dma_start3A_462 : memref<1792xf32, #tpu.memory_space<vmem_shared>>) target(%dma_start3A_459 : memref<1792xf32, #tpu.memory_space<hbm>>) target_semaphore(%arg12 : memref<!tpu.dma_semaphore, #tpu.memory_space<semaphore_mem>>)
      %dma_start3A_463 = tpu.memref_slice %arg4[%add3A_258, %mul3A_263] : memref<512x114688xf32, #tpu.memory_space<hbm>> -> memref<1x1792xf32, #tpu.memory_space<hbm>>
      %dma_start3A_464 = tpu.memref_squeeze %dma_start3A_463 : memref<1x1792xf32, #tpu.memory_space<hbm>> -> memref<1792xf32, #tpu.memory_space<hbm>>
      %dma_start3A_465 = arith.constant 0 : i32
      %dma_start3A_466 = tpu.memref_slice %arg8[%squeeze3A_79, %dma_start3A_465] : memref<128x1792xf32, #tpu.memory_space<vmem_shared>> -> memref<1x1792xf32, #tpu.memory_space<vmem_shared>>
      %dma_start3A_467 = tpu.memref_squeeze %dma_start3A_466 : memref<1x1792xf32, #tpu.memory_space<vmem_shared>> -> memref<1792xf32, #tpu.memory_space<vmem_shared>>
      tpu.enqueue_dma source(%dma_start3A_467 : memref<1792xf32, #tpu.memory_space<vmem_shared>>) target(%dma_start3A_464 : memref<1792xf32, #tpu.memory_space<hbm>>) target_semaphore(%arg12 : memref<!tpu.dma_semaphore, #tpu.memory_space<semaphore_mem>>)
      %dma_start3A_468 = tpu.memref_slice %arg4[%add3A_265, %mul3A_270] : memref<512x114688xf32, #tpu.memory_space<hbm>> -> memref<1x1792xf32, #tpu.memory_space<hbm>>
      %dma_start3A_469 = tpu.memref_squeeze %dma_start3A_468 : memref<1x1792xf32, #tpu.memory_space<hbm>> -> memref<1792xf32, #tpu.memory_space<hbm>>
      %dma_start3A_470 = arith.constant 0 : i32
      %dma_start3A_471 = tpu.memref_slice %arg8[%squeeze3A_81, %dma_start3A_470] : memref<128x1792xf32, #tpu.memory_space<vmem_shared>> -> memref<1x1792xf32, #tpu.memory_space<vmem_shared>>
      %dma_start3A_472 = tpu.memref_squeeze %dma_start3A_471 : memref<1x1792xf32, #tpu.memory_space<vmem_shared>> -> memref<1792xf32, #tpu.memory_space<vmem_shared>>
      tpu.enqueue_dma source(%dma_start3A_472 : memref<1792xf32, #tpu.memory_space<vmem_shared>>) target(%dma_start3A_469 : memref<1792xf32, #tpu.memory_space<hbm>>) target_semaphore(%arg12 : memref<!tpu.dma_semaphore, #tpu.memory_space<semaphore_mem>>)
      %dma_start3A_473 = tpu.memref_slice %arg4[%add3A_272, %mul3A_277] : memref<512x114688xf32, #tpu.memory_space<hbm>> -> memref<1x1792xf32, #tpu.memory_space<hbm>>
      %dma_start3A_474 = tpu.memref_squeeze %dma_start3A_473 : memref<1x1792xf32, #tpu.memory_space<hbm>> -> memref<1792xf32, #tpu.memory_space<hbm>>
      %dma_start3A_475 = arith.constant 0 : i32
      %dma_start3A_476 = tpu.memref_slice %arg8[%squeeze3A_83, %dma_start3A_475] : memref<128x1792xf32, #tpu.memory_space<vmem_shared>> -> memref<1x1792xf32, #tpu.memory_space<vmem_shared>>
      %dma_start3A_477 = tpu.memref_squeeze %dma_start3A_476 : memref<1x1792xf32, #tpu.memory_space<vmem_shared>> -> memref<1792xf32, #tpu.memory_space<vmem_shared>>
      tpu.enqueue_dma source(%dma_start3A_477 : memref<1792xf32, #tpu.memory_space<vmem_shared>>) target(%dma_start3A_474 : memref<1792xf32, #tpu.memory_space<hbm>>) target_semaphore(%arg12 : memref<!tpu.dma_semaphore, #tpu.memory_space<semaphore_mem>>)
      %dma_start3A_478 = tpu.memref_slice %arg4[%add3A_279, %mul3A_284] : memref<512x114688xf32, #tpu.memory_space<hbm>> -> memref<1x1792xf32, #tpu.memory_space<hbm>>
      %dma_start3A_479 = tpu.memref_squeeze %dma_start3A_478 : memref<1x1792xf32, #tpu.memory_space<hbm>> -> memref<1792xf32, #tpu.memory_space<hbm>>
      %dma_start3A_480 = arith.constant 0 : i32
      %dma_start3A_481 = tpu.memref_slice %arg8[%squeeze3A_85, %dma_start3A_480] : memref<128x1792xf32, #tpu.memory_space<vmem_shared>> -> memref<1x1792xf32, #tpu.memory_space<vmem_shared>>
      %dma_start3A_482 = tpu.memref_squeeze %dma_start3A_481 : memref<1x1792xf32, #tpu.memory_space<vmem_shared>> -> memref<1792xf32, #tpu.memory_space<vmem_shared>>
      tpu.enqueue_dma source(%dma_start3A_482 : memref<1792xf32, #tpu.memory_space<vmem_shared>>) target(%dma_start3A_479 : memref<1792xf32, #tpu.memory_space<hbm>>) target_semaphore(%arg12 : memref<!tpu.dma_semaphore, #tpu.memory_space<semaphore_mem>>)
      %dma_start3A_483 = tpu.memref_slice %arg4[%add3A_286, %mul3A_291] : memref<512x114688xf32, #tpu.memory_space<hbm>> -> memref<1x1792xf32, #tpu.memory_space<hbm>>
      %dma_start3A_484 = tpu.memref_squeeze %dma_start3A_483 : memref<1x1792xf32, #tpu.memory_space<hbm>> -> memref<1792xf32, #tpu.memory_space<hbm>>
      %dma_start3A_485 = arith.constant 0 : i32
      %dma_start3A_486 = tpu.memref_slice %arg8[%squeeze3A_87, %dma_start3A_485] : memref<128x1792xf32, #tpu.memory_space<vmem_shared>> -> memref<1x1792xf32, #tpu.memory_space<vmem_shared>>
      %dma_start3A_487 = tpu.memref_squeeze %dma_start3A_486 : memref<1x1792xf32, #tpu.memory_space<vmem_shared>> -> memref<1792xf32, #tpu.memory_space<vmem_shared>>
      tpu.enqueue_dma source(%dma_start3A_487 : memref<1792xf32, #tpu.memory_space<vmem_shared>>) target(%dma_start3A_484 : memref<1792xf32, #tpu.memory_space<hbm>>) target_semaphore(%arg12 : memref<!tpu.dma_semaphore, #tpu.memory_space<semaphore_mem>>)
      %dma_start3A_488 = tpu.memref_slice %arg4[%add3A_293, %mul3A_298] : memref<512x114688xf32, #tpu.memory_space<hbm>> -> memref<1x1792xf32, #tpu.memory_space<hbm>>
      %dma_start3A_489 = tpu.memref_squeeze %dma_start3A_488 : memref<1x1792xf32, #tpu.memory_space<hbm>> -> memref<1792xf32, #tpu.memory_space<hbm>>
      %dma_start3A_490 = arith.constant 0 : i32
      %dma_start3A_491 = tpu.memref_slice %arg8[%squeeze3A_89, %dma_start3A_490] : memref<128x1792xf32, #tpu.memory_space<vmem_shared>> -> memref<1x1792xf32, #tpu.memory_space<vmem_shared>>
      %dma_start3A_492 = tpu.memref_squeeze %dma_start3A_491 : memref<1x1792xf32, #tpu.memory_space<vmem_shared>> -> memref<1792xf32, #tpu.memory_space<vmem_shared>>
      tpu.enqueue_dma source(%dma_start3A_492 : memref<1792xf32, #tpu.memory_space<vmem_shared>>) target(%dma_start3A_489 : memref<1792xf32, #tpu.memory_space<hbm>>) target_semaphore(%arg12 : memref<!tpu.dma_semaphore, #tpu.memory_space<semaphore_mem>>)
      %dma_start3A_493 = tpu.memref_slice %arg4[%add3A_300, %mul3A_305] : memref<512x114688xf32, #tpu.memory_space<hbm>> -> memref<1x1792xf32, #tpu.memory_space<hbm>>
      %dma_start3A_494 = tpu.memref_squeeze %dma_start3A_493 : memref<1x1792xf32, #tpu.memory_space<hbm>> -> memref<1792xf32, #tpu.memory_space<hbm>>
      %dma_start3A_495 = arith.constant 0 : i32
      %dma_start3A_496 = tpu.memref_slice %arg8[%squeeze3A_91, %dma_start3A_495] : memref<128x1792xf32, #tpu.memory_space<vmem_shared>> -> memref<1x1792xf32, #tpu.memory_space<vmem_shared>>
      %dma_start3A_497 = tpu.memref_squeeze %dma_start3A_496 : memref<1x1792xf32, #tpu.memory_space<vmem_shared>> -> memref<1792xf32, #tpu.memory_space<vmem_shared>>
      tpu.enqueue_dma source(%dma_start3A_497 : memref<1792xf32, #tpu.memory_space<vmem_shared>>) target(%dma_start3A_494 : memref<1792xf32, #tpu.memory_space<hbm>>) target_semaphore(%arg12 : memref<!tpu.dma_semaphore, #tpu.memory_space<semaphore_mem>>)
      %dma_start3A_498 = tpu.memref_slice %arg4[%add3A_307, %mul3A_312] : memref<512x114688xf32, #tpu.memory_space<hbm>> -> memref<1x1792xf32, #tpu.memory_space<hbm>>
      %dma_start3A_499 = tpu.memref_squeeze %dma_start3A_498 : memref<1x1792xf32, #tpu.memory_space<hbm>> -> memref<1792xf32, #tpu.memory_space<hbm>>
      %dma_start3A_500 = arith.constant 0 : i32
      %dma_start3A_501 = tpu.memref_slice %arg8[%squeeze3A_93, %dma_start3A_500] : memref<128x1792xf32, #tpu.memory_space<vmem_shared>> -> memref<1x1792xf32, #tpu.memory_space<vmem_shared>>
      %dma_start3A_502 = tpu.memref_squeeze %dma_start3A_501 : memref<1x1792xf32, #tpu.memory_space<vmem_shared>> -> memref<1792xf32, #tpu.memory_space<vmem_shared>>
      tpu.enqueue_dma source(%dma_start3A_502 : memref<1792xf32, #tpu.memory_space<vmem_shared>>) target(%dma_start3A_499 : memref<1792xf32, #tpu.memory_space<hbm>>) target_semaphore(%arg12 : memref<!tpu.dma_semaphore, #tpu.memory_space<semaphore_mem>>)
      %dma_start3A_503 = tpu.memref_slice %arg4[%add3A_314, %mul3A_319] : memref<512x114688xf32, #tpu.memory_space<hbm>> -> memref<1x1792xf32, #tpu.memory_space<hbm>>
      %dma_start3A_504 = tpu.memref_squeeze %dma_start3A_503 : memref<1x1792xf32, #tpu.memory_space<hbm>> -> memref<1792xf32, #tpu.memory_space<hbm>>
      %dma_start3A_505 = arith.constant 0 : i32
      %dma_start3A_506 = tpu.memref_slice %arg8[%squeeze3A_95, %dma_start3A_505] : memref<128x1792xf32, #tpu.memory_space<vmem_shared>> -> memref<1x1792xf32, #tpu.memory_space<vmem_shared>>
      %dma_start3A_507 = tpu.memref_squeeze %dma_start3A_506 : memref<1x1792xf32, #tpu.memory_space<vmem_shared>> -> memref<1792xf32, #tpu.memory_space<vmem_shared>>
      tpu.enqueue_dma source(%dma_start3A_507 : memref<1792xf32, #tpu.memory_space<vmem_shared>>) target(%dma_start3A_504 : memref<1792xf32, #tpu.memory_space<hbm>>) target_semaphore(%arg12 : memref<!tpu.dma_semaphore, #tpu.memory_space<semaphore_mem>>)
      %dma_start3A_508 = tpu.memref_slice %arg4[%add3A_321, %mul3A_326] : memref<512x114688xf32, #tpu.memory_space<hbm>> -> memref<1x1792xf32, #tpu.memory_space<hbm>>
      %dma_start3A_509 = tpu.memref_squeeze %dma_start3A_508 : memref<1x1792xf32, #tpu.memory_space<hbm>> -> memref<1792xf32, #tpu.memory_space<hbm>>
      %dma_start3A_510 = arith.constant 0 : i32
      %dma_start3A_511 = tpu.memref_slice %arg8[%squeeze3A_97, %dma_start3A_510] : memref<128x1792xf32, #tpu.memory_space<vmem_shared>> -> memref<1x1792xf32, #tpu.memory_space<vmem_shared>>
      %dma_start3A_512 = tpu.memref_squeeze %dma_start3A_511 : memref<1x1792xf32, #tpu.memory_space<vmem_shared>> -> memref<1792xf32, #tpu.memory_space<vmem_shared>>
      tpu.enqueue_dma source(%dma_start3A_512 : memref<1792xf32, #tpu.memory_space<vmem_shared>>) target(%dma_start3A_509 : memref<1792xf32, #tpu.memory_space<hbm>>) target_semaphore(%arg12 : memref<!tpu.dma_semaphore, #tpu.memory_space<semaphore_mem>>)
      %dma_start3A_513 = tpu.memref_slice %arg4[%add3A_328, %mul3A_333] : memref<512x114688xf32, #tpu.memory_space<hbm>> -> memref<1x1792xf32, #tpu.memory_space<hbm>>
      %dma_start3A_514 = tpu.memref_squeeze %dma_start3A_513 : memref<1x1792xf32, #tpu.memory_space<hbm>> -> memref<1792xf32, #tpu.memory_space<hbm>>
      %dma_start3A_515 = arith.constant 0 : i32
      %dma_start3A_516 = tpu.memref_slice %arg8[%squeeze3A_99, %dma_start3A_515] : memref<128x1792xf32, #tpu.memory_space<vmem_shared>> -> memref<1x1792xf32, #tpu.memory_space<vmem_shared>>
      %dma_start3A_517 = tpu.memref_squeeze %dma_start3A_516 : memref<1x1792xf32, #tpu.memory_space<vmem_shared>> -> memref<1792xf32, #tpu.memory_space<vmem_shared>>
      tpu.enqueue_dma source(%dma_start3A_517 : memref<1792xf32, #tpu.memory_space<vmem_shared>>) target(%dma_start3A_514 : memref<1792xf32, #tpu.memory_space<hbm>>) target_semaphore(%arg12 : memref<!tpu.dma_semaphore, #tpu.memory_space<semaphore_mem>>)
      %dma_start3A_518 = tpu.memref_slice %arg4[%add3A_335, %mul3A_340] : memref<512x114688xf32, #tpu.memory_space<hbm>> -> memref<1x1792xf32, #tpu.memory_space<hbm>>
      %dma_start3A_519 = tpu.memref_squeeze %dma_start3A_518 : memref<1x1792xf32, #tpu.memory_space<hbm>> -> memref<1792xf32, #tpu.memory_space<hbm>>
      %dma_start3A_520 = arith.constant 0 : i32
      %dma_start3A_521 = tpu.memref_slice %arg8[%squeeze3A_101, %dma_start3A_520] : memref<128x1792xf32, #tpu.memory_space<vmem_shared>> -> memref<1x1792xf32, #tpu.memory_space<vmem_shared>>
      %dma_start3A_522 = tpu.memref_squeeze %dma_start3A_521 : memref<1x1792xf32, #tpu.memory_space<vmem_shared>> -> memref<1792xf32, #tpu.memory_space<vmem_shared>>
      tpu.enqueue_dma source(%dma_start3A_522 : memref<1792xf32, #tpu.memory_space<vmem_shared>>) target(%dma_start3A_519 : memref<1792xf32, #tpu.memory_space<hbm>>) target_semaphore(%arg12 : memref<!tpu.dma_semaphore, #tpu.memory_space<semaphore_mem>>)
      %dma_start3A_523 = tpu.memref_slice %arg4[%add3A_342, %mul3A_347] : memref<512x114688xf32, #tpu.memory_space<hbm>> -> memref<1x1792xf32, #tpu.memory_space<hbm>>
      %dma_start3A_524 = tpu.memref_squeeze %dma_start3A_523 : memref<1x1792xf32, #tpu.memory_space<hbm>> -> memref<1792xf32, #tpu.memory_space<hbm>>
      %dma_start3A_525 = arith.constant 0 : i32
      %dma_start3A_526 = tpu.memref_slice %arg8[%squeeze3A_103, %dma_start3A_525] : memref<128x1792xf32, #tpu.memory_space<vmem_shared>> -> memref<1x1792xf32, #tpu.memory_space<vmem_shared>>
      %dma_start3A_527 = tpu.memref_squeeze %dma_start3A_526 : memref<1x1792xf32, #tpu.memory_space<vmem_shared>> -> memref<1792xf32, #tpu.memory_space<vmem_shared>>
      tpu.enqueue_dma source(%dma_start3A_527 : memref<1792xf32, #tpu.memory_space<vmem_shared>>) target(%dma_start3A_524 : memref<1792xf32, #tpu.memory_space<hbm>>) target_semaphore(%arg12 : memref<!tpu.dma_semaphore, #tpu.memory_space<semaphore_mem>>)
      %dma_start3A_528 = tpu.memref_slice %arg4[%add3A_349, %mul3A_354] : memref<512x114688xf32, #tpu.memory_space<hbm>> -> memref<1x1792xf32, #tpu.memory_space<hbm>>
      %dma_start3A_529 = tpu.memref_squeeze %dma_start3A_528 : memref<1x1792xf32, #tpu.memory_space<hbm>> -> memref<1792xf32, #tpu.memory_space<hbm>>
      %dma_start3A_530 = arith.constant 0 : i32
      %dma_start3A_531 = tpu.memref_slice %arg8[%squeeze3A_105, %dma_start3A_530] : memref<128x1792xf32, #tpu.memory_space<vmem_shared>> -> memref<1x1792xf32, #tpu.memory_space<vmem_shared>>
      %dma_start3A_532 = tpu.memref_squeeze %dma_start3A_531 : memref<1x1792xf32, #tpu.memory_space<vmem_shared>> -> memref<1792xf32, #tpu.memory_space<vmem_shared>>
      tpu.enqueue_dma source(%dma_start3A_532 : memref<1792xf32, #tpu.memory_space<vmem_shared>>) target(%dma_start3A_529 : memref<1792xf32, #tpu.memory_space<hbm>>) target_semaphore(%arg12 : memref<!tpu.dma_semaphore, #tpu.memory_space<semaphore_mem>>)
      %dma_start3A_533 = tpu.memref_slice %arg4[%add3A_356, %mul3A_361] : memref<512x114688xf32, #tpu.memory_space<hbm>> -> memref<1x1792xf32, #tpu.memory_space<hbm>>
      %dma_start3A_534 = tpu.memref_squeeze %dma_start3A_533 : memref<1x1792xf32, #tpu.memory_space<hbm>> -> memref<1792xf32, #tpu.memory_space<hbm>>
      %dma_start3A_535 = arith.constant 0 : i32
      %dma_start3A_536 = tpu.memref_slice %arg8[%squeeze3A_107, %dma_start3A_535] : memref<128x1792xf32, #tpu.memory_space<vmem_shared>> -> memref<1x1792xf32, #tpu.memory_space<vmem_shared>>
      %dma_start3A_537 = tpu.memref_squeeze %dma_start3A_536 : memref<1x1792xf32, #tpu.memory_space<vmem_shared>> -> memref<1792xf32, #tpu.memory_space<vmem_shared>>
      tpu.enqueue_dma source(%dma_start3A_537 : memref<1792xf32, #tpu.memory_space<vmem_shared>>) target(%dma_start3A_534 : memref<1792xf32, #tpu.memory_space<hbm>>) target_semaphore(%arg12 : memref<!tpu.dma_semaphore, #tpu.memory_space<semaphore_mem>>)
      %dma_start3A_538 = tpu.memref_slice %arg4[%add3A_363, %mul3A_368] : memref<512x114688xf32, #tpu.memory_space<hbm>> -> memref<1x1792xf32, #tpu.memory_space<hbm>>
      %dma_start3A_539 = tpu.memref_squeeze %dma_start3A_538 : memref<1x1792xf32, #tpu.memory_space<hbm>> -> memref<1792xf32, #tpu.memory_space<hbm>>
      %dma_start3A_540 = arith.constant 0 : i32
      %dma_start3A_541 = tpu.memref_slice %arg8[%squeeze3A_109, %dma_start3A_540] : memref<128x1792xf32, #tpu.memory_space<vmem_shared>> -> memref<1x1792xf32, #tpu.memory_space<vmem_shared>>
      %dma_start3A_542 = tpu.memref_squeeze %dma_start3A_541 : memref<1x1792xf32, #tpu.memory_space<vmem_shared>> -> memref<1792xf32, #tpu.memory_space<vmem_shared>>
      tpu.enqueue_dma source(%dma_start3A_542 : memref<1792xf32, #tpu.memory_space<vmem_shared>>) target(%dma_start3A_539 : memref<1792xf32, #tpu.memory_space<hbm>>) target_semaphore(%arg12 : memref<!tpu.dma_semaphore, #tpu.memory_space<semaphore_mem>>)
      %dma_start3A_543 = tpu.memref_slice %arg4[%add3A_370, %mul3A_375] : memref<512x114688xf32, #tpu.memory_space<hbm>> -> memref<1x1792xf32, #tpu.memory_space<hbm>>
      %dma_start3A_544 = tpu.memref_squeeze %dma_start3A_543 : memref<1x1792xf32, #tpu.memory_space<hbm>> -> memref<1792xf32, #tpu.memory_space<hbm>>
      %dma_start3A_545 = arith.constant 0 : i32
      %dma_start3A_546 = tpu.memref_slice %arg8[%squeeze3A_111, %dma_start3A_545] : memref<128x1792xf32, #tpu.memory_space<vmem_shared>> -> memref<1x1792xf32, #tpu.memory_space<vmem_shared>>
      %dma_start3A_547 = tpu.memref_squeeze %dma_start3A_546 : memref<1x1792xf32, #tpu.memory_space<vmem_shared>> -> memref<1792xf32, #tpu.memory_space<vmem_shared>>
      tpu.enqueue_dma source(%dma_start3A_547 : memref<1792xf32, #tpu.memory_space<vmem_shared>>) target(%dma_start3A_544 : memref<1792xf32, #tpu.memory_space<hbm>>) target_semaphore(%arg12 : memref<!tpu.dma_semaphore, #tpu.memory_space<semaphore_mem>>)
      %dma_start3A_548 = tpu.memref_slice %arg4[%add3A_377, %mul3A_382] : memref<512x114688xf32, #tpu.memory_space<hbm>> -> memref<1x1792xf32, #tpu.memory_space<hbm>>
      %dma_start3A_549 = tpu.memref_squeeze %dma_start3A_548 : memref<1x1792xf32, #tpu.memory_space<hbm>> -> memref<1792xf32, #tpu.memory_space<hbm>>
      %dma_start3A_550 = arith.constant 0 : i32
      %dma_start3A_551 = tpu.memref_slice %arg8[%squeeze3A_113, %dma_start3A_550] : memref<128x1792xf32, #tpu.memory_space<vmem_shared>> -> memref<1x1792xf32, #tpu.memory_space<vmem_shared>>
      %dma_start3A_552 = tpu.memref_squeeze %dma_start3A_551 : memref<1x1792xf32, #tpu.memory_space<vmem_shared>> -> memref<1792xf32, #tpu.memory_space<vmem_shared>>
      tpu.enqueue_dma source(%dma_start3A_552 : memref<1792xf32, #tpu.memory_space<vmem_shared>>) target(%dma_start3A_549 : memref<1792xf32, #tpu.memory_space<hbm>>) target_semaphore(%arg12 : memref<!tpu.dma_semaphore, #tpu.memory_space<semaphore_mem>>)
      %dma_start3A_553 = tpu.memref_slice %arg4[%add3A_384, %mul3A_389] : memref<512x114688xf32, #tpu.memory_space<hbm>> -> memref<1x1792xf32, #tpu.memory_space<hbm>>
      %dma_start3A_554 = tpu.memref_squeeze %dma_start3A_553 : memref<1x1792xf32, #tpu.memory_space<hbm>> -> memref<1792xf32, #tpu.memory_space<hbm>>
      %dma_start3A_555 = arith.constant 0 : i32
      %dma_start3A_556 = tpu.memref_slice %arg8[%squeeze3A_115, %dma_start3A_555] : memref<128x1792xf32, #tpu.memory_space<vmem_shared>> -> memref<1x1792xf32, #tpu.memory_space<vmem_shared>>
      %dma_start3A_557 = tpu.memref_squeeze %dma_start3A_556 : memref<1x1792xf32, #tpu.memory_space<vmem_shared>> -> memref<1792xf32, #tpu.memory_space<vmem_shared>>
      tpu.enqueue_dma source(%dma_start3A_557 : memref<1792xf32, #tpu.memory_space<vmem_shared>>) target(%dma_start3A_554 : memref<1792xf32, #tpu.memory_space<hbm>>) target_semaphore(%arg12 : memref<!tpu.dma_semaphore, #tpu.memory_space<semaphore_mem>>)
      %dma_start3A_558 = tpu.memref_slice %arg4[%add3A_391, %mul3A_396] : memref<512x114688xf32, #tpu.memory_space<hbm>> -> memref<1x1792xf32, #tpu.memory_space<hbm>>
      %dma_start3A_559 = tpu.memref_squeeze %dma_start3A_558 : memref<1x1792xf32, #tpu.memory_space<hbm>> -> memref<1792xf32, #tpu.memory_space<hbm>>
      %dma_start3A_560 = arith.constant 0 : i32
      %dma_start3A_561 = tpu.memref_slice %arg8[%squeeze3A_117, %dma_start3A_560] : memref<128x1792xf32, #tpu.memory_space<vmem_shared>> -> memref<1x1792xf32, #tpu.memory_space<vmem_shared>>
      %dma_start3A_562 = tpu.memref_squeeze %dma_start3A_561 : memref<1x1792xf32, #tpu.memory_space<vmem_shared>> -> memref<1792xf32, #tpu.memory_space<vmem_shared>>
      tpu.enqueue_dma source(%dma_start3A_562 : memref<1792xf32, #tpu.memory_space<vmem_shared>>) target(%dma_start3A_559 : memref<1792xf32, #tpu.memory_space<hbm>>) target_semaphore(%arg12 : memref<!tpu.dma_semaphore, #tpu.memory_space<semaphore_mem>>)
      %dma_start3A_563 = tpu.memref_slice %arg4[%add3A_398, %mul3A_403] : memref<512x114688xf32, #tpu.memory_space<hbm>> -> memref<1x1792xf32, #tpu.memory_space<hbm>>
      %dma_start3A_564 = tpu.memref_squeeze %dma_start3A_563 : memref<1x1792xf32, #tpu.memory_space<hbm>> -> memref<1792xf32, #tpu.memory_space<hbm>>
      %dma_start3A_565 = arith.constant 0 : i32
      %dma_start3A_566 = tpu.memref_slice %arg8[%squeeze3A_119, %dma_start3A_565] : memref<128x1792xf32, #tpu.memory_space<vmem_shared>> -> memref<1x1792xf32, #tpu.memory_space<vmem_shared>>
      %dma_start3A_567 = tpu.memref_squeeze %dma_start3A_566 : memref<1x1792xf32, #tpu.memory_space<vmem_shared>> -> memref<1792xf32, #tpu.memory_space<vmem_shared>>
      tpu.enqueue_dma source(%dma_start3A_567 : memref<1792xf32, #tpu.memory_space<vmem_shared>>) target(%dma_start3A_564 : memref<1792xf32, #tpu.memory_space<hbm>>) target_semaphore(%arg12 : memref<!tpu.dma_semaphore, #tpu.memory_space<semaphore_mem>>)
      %dma_start3A_568 = tpu.memref_slice %arg4[%add3A_405, %mul3A_410] : memref<512x114688xf32, #tpu.memory_space<hbm>> -> memref<1x1792xf32, #tpu.memory_space<hbm>>
      %dma_start3A_569 = tpu.memref_squeeze %dma_start3A_568 : memref<1x1792xf32, #tpu.memory_space<hbm>> -> memref<1792xf32, #tpu.memory_space<hbm>>
      %dma_start3A_570 = arith.constant 0 : i32
      %dma_start3A_571 = tpu.memref_slice %arg8[%squeeze3A_121, %dma_start3A_570] : memref<128x1792xf32, #tpu.memory_space<vmem_shared>> -> memref<1x1792xf32, #tpu.memory_space<vmem_shared>>
      %dma_start3A_572 = tpu.memref_squeeze %dma_start3A_571 : memref<1x1792xf32, #tpu.memory_space<vmem_shared>> -> memref<1792xf32, #tpu.memory_space<vmem_shared>>
      tpu.enqueue_dma source(%dma_start3A_572 : memref<1792xf32, #tpu.memory_space<vmem_shared>>) target(%dma_start3A_569 : memref<1792xf32, #tpu.memory_space<hbm>>) target_semaphore(%arg12 : memref<!tpu.dma_semaphore, #tpu.memory_space<semaphore_mem>>)
      %dma_start3A_573 = tpu.memref_slice %arg4[%add3A_412, %mul3A_417] : memref<512x114688xf32, #tpu.memory_space<hbm>> -> memref<1x1792xf32, #tpu.memory_space<hbm>>
      %dma_start3A_574 = tpu.memref_squeeze %dma_start3A_573 : memref<1x1792xf32, #tpu.memory_space<hbm>> -> memref<1792xf32, #tpu.memory_space<hbm>>
      %dma_start3A_575 = arith.constant 0 : i32
      %dma_start3A_576 = tpu.memref_slice %arg8[%squeeze3A_123, %dma_start3A_575] : memref<128x1792xf32, #tpu.memory_space<vmem_shared>> -> memref<1x1792xf32, #tpu.memory_space<vmem_shared>>
      %dma_start3A_577 = tpu.memref_squeeze %dma_start3A_576 : memref<1x1792xf32, #tpu.memory_space<vmem_shared>> -> memref<1792xf32, #tpu.memory_space<vmem_shared>>
      tpu.enqueue_dma source(%dma_start3A_577 : memref<1792xf32, #tpu.memory_space<vmem_shared>>) target(%dma_start3A_574 : memref<1792xf32, #tpu.memory_space<hbm>>) target_semaphore(%arg12 : memref<!tpu.dma_semaphore, #tpu.memory_space<semaphore_mem>>)
      %add3A_578 = arith.constant 22 : i32
      %add3A_579 = arith.addi %add3A_578, %scan3A_175 : i32
      %gt3A = arith.constant 0 : i32
      %gt3A_580 = arith.cmpi sgt, %scan3A_175, %gt3A : i32
      %lt3A_581 = arith.constant 10 : i32
      %lt3A_582 = arith.cmpi slt, %scan3A_175, %lt3A_581 : i32
      %and3A_583 = arith.andi %gt3A_580, %lt3A_582 : i1
      %convert_element_type3A = arith.extui %and3A_583 : i1 to i32
      %cond3A = arith.constant 0 : i32
      %cond3A_584 = arith.cmpi ne, %convert_element_type3A, %cond3A : i32
      scf.if %cond3A_584 {
        %add3A_1353 = arith.constant 0 : i32
        %add3A_1354 = arith.addi %mul3A_0, %add3A_1353 : i32
        %mul3A_1355 = arith.constant 32 : i32
        %mul3A_1356 = arith.muli %arg0, %mul3A_1355 : i32
        %add3A_1357 = arith.addi %mul3A_1356, %add3A_579 : i32
        %mul3A_1358 = arith.constant 1792 : i32
        %mul3A_1359 = arith.muli %add3A_1357, %mul3A_1358 : i32
        %dma_wait3A_1360 = tpu.memref_slice %arg4[%add3A_1354, %mul3A_1359] : memref<512x114688xf32, #tpu.memory_space<hbm>> -> memref<16x1792xf32, #tpu.memory_space<hbm>>
        %dma_wait3A_1361 = tpu.memref_slice %arg4[%add3A_1354, %mul3A_1359] : memref<512x114688xf32, #tpu.memory_space<hbm>> -> memref<16x1792xf32, #tpu.memory_space<hbm>>
        tpu.wait_dma2 semaphore(%arg14 : memref<!tpu.dma_semaphore, #tpu.memory_space<semaphore_mem>>) src(%arg6 : memref<16x1792xf32, #tpu.memory_space<vmem>>) dst(%dma_wait3A_1361 : memref<16x1792xf32, #tpu.memory_space<hbm>>)
      } else {
      }
      %lt3A_585 = arith.constant 10 : i32
      %lt3A_586 = arith.cmpi slt, %scan3A_175, %lt3A_585 : i32
      %convert_element_type3A_587 = arith.extui %lt3A_586 : i1 to i32
      %cond3A_588 = arith.constant 0 : i32
      %cond3A_589 = arith.cmpi ne, %convert_element_type3A_587, %cond3A_588 : i32
      scf.if %cond3A_589 {
        %mul3A_1353 = arith.constant 32 : i32
        %mul3A_1354 = arith.muli %arg0, %mul3A_1353 : i32
        %add3A_1355 = arith.addi %mul3A_1354, %add3A_579 : i32
        %mul3A_1356 = arith.constant 1792 : i32
        %mul3A_1357 = arith.muli %add3A_1355, %mul3A_1356 : i32
        %dma_start3A_1358 = arith.constant 0 : i32
        %dma_start3A_1359 = tpu.memref_slice %arg3[%dma_start3A_1358, %mul3A_1357] : memref<128x114688xf32, #tpu.memory_space<hbm>> -> memref<128x1792xf32, #tpu.memory_space<hbm>>
        tpu.enqueue_indirect_dma source(%dma_start3A_1359 : memref<128x1792xf32, #tpu.memory_space<hbm>>) target(%arg6 : memref<16x1792xf32, #tpu.memory_space<vmem>>) offsets(%get3A_58 : vector<16xi32>) semaphore(%arg13 : memref<!tpu.dma_semaphore, #tpu.memory_space<semaphore_mem>>)
        %mul3A_1360 = arith.constant 32 : i32
        %mul3A_1361 = arith.muli %arg0, %mul3A_1360 : i32
        %add3A_1362 = arith.addi %mul3A_1361, %add3A_579 : i32
        %mul3A_1363 = arith.constant 1792 : i32
        %mul3A_1364 = arith.muli %add3A_1362, %mul3A_1363 : i32
        %dma_wait3A_1365 = arith.constant 0 : i32
        %dma_wait3A_1366 = tpu.memref_slice %arg3[%dma_wait3A_1365, %mul3A_1364] : memref<128x114688xf32, #tpu.memory_space<hbm>> -> memref<128x1792xf32, #tpu.memory_space<hbm>>
        tpu.wait_indirect_dma semaphore(%arg13 : memref<!tpu.dma_semaphore, #tpu.memory_space<semaphore_mem>>) src(%dma_wait3A_1366 : memref<128x1792xf32, #tpu.memory_space<hbm>>) dst(%arg6 : memref<16x1792xf32, #tpu.memory_space<vmem>>)
        %add3A_1367 = arith.constant 0 : i32
        %add3A_1368 = arith.addi %mul3A_0, %add3A_1367 : i32
        %mul3A_1369 = arith.constant 32 : i32
        %mul3A_1370 = arith.muli %arg0, %mul3A_1369 : i32
        %add3A_1371 = arith.addi %mul3A_1370, %add3A_579 : i32
        %mul3A_1372 = arith.constant 1792 : i32
        %mul3A_1373 = arith.muli %add3A_1371, %mul3A_1372 : i32
        %dma_start3A_1374 = tpu.memref_slice %arg4[%add3A_1368, %mul3A_1373] : memref<512x114688xf32, #tpu.memory_space<hbm>> -> memref<16x1792xf32, #tpu.memory_space<hbm>>
        %dma_start3A_1375 = tpu.memref_slice %arg4[%add3A_1368, %mul3A_1373] : memref<512x114688xf32, #tpu.memory_space<hbm>> -> memref<16x1792xf32, #tpu.memory_space<hbm>>
        tpu.enqueue_dma source(%arg6 : memref<16x1792xf32, #tpu.memory_space<vmem>>) target(%dma_start3A_1375 : memref<16x1792xf32, #tpu.memory_space<hbm>>) target_semaphore(%arg14 : memref<!tpu.dma_semaphore, #tpu.memory_space<semaphore_mem>>)
      } else {
      }
      %dma_wait3A_590 = tpu.memref_slice %arg4[%add3A_195, %mul3A_200] : memref<512x114688xf32, #tpu.memory_space<hbm>> -> memref<1x1792xf32, #tpu.memory_space<hbm>>
      %dma_wait3A_591 = tpu.memref_squeeze %dma_wait3A_590 : memref<1x1792xf32, #tpu.memory_space<hbm>> -> memref<1792xf32, #tpu.memory_space<hbm>>
      %dma_wait3A_592 = arith.constant 0 : i32
      %dma_wait3A_593 = tpu.memref_slice %arg8[%squeeze3A, %dma_wait3A_592] : memref<128x1792xf32, #tpu.memory_space<vmem_shared>> -> memref<1x1792xf32, #tpu.memory_space<vmem_shared>>
      %dma_wait3A_594 = tpu.memref_squeeze %dma_wait3A_593 : memref<1x1792xf32, #tpu.memory_space<vmem_shared>> -> memref<1792xf32, #tpu.memory_space<vmem_shared>>
      tpu.wait_dma2 semaphore(%arg12 : memref<!tpu.dma_semaphore, #tpu.memory_space<semaphore_mem>>) src(%dma_wait3A_594 : memref<1792xf32, #tpu.memory_space<vmem_shared>>) dst(%dma_wait3A_591 : memref<1792xf32, #tpu.memory_space<hbm>>)
      %dma_wait3A_595 = tpu.memref_slice %arg4[%add3A_202, %mul3A_207] : memref<512x114688xf32, #tpu.memory_space<hbm>> -> memref<1x1792xf32, #tpu.memory_space<hbm>>
      %dma_wait3A_596 = tpu.memref_squeeze %dma_wait3A_595 : memref<1x1792xf32, #tpu.memory_space<hbm>> -> memref<1792xf32, #tpu.memory_space<hbm>>
      %dma_wait3A_597 = arith.constant 0 : i32
      %dma_wait3A_598 = tpu.memref_slice %arg8[%squeeze3A_63, %dma_wait3A_597] : memref<128x1792xf32, #tpu.memory_space<vmem_shared>> -> memref<1x1792xf32, #tpu.memory_space<vmem_shared>>
      %dma_wait3A_599 = tpu.memref_squeeze %dma_wait3A_598 : memref<1x1792xf32, #tpu.memory_space<vmem_shared>> -> memref<1792xf32, #tpu.memory_space<vmem_shared>>
      tpu.wait_dma2 semaphore(%arg12 : memref<!tpu.dma_semaphore, #tpu.memory_space<semaphore_mem>>) src(%dma_wait3A_599 : memref<1792xf32, #tpu.memory_space<vmem_shared>>) dst(%dma_wait3A_596 : memref<1792xf32, #tpu.memory_space<hbm>>)
      %dma_wait3A_600 = tpu.memref_slice %arg4[%add3A_209, %mul3A_214] : memref<512x114688xf32, #tpu.memory_space<hbm>> -> memref<1x1792xf32, #tpu.memory_space<hbm>>
      %dma_wait3A_601 = tpu.memref_squeeze %dma_wait3A_600 : memref<1x1792xf32, #tpu.memory_space<hbm>> -> memref<1792xf32, #tpu.memory_space<hbm>>
      %dma_wait3A_602 = arith.constant 0 : i32
      %dma_wait3A_603 = tpu.memref_slice %arg8[%squeeze3A_65, %dma_wait3A_602] : memref<128x1792xf32, #tpu.memory_space<vmem_shared>> -> memref<1x1792xf32, #tpu.memory_space<vmem_shared>>
      %dma_wait3A_604 = tpu.memref_squeeze %dma_wait3A_603 : memref<1x1792xf32, #tpu.memory_space<vmem_shared>> -> memref<1792xf32, #tpu.memory_space<vmem_shared>>
      tpu.wait_dma2 semaphore(%arg12 : memref<!tpu.dma_semaphore, #tpu.memory_space<semaphore_mem>>) src(%dma_wait3A_604 : memref<1792xf32, #tpu.memory_space<vmem_shared>>) dst(%dma_wait3A_601 : memref<1792xf32, #tpu.memory_space<hbm>>)
      %dma_wait3A_605 = tpu.memref_slice %arg4[%add3A_216, %mul3A_221] : memref<512x114688xf32, #tpu.memory_space<hbm>> -> memref<1x1792xf32, #tpu.memory_space<hbm>>
      %dma_wait3A_606 = tpu.memref_squeeze %dma_wait3A_605 : memref<1x1792xf32, #tpu.memory_space<hbm>> -> memref<1792xf32, #tpu.memory_space<hbm>>
      %dma_wait3A_607 = arith.constant 0 : i32
      %dma_wait3A_608 = tpu.memref_slice %arg8[%squeeze3A_67, %dma_wait3A_607] : memref<128x1792xf32, #tpu.memory_space<vmem_shared>> -> memref<1x1792xf32, #tpu.memory_space<vmem_shared>>
      %dma_wait3A_609 = tpu.memref_squeeze %dma_wait3A_608 : memref<1x1792xf32, #tpu.memory_space<vmem_shared>> -> memref<1792xf32, #tpu.memory_space<vmem_shared>>
      tpu.wait_dma2 semaphore(%arg12 : memref<!tpu.dma_semaphore, #tpu.memory_space<semaphore_mem>>) src(%dma_wait3A_609 : memref<1792xf32, #tpu.memory_space<vmem_shared>>) dst(%dma_wait3A_606 : memref<1792xf32, #tpu.memory_space<hbm>>)
      %dma_wait3A_610 = tpu.memref_slice %arg4[%add3A_223, %mul3A_228] : memref<512x114688xf32, #tpu.memory_space<hbm>> -> memref<1x1792xf32, #tpu.memory_space<hbm>>
      %dma_wait3A_611 = tpu.memref_squeeze %dma_wait3A_610 : memref<1x1792xf32, #tpu.memory_space<hbm>> -> memref<1792xf32, #tpu.memory_space<hbm>>
      %dma_wait3A_612 = arith.constant 0 : i32
      %dma_wait3A_613 = tpu.memref_slice %arg8[%squeeze3A_69, %dma_wait3A_612] : memref<128x1792xf32, #tpu.memory_space<vmem_shared>> -> memref<1x1792xf32, #tpu.memory_space<vmem_shared>>
      %dma_wait3A_614 = tpu.memref_squeeze %dma_wait3A_613 : memref<1x1792xf32, #tpu.memory_space<vmem_shared>> -> memref<1792xf32, #tpu.memory_space<vmem_shared>>
      tpu.wait_dma2 semaphore(%arg12 : memref<!tpu.dma_semaphore, #tpu.memory_space<semaphore_mem>>) src(%dma_wait3A_614 : memref<1792xf32, #tpu.memory_space<vmem_shared>>) dst(%dma_wait3A_611 : memref<1792xf32, #tpu.memory_space<hbm>>)
      %dma_wait3A_615 = tpu.memref_slice %arg4[%add3A_230, %mul3A_235] : memref<512x114688xf32, #tpu.memory_space<hbm>> -> memref<1x1792xf32, #tpu.memory_space<hbm>>
      %dma_wait3A_616 = tpu.memref_squeeze %dma_wait3A_615 : memref<1x1792xf32, #tpu.memory_space<hbm>> -> memref<1792xf32, #tpu.memory_space<hbm>>
      %dma_wait3A_617 = arith.constant 0 : i32
      %dma_wait3A_618 = tpu.memref_slice %arg8[%squeeze3A_71, %dma_wait3A_617] : memref<128x1792xf32, #tpu.memory_space<vmem_shared>> -> memref<1x1792xf32, #tpu.memory_space<vmem_shared>>
      %dma_wait3A_619 = tpu.memref_squeeze %dma_wait3A_618 : memref<1x1792xf32, #tpu.memory_space<vmem_shared>> -> memref<1792xf32, #tpu.memory_space<vmem_shared>>
      tpu.wait_dma2 semaphore(%arg12 : memref<!tpu.dma_semaphore, #tpu.memory_space<semaphore_mem>>) src(%dma_wait3A_619 : memref<1792xf32, #tpu.memory_space<vmem_shared>>) dst(%dma_wait3A_616 : memref<1792xf32, #tpu.memory_space<hbm>>)
      %dma_wait3A_620 = tpu.memref_slice %arg4[%add3A_237, %mul3A_242] : memref<512x114688xf32, #tpu.memory_space<hbm>> -> memref<1x1792xf32, #tpu.memory_space<hbm>>
      %dma_wait3A_621 = tpu.memref_squeeze %dma_wait3A_620 : memref<1x1792xf32, #tpu.memory_space<hbm>> -> memref<1792xf32, #tpu.memory_space<hbm>>
      %dma_wait3A_622 = arith.constant 0 : i32
      %dma_wait3A_623 = tpu.memref_slice %arg8[%squeeze3A_73, %dma_wait3A_622] : memref<128x1792xf32, #tpu.memory_space<vmem_shared>> -> memref<1x1792xf32, #tpu.memory_space<vmem_shared>>
      %dma_wait3A_624 = tpu.memref_squeeze %dma_wait3A_623 : memref<1x1792xf32, #tpu.memory_space<vmem_shared>> -> memref<1792xf32, #tpu.memory_space<vmem_shared>>
      tpu.wait_dma2 semaphore(%arg12 : memref<!tpu.dma_semaphore, #tpu.memory_space<semaphore_mem>>) src(%dma_wait3A_624 : memref<1792xf32, #tpu.memory_space<vmem_shared>>) dst(%dma_wait3A_621 : memref<1792xf32, #tpu.memory_space<hbm>>)
      %dma_wait3A_625 = tpu.memref_slice %arg4[%add3A_244, %mul3A_249] : memref<512x114688xf32, #tpu.memory_space<hbm>> -> memref<1x1792xf32, #tpu.memory_space<hbm>>
      %dma_wait3A_626 = tpu.memref_squeeze %dma_wait3A_625 : memref<1x1792xf32, #tpu.memory_space<hbm>> -> memref<1792xf32, #tpu.memory_space<hbm>>
      %dma_wait3A_627 = arith.constant 0 : i32
      %dma_wait3A_628 = tpu.memref_slice %arg8[%squeeze3A_75, %dma_wait3A_627] : memref<128x1792xf32, #tpu.memory_space<vmem_shared>> -> memref<1x1792xf32, #tpu.memory_space<vmem_shared>>
      %dma_wait3A_629 = tpu.memref_squeeze %dma_wait3A_628 : memref<1x1792xf32, #tpu.memory_space<vmem_shared>> -> memref<1792xf32, #tpu.memory_space<vmem_shared>>
      tpu.wait_dma2 semaphore(%arg12 : memref<!tpu.dma_semaphore, #tpu.memory_space<semaphore_mem>>) src(%dma_wait3A_629 : memref<1792xf32, #tpu.memory_space<vmem_shared>>) dst(%dma_wait3A_626 : memref<1792xf32, #tpu.memory_space<hbm>>)
      %dma_wait3A_630 = tpu.memref_slice %arg4[%add3A_251, %mul3A_256] : memref<512x114688xf32, #tpu.memory_space<hbm>> -> memref<1x1792xf32, #tpu.memory_space<hbm>>
      %dma_wait3A_631 = tpu.memref_squeeze %dma_wait3A_630 : memref<1x1792xf32, #tpu.memory_space<hbm>> -> memref<1792xf32, #tpu.memory_space<hbm>>
      %dma_wait3A_632 = arith.constant 0 : i32
      %dma_wait3A_633 = tpu.memref_slice %arg8[%squeeze3A_77, %dma_wait3A_632] : memref<128x1792xf32, #tpu.memory_space<vmem_shared>> -> memref<1x1792xf32, #tpu.memory_space<vmem_shared>>
      %dma_wait3A_634 = tpu.memref_squeeze %dma_wait3A_633 : memref<1x1792xf32, #tpu.memory_space<vmem_shared>> -> memref<1792xf32, #tpu.memory_space<vmem_shared>>
      tpu.wait_dma2 semaphore(%arg12 : memref<!tpu.dma_semaphore, #tpu.memory_space<semaphore_mem>>) src(%dma_wait3A_634 : memref<1792xf32, #tpu.memory_space<vmem_shared>>) dst(%dma_wait3A_631 : memref<1792xf32, #tpu.memory_space<hbm>>)
      %dma_wait3A_635 = tpu.memref_slice %arg4[%add3A_258, %mul3A_263] : memref<512x114688xf32, #tpu.memory_space<hbm>> -> memref<1x1792xf32, #tpu.memory_space<hbm>>
      %dma_wait3A_636 = tpu.memref_squeeze %dma_wait3A_635 : memref<1x1792xf32, #tpu.memory_space<hbm>> -> memref<1792xf32, #tpu.memory_space<hbm>>
      %dma_wait3A_637 = arith.constant 0 : i32
      %dma_wait3A_638 = tpu.memref_slice %arg8[%squeeze3A_79, %dma_wait3A_637] : memref<128x1792xf32, #tpu.memory_space<vmem_shared>> -> memref<1x1792xf32, #tpu.memory_space<vmem_shared>>
      %dma_wait3A_639 = tpu.memref_squeeze %dma_wait3A_638 : memref<1x1792xf32, #tpu.memory_space<vmem_shared>> -> memref<1792xf32, #tpu.memory_space<vmem_shared>>
      tpu.wait_dma2 semaphore(%arg12 : memref<!tpu.dma_semaphore, #tpu.memory_space<semaphore_mem>>) src(%dma_wait3A_639 : memref<1792xf32, #tpu.memory_space<vmem_shared>>) dst(%dma_wait3A_636 : memref<1792xf32, #tpu.memory_space<hbm>>)
      %dma_wait3A_640 = tpu.memref_slice %arg4[%add3A_265, %mul3A_270] : memref<512x114688xf32, #tpu.memory_space<hbm>> -> memref<1x1792xf32, #tpu.memory_space<hbm>>
      %dma_wait3A_641 = tpu.memref_squeeze %dma_wait3A_640 : memref<1x1792xf32, #tpu.memory_space<hbm>> -> memref<1792xf32, #tpu.memory_space<hbm>>
      %dma_wait3A_642 = arith.constant 0 : i32
      %dma_wait3A_643 = tpu.memref_slice %arg8[%squeeze3A_81, %dma_wait3A_642] : memref<128x1792xf32, #tpu.memory_space<vmem_shared>> -> memref<1x1792xf32, #tpu.memory_space<vmem_shared>>
      %dma_wait3A_644 = tpu.memref_squeeze %dma_wait3A_643 : memref<1x1792xf32, #tpu.memory_space<vmem_shared>> -> memref<1792xf32, #tpu.memory_space<vmem_shared>>
      tpu.wait_dma2 semaphore(%arg12 : memref<!tpu.dma_semaphore, #tpu.memory_space<semaphore_mem>>) src(%dma_wait3A_644 : memref<1792xf32, #tpu.memory_space<vmem_shared>>) dst(%dma_wait3A_641 : memref<1792xf32, #tpu.memory_space<hbm>>)
      %dma_wait3A_645 = tpu.memref_slice %arg4[%add3A_272, %mul3A_277] : memref<512x114688xf32, #tpu.memory_space<hbm>> -> memref<1x1792xf32, #tpu.memory_space<hbm>>
      %dma_wait3A_646 = tpu.memref_squeeze %dma_wait3A_645 : memref<1x1792xf32, #tpu.memory_space<hbm>> -> memref<1792xf32, #tpu.memory_space<hbm>>
      %dma_wait3A_647 = arith.constant 0 : i32
      %dma_wait3A_648 = tpu.memref_slice %arg8[%squeeze3A_83, %dma_wait3A_647] : memref<128x1792xf32, #tpu.memory_space<vmem_shared>> -> memref<1x1792xf32, #tpu.memory_space<vmem_shared>>
      %dma_wait3A_649 = tpu.memref_squeeze %dma_wait3A_648 : memref<1x1792xf32, #tpu.memory_space<vmem_shared>> -> memref<1792xf32, #tpu.memory_space<vmem_shared>>
      tpu.wait_dma2 semaphore(%arg12 : memref<!tpu.dma_semaphore, #tpu.memory_space<semaphore_mem>>) src(%dma_wait3A_649 : memref<1792xf32, #tpu.memory_space<vmem_shared>>) dst(%dma_wait3A_646 : memref<1792xf32, #tpu.memory_space<hbm>>)
      %dma_wait3A_650 = tpu.memref_slice %arg4[%add3A_279, %mul3A_284] : memref<512x114688xf32, #tpu.memory_space<hbm>> -> memref<1x1792xf32, #tpu.memory_space<hbm>>
      %dma_wait3A_651 = tpu.memref_squeeze %dma_wait3A_650 : memref<1x1792xf32, #tpu.memory_space<hbm>> -> memref<1792xf32, #tpu.memory_space<hbm>>
      %dma_wait3A_652 = arith.constant 0 : i32
      %dma_wait3A_653 = tpu.memref_slice %arg8[%squeeze3A_85, %dma_wait3A_652] : memref<128x1792xf32, #tpu.memory_space<vmem_shared>> -> memref<1x1792xf32, #tpu.memory_space<vmem_shared>>
      %dma_wait3A_654 = tpu.memref_squeeze %dma_wait3A_653 : memref<1x1792xf32, #tpu.memory_space<vmem_shared>> -> memref<1792xf32, #tpu.memory_space<vmem_shared>>
      tpu.wait_dma2 semaphore(%arg12 : memref<!tpu.dma_semaphore, #tpu.memory_space<semaphore_mem>>) src(%dma_wait3A_654 : memref<1792xf32, #tpu.memory_space<vmem_shared>>) dst(%dma_wait3A_651 : memref<1792xf32, #tpu.memory_space<hbm>>)
      %dma_wait3A_655 = tpu.memref_slice %arg4[%add3A_286, %mul3A_291] : memref<512x114688xf32, #tpu.memory_space<hbm>> -> memref<1x1792xf32, #tpu.memory_space<hbm>>
      %dma_wait3A_656 = tpu.memref_squeeze %dma_wait3A_655 : memref<1x1792xf32, #tpu.memory_space<hbm>> -> memref<1792xf32, #tpu.memory_space<hbm>>
      %dma_wait3A_657 = arith.constant 0 : i32
      %dma_wait3A_658 = tpu.memref_slice %arg8[%squeeze3A_87, %dma_wait3A_657] : memref<128x1792xf32, #tpu.memory_space<vmem_shared>> -> memref<1x1792xf32, #tpu.memory_space<vmem_shared>>
      %dma_wait3A_659 = tpu.memref_squeeze %dma_wait3A_658 : memref<1x1792xf32, #tpu.memory_space<vmem_shared>> -> memref<1792xf32, #tpu.memory_space<vmem_shared>>
      tpu.wait_dma2 semaphore(%arg12 : memref<!tpu.dma_semaphore, #tpu.memory_space<semaphore_mem>>) src(%dma_wait3A_659 : memref<1792xf32, #tpu.memory_space<vmem_shared>>) dst(%dma_wait3A_656 : memref<1792xf32, #tpu.memory_space<hbm>>)
      %dma_wait3A_660 = tpu.memref_slice %arg4[%add3A_293, %mul3A_298] : memref<512x114688xf32, #tpu.memory_space<hbm>> -> memref<1x1792xf32, #tpu.memory_space<hbm>>
      %dma_wait3A_661 = tpu.memref_squeeze %dma_wait3A_660 : memref<1x1792xf32, #tpu.memory_space<hbm>> -> memref<1792xf32, #tpu.memory_space<hbm>>
      %dma_wait3A_662 = arith.constant 0 : i32
      %dma_wait3A_663 = tpu.memref_slice %arg8[%squeeze3A_89, %dma_wait3A_662] : memref<128x1792xf32, #tpu.memory_space<vmem_shared>> -> memref<1x1792xf32, #tpu.memory_space<vmem_shared>>
      %dma_wait3A_664 = tpu.memref_squeeze %dma_wait3A_663 : memref<1x1792xf32, #tpu.memory_space<vmem_shared>> -> memref<1792xf32, #tpu.memory_space<vmem_shared>>
      tpu.wait_dma2 semaphore(%arg12 : memref<!tpu.dma_semaphore, #tpu.memory_space<semaphore_mem>>) src(%dma_wait3A_664 : memref<1792xf32, #tpu.memory_space<vmem_shared>>) dst(%dma_wait3A_661 : memref<1792xf32, #tpu.memory_space<hbm>>)
      %dma_wait3A_665 = tpu.memref_slice %arg4[%add3A_300, %mul3A_305] : memref<512x114688xf32, #tpu.memory_space<hbm>> -> memref<1x1792xf32, #tpu.memory_space<hbm>>
      %dma_wait3A_666 = tpu.memref_squeeze %dma_wait3A_665 : memref<1x1792xf32, #tpu.memory_space<hbm>> -> memref<1792xf32, #tpu.memory_space<hbm>>
      %dma_wait3A_667 = arith.constant 0 : i32
      %dma_wait3A_668 = tpu.memref_slice %arg8[%squeeze3A_91, %dma_wait3A_667] : memref<128x1792xf32, #tpu.memory_space<vmem_shared>> -> memref<1x1792xf32, #tpu.memory_space<vmem_shared>>
      %dma_wait3A_669 = tpu.memref_squeeze %dma_wait3A_668 : memref<1x1792xf32, #tpu.memory_space<vmem_shared>> -> memref<1792xf32, #tpu.memory_space<vmem_shared>>
      tpu.wait_dma2 semaphore(%arg12 : memref<!tpu.dma_semaphore, #tpu.memory_space<semaphore_mem>>) src(%dma_wait3A_669 : memref<1792xf32, #tpu.memory_space<vmem_shared>>) dst(%dma_wait3A_666 : memref<1792xf32, #tpu.memory_space<hbm>>)
      %dma_wait3A_670 = tpu.memref_slice %arg4[%add3A_307, %mul3A_312] : memref<512x114688xf32, #tpu.memory_space<hbm>> -> memref<1x1792xf32, #tpu.memory_space<hbm>>
      %dma_wait3A_671 = tpu.memref_squeeze %dma_wait3A_670 : memref<1x1792xf32, #tpu.memory_space<hbm>> -> memref<1792xf32, #tpu.memory_space<hbm>>
      %dma_wait3A_672 = arith.constant 0 : i32
      %dma_wait3A_673 = tpu.memref_slice %arg8[%squeeze3A_93, %dma_wait3A_672] : memref<128x1792xf32, #tpu.memory_space<vmem_shared>> -> memref<1x1792xf32, #tpu.memory_space<vmem_shared>>
      %dma_wait3A_674 = tpu.memref_squeeze %dma_wait3A_673 : memref<1x1792xf32, #tpu.memory_space<vmem_shared>> -> memref<1792xf32, #tpu.memory_space<vmem_shared>>
      tpu.wait_dma2 semaphore(%arg12 : memref<!tpu.dma_semaphore, #tpu.memory_space<semaphore_mem>>) src(%dma_wait3A_674 : memref<1792xf32, #tpu.memory_space<vmem_shared>>) dst(%dma_wait3A_671 : memref<1792xf32, #tpu.memory_space<hbm>>)
      %dma_wait3A_675 = tpu.memref_slice %arg4[%add3A_314, %mul3A_319] : memref<512x114688xf32, #tpu.memory_space<hbm>> -> memref<1x1792xf32, #tpu.memory_space<hbm>>
      %dma_wait3A_676 = tpu.memref_squeeze %dma_wait3A_675 : memref<1x1792xf32, #tpu.memory_space<hbm>> -> memref<1792xf32, #tpu.memory_space<hbm>>
      %dma_wait3A_677 = arith.constant 0 : i32
      %dma_wait3A_678 = tpu.memref_slice %arg8[%squeeze3A_95, %dma_wait3A_677] : memref<128x1792xf32, #tpu.memory_space<vmem_shared>> -> memref<1x1792xf32, #tpu.memory_space<vmem_shared>>
      %dma_wait3A_679 = tpu.memref_squeeze %dma_wait3A_678 : memref<1x1792xf32, #tpu.memory_space<vmem_shared>> -> memref<1792xf32, #tpu.memory_space<vmem_shared>>
      tpu.wait_dma2 semaphore(%arg12 : memref<!tpu.dma_semaphore, #tpu.memory_space<semaphore_mem>>) src(%dma_wait3A_679 : memref<1792xf32, #tpu.memory_space<vmem_shared>>) dst(%dma_wait3A_676 : memref<1792xf32, #tpu.memory_space<hbm>>)
      %dma_wait3A_680 = tpu.memref_slice %arg4[%add3A_321, %mul3A_326] : memref<512x114688xf32, #tpu.memory_space<hbm>> -> memref<1x1792xf32, #tpu.memory_space<hbm>>
      %dma_wait3A_681 = tpu.memref_squeeze %dma_wait3A_680 : memref<1x1792xf32, #tpu.memory_space<hbm>> -> memref<1792xf32, #tpu.memory_space<hbm>>
      %dma_wait3A_682 = arith.constant 0 : i32
      %dma_wait3A_683 = tpu.memref_slice %arg8[%squeeze3A_97, %dma_wait3A_682] : memref<128x1792xf32, #tpu.memory_space<vmem_shared>> -> memref<1x1792xf32, #tpu.memory_space<vmem_shared>>
      %dma_wait3A_684 = tpu.memref_squeeze %dma_wait3A_683 : memref<1x1792xf32, #tpu.memory_space<vmem_shared>> -> memref<1792xf32, #tpu.memory_space<vmem_shared>>
      tpu.wait_dma2 semaphore(%arg12 : memref<!tpu.dma_semaphore, #tpu.memory_space<semaphore_mem>>) src(%dma_wait3A_684 : memref<1792xf32, #tpu.memory_space<vmem_shared>>) dst(%dma_wait3A_681 : memref<1792xf32, #tpu.memory_space<hbm>>)
      %dma_wait3A_685 = tpu.memref_slice %arg4[%add3A_328, %mul3A_333] : memref<512x114688xf32, #tpu.memory_space<hbm>> -> memref<1x1792xf32, #tpu.memory_space<hbm>>
      %dma_wait3A_686 = tpu.memref_squeeze %dma_wait3A_685 : memref<1x1792xf32, #tpu.memory_space<hbm>> -> memref<1792xf32, #tpu.memory_space<hbm>>
      %dma_wait3A_687 = arith.constant 0 : i32
      %dma_wait3A_688 = tpu.memref_slice %arg8[%squeeze3A_99, %dma_wait3A_687] : memref<128x1792xf32, #tpu.memory_space<vmem_shared>> -> memref<1x1792xf32, #tpu.memory_space<vmem_shared>>
      %dma_wait3A_689 = tpu.memref_squeeze %dma_wait3A_688 : memref<1x1792xf32, #tpu.memory_space<vmem_shared>> -> memref<1792xf32, #tpu.memory_space<vmem_shared>>
      tpu.wait_dma2 semaphore(%arg12 : memref<!tpu.dma_semaphore, #tpu.memory_space<semaphore_mem>>) src(%dma_wait3A_689 : memref<1792xf32, #tpu.memory_space<vmem_shared>>) dst(%dma_wait3A_686 : memref<1792xf32, #tpu.memory_space<hbm>>)
      %dma_wait3A_690 = tpu.memref_slice %arg4[%add3A_335, %mul3A_340] : memref<512x114688xf32, #tpu.memory_space<hbm>> -> memref<1x1792xf32, #tpu.memory_space<hbm>>
      %dma_wait3A_691 = tpu.memref_squeeze %dma_wait3A_690 : memref<1x1792xf32, #tpu.memory_space<hbm>> -> memref<1792xf32, #tpu.memory_space<hbm>>
      %dma_wait3A_692 = arith.constant 0 : i32
      %dma_wait3A_693 = tpu.memref_slice %arg8[%squeeze3A_101, %dma_wait3A_692] : memref<128x1792xf32, #tpu.memory_space<vmem_shared>> -> memref<1x1792xf32, #tpu.memory_space<vmem_shared>>
      %dma_wait3A_694 = tpu.memref_squeeze %dma_wait3A_693 : memref<1x1792xf32, #tpu.memory_space<vmem_shared>> -> memref<1792xf32, #tpu.memory_space<vmem_shared>>
      tpu.wait_dma2 semaphore(%arg12 : memref<!tpu.dma_semaphore, #tpu.memory_space<semaphore_mem>>) src(%dma_wait3A_694 : memref<1792xf32, #tpu.memory_space<vmem_shared>>) dst(%dma_wait3A_691 : memref<1792xf32, #tpu.memory_space<hbm>>)
      %dma_wait3A_695 = tpu.memref_slice %arg4[%add3A_342, %mul3A_347] : memref<512x114688xf32, #tpu.memory_space<hbm>> -> memref<1x1792xf32, #tpu.memory_space<hbm>>
      %dma_wait3A_696 = tpu.memref_squeeze %dma_wait3A_695 : memref<1x1792xf32, #tpu.memory_space<hbm>> -> memref<1792xf32, #tpu.memory_space<hbm>>
      %dma_wait3A_697 = arith.constant 0 : i32
      %dma_wait3A_698 = tpu.memref_slice %arg8[%squeeze3A_103, %dma_wait3A_697] : memref<128x1792xf32, #tpu.memory_space<vmem_shared>> -> memref<1x1792xf32, #tpu.memory_space<vmem_shared>>
      %dma_wait3A_699 = tpu.memref_squeeze %dma_wait3A_698 : memref<1x1792xf32, #tpu.memory_space<vmem_shared>> -> memref<1792xf32, #tpu.memory_space<vmem_shared>>
      tpu.wait_dma2 semaphore(%arg12 : memref<!tpu.dma_semaphore, #tpu.memory_space<semaphore_mem>>) src(%dma_wait3A_699 : memref<1792xf32, #tpu.memory_space<vmem_shared>>) dst(%dma_wait3A_696 : memref<1792xf32, #tpu.memory_space<hbm>>)
      %dma_wait3A_700 = tpu.memref_slice %arg4[%add3A_349, %mul3A_354] : memref<512x114688xf32, #tpu.memory_space<hbm>> -> memref<1x1792xf32, #tpu.memory_space<hbm>>
      %dma_wait3A_701 = tpu.memref_squeeze %dma_wait3A_700 : memref<1x1792xf32, #tpu.memory_space<hbm>> -> memref<1792xf32, #tpu.memory_space<hbm>>
      %dma_wait3A_702 = arith.constant 0 : i32
      %dma_wait3A_703 = tpu.memref_slice %arg8[%squeeze3A_105, %dma_wait3A_702] : memref<128x1792xf32, #tpu.memory_space<vmem_shared>> -> memref<1x1792xf32, #tpu.memory_space<vmem_shared>>
      %dma_wait3A_704 = tpu.memref_squeeze %dma_wait3A_703 : memref<1x1792xf32, #tpu.memory_space<vmem_shared>> -> memref<1792xf32, #tpu.memory_space<vmem_shared>>
      tpu.wait_dma2 semaphore(%arg12 : memref<!tpu.dma_semaphore, #tpu.memory_space<semaphore_mem>>) src(%dma_wait3A_704 : memref<1792xf32, #tpu.memory_space<vmem_shared>>) dst(%dma_wait3A_701 : memref<1792xf32, #tpu.memory_space<hbm>>)
      %dma_wait3A_705 = tpu.memref_slice %arg4[%add3A_356, %mul3A_361] : memref<512x114688xf32, #tpu.memory_space<hbm>> -> memref<1x1792xf32, #tpu.memory_space<hbm>>
      %dma_wait3A_706 = tpu.memref_squeeze %dma_wait3A_705 : memref<1x1792xf32, #tpu.memory_space<hbm>> -> memref<1792xf32, #tpu.memory_space<hbm>>
      %dma_wait3A_707 = arith.constant 0 : i32
      %dma_wait3A_708 = tpu.memref_slice %arg8[%squeeze3A_107, %dma_wait3A_707] : memref<128x1792xf32, #tpu.memory_space<vmem_shared>> -> memref<1x1792xf32, #tpu.memory_space<vmem_shared>>
      %dma_wait3A_709 = tpu.memref_squeeze %dma_wait3A_708 : memref<1x1792xf32, #tpu.memory_space<vmem_shared>> -> memref<1792xf32, #tpu.memory_space<vmem_shared>>
      tpu.wait_dma2 semaphore(%arg12 : memref<!tpu.dma_semaphore, #tpu.memory_space<semaphore_mem>>) src(%dma_wait3A_709 : memref<1792xf32, #tpu.memory_space<vmem_shared>>) dst(%dma_wait3A_706 : memref<1792xf32, #tpu.memory_space<hbm>>)
      %dma_wait3A_710 = tpu.memref_slice %arg4[%add3A_363, %mul3A_368] : memref<512x114688xf32, #tpu.memory_space<hbm>> -> memref<1x1792xf32, #tpu.memory_space<hbm>>
      %dma_wait3A_711 = tpu.memref_squeeze %dma_wait3A_710 : memref<1x1792xf32, #tpu.memory_space<hbm>> -> memref<1792xf32, #tpu.memory_space<hbm>>
      %dma_wait3A_712 = arith.constant 0 : i32
      %dma_wait3A_713 = tpu.memref_slice %arg8[%squeeze3A_109, %dma_wait3A_712] : memref<128x1792xf32, #tpu.memory_space<vmem_shared>> -> memref<1x1792xf32, #tpu.memory_space<vmem_shared>>
      %dma_wait3A_714 = tpu.memref_squeeze %dma_wait3A_713 : memref<1x1792xf32, #tpu.memory_space<vmem_shared>> -> memref<1792xf32, #tpu.memory_space<vmem_shared>>
      tpu.wait_dma2 semaphore(%arg12 : memref<!tpu.dma_semaphore, #tpu.memory_space<semaphore_mem>>) src(%dma_wait3A_714 : memref<1792xf32, #tpu.memory_space<vmem_shared>>) dst(%dma_wait3A_711 : memref<1792xf32, #tpu.memory_space<hbm>>)
      %dma_wait3A_715 = tpu.memref_slice %arg4[%add3A_370, %mul3A_375] : memref<512x114688xf32, #tpu.memory_space<hbm>> -> memref<1x1792xf32, #tpu.memory_space<hbm>>
      %dma_wait3A_716 = tpu.memref_squeeze %dma_wait3A_715 : memref<1x1792xf32, #tpu.memory_space<hbm>> -> memref<1792xf32, #tpu.memory_space<hbm>>
      %dma_wait3A_717 = arith.constant 0 : i32
      %dma_wait3A_718 = tpu.memref_slice %arg8[%squeeze3A_111, %dma_wait3A_717] : memref<128x1792xf32, #tpu.memory_space<vmem_shared>> -> memref<1x1792xf32, #tpu.memory_space<vmem_shared>>
      %dma_wait3A_719 = tpu.memref_squeeze %dma_wait3A_718 : memref<1x1792xf32, #tpu.memory_space<vmem_shared>> -> memref<1792xf32, #tpu.memory_space<vmem_shared>>
      tpu.wait_dma2 semaphore(%arg12 : memref<!tpu.dma_semaphore, #tpu.memory_space<semaphore_mem>>) src(%dma_wait3A_719 : memref<1792xf32, #tpu.memory_space<vmem_shared>>) dst(%dma_wait3A_716 : memref<1792xf32, #tpu.memory_space<hbm>>)
      %dma_wait3A_720 = tpu.memref_slice %arg4[%add3A_377, %mul3A_382] : memref<512x114688xf32, #tpu.memory_space<hbm>> -> memref<1x1792xf32, #tpu.memory_space<hbm>>
      %dma_wait3A_721 = tpu.memref_squeeze %dma_wait3A_720 : memref<1x1792xf32, #tpu.memory_space<hbm>> -> memref<1792xf32, #tpu.memory_space<hbm>>
      %dma_wait3A_722 = arith.constant 0 : i32
      %dma_wait3A_723 = tpu.memref_slice %arg8[%squeeze3A_113, %dma_wait3A_722] : memref<128x1792xf32, #tpu.memory_space<vmem_shared>> -> memref<1x1792xf32, #tpu.memory_space<vmem_shared>>
      %dma_wait3A_724 = tpu.memref_squeeze %dma_wait3A_723 : memref<1x1792xf32, #tpu.memory_space<vmem_shared>> -> memref<1792xf32, #tpu.memory_space<vmem_shared>>
      tpu.wait_dma2 semaphore(%arg12 : memref<!tpu.dma_semaphore, #tpu.memory_space<semaphore_mem>>) src(%dma_wait3A_724 : memref<1792xf32, #tpu.memory_space<vmem_shared>>) dst(%dma_wait3A_721 : memref<1792xf32, #tpu.memory_space<hbm>>)
      %dma_wait3A_725 = tpu.memref_slice %arg4[%add3A_384, %mul3A_389] : memref<512x114688xf32, #tpu.memory_space<hbm>> -> memref<1x1792xf32, #tpu.memory_space<hbm>>
      %dma_wait3A_726 = tpu.memref_squeeze %dma_wait3A_725 : memref<1x1792xf32, #tpu.memory_space<hbm>> -> memref<1792xf32, #tpu.memory_space<hbm>>
      %dma_wait3A_727 = arith.constant 0 : i32
      %dma_wait3A_728 = tpu.memref_slice %arg8[%squeeze3A_115, %dma_wait3A_727] : memref<128x1792xf32, #tpu.memory_space<vmem_shared>> -> memref<1x1792xf32, #tpu.memory_space<vmem_shared>>
      %dma_wait3A_729 = tpu.memref_squeeze %dma_wait3A_728 : memref<1x1792xf32, #tpu.memory_space<vmem_shared>> -> memref<1792xf32, #tpu.memory_space<vmem_shared>>
      tpu.wait_dma2 semaphore(%arg12 : memref<!tpu.dma_semaphore, #tpu.memory_space<semaphore_mem>>) src(%dma_wait3A_729 : memref<1792xf32, #tpu.memory_space<vmem_shared>>) dst(%dma_wait3A_726 : memref<1792xf32, #tpu.memory_space<hbm>>)
      %dma_wait3A_730 = tpu.memref_slice %arg4[%add3A_391, %mul3A_396] : memref<512x114688xf32, #tpu.memory_space<hbm>> -> memref<1x1792xf32, #tpu.memory_space<hbm>>
      %dma_wait3A_731 = tpu.memref_squeeze %dma_wait3A_730 : memref<1x1792xf32, #tpu.memory_space<hbm>> -> memref<1792xf32, #tpu.memory_space<hbm>>
      %dma_wait3A_732 = arith.constant 0 : i32
      %dma_wait3A_733 = tpu.memref_slice %arg8[%squeeze3A_117, %dma_wait3A_732] : memref<128x1792xf32, #tpu.memory_space<vmem_shared>> -> memref<1x1792xf32, #tpu.memory_space<vmem_shared>>
      %dma_wait3A_734 = tpu.memref_squeeze %dma_wait3A_733 : memref<1x1792xf32, #tpu.memory_space<vmem_shared>> -> memref<1792xf32, #tpu.memory_space<vmem_shared>>
      tpu.wait_dma2 semaphore(%arg12 : memref<!tpu.dma_semaphore, #tpu.memory_space<semaphore_mem>>) src(%dma_wait3A_734 : memref<1792xf32, #tpu.memory_space<vmem_shared>>) dst(%dma_wait3A_731 : memref<1792xf32, #tpu.memory_space<hbm>>)
      %dma_wait3A_735 = tpu.memref_slice %arg4[%add3A_398, %mul3A_403] : memref<512x114688xf32, #tpu.memory_space<hbm>> -> memref<1x1792xf32, #tpu.memory_space<hbm>>
      %dma_wait3A_736 = tpu.memref_squeeze %dma_wait3A_735 : memref<1x1792xf32, #tpu.memory_space<hbm>> -> memref<1792xf32, #tpu.memory_space<hbm>>
      %dma_wait3A_737 = arith.constant 0 : i32
      %dma_wait3A_738 = tpu.memref_slice %arg8[%squeeze3A_119, %dma_wait3A_737] : memref<128x1792xf32, #tpu.memory_space<vmem_shared>> -> memref<1x1792xf32, #tpu.memory_space<vmem_shared>>
      %dma_wait3A_739 = tpu.memref_squeeze %dma_wait3A_738 : memref<1x1792xf32, #tpu.memory_space<vmem_shared>> -> memref<1792xf32, #tpu.memory_space<vmem_shared>>
      tpu.wait_dma2 semaphore(%arg12 : memref<!tpu.dma_semaphore, #tpu.memory_space<semaphore_mem>>) src(%dma_wait3A_739 : memref<1792xf32, #tpu.memory_space<vmem_shared>>) dst(%dma_wait3A_736 : memref<1792xf32, #tpu.memory_space<hbm>>)
      %dma_wait3A_740 = tpu.memref_slice %arg4[%add3A_405, %mul3A_410] : memref<512x114688xf32, #tpu.memory_space<hbm>> -> memref<1x1792xf32, #tpu.memory_space<hbm>>
      %dma_wait3A_741 = tpu.memref_squeeze %dma_wait3A_740 : memref<1x1792xf32, #tpu.memory_space<hbm>> -> memref<1792xf32, #tpu.memory_space<hbm>>
      %dma_wait3A_742 = arith.constant 0 : i32
      %dma_wait3A_743 = tpu.memref_slice %arg8[%squeeze3A_121, %dma_wait3A_742] : memref<128x1792xf32, #tpu.memory_space<vmem_shared>> -> memref<1x1792xf32, #tpu.memory_space<vmem_shared>>
      %dma_wait3A_744 = tpu.memref_squeeze %dma_wait3A_743 : memref<1x1792xf32, #tpu.memory_space<vmem_shared>> -> memref<1792xf32, #tpu.memory_space<vmem_shared>>
      tpu.wait_dma2 semaphore(%arg12 : memref<!tpu.dma_semaphore, #tpu.memory_space<semaphore_mem>>) src(%dma_wait3A_744 : memref<1792xf32, #tpu.memory_space<vmem_shared>>) dst(%dma_wait3A_741 : memref<1792xf32, #tpu.memory_space<hbm>>)
      %dma_wait3A_745 = tpu.memref_slice %arg4[%add3A_412, %mul3A_417] : memref<512x114688xf32, #tpu.memory_space<hbm>> -> memref<1x1792xf32, #tpu.memory_space<hbm>>
      %dma_wait3A_746 = tpu.memref_squeeze %dma_wait3A_745 : memref<1x1792xf32, #tpu.memory_space<hbm>> -> memref<1792xf32, #tpu.memory_space<hbm>>
      %dma_wait3A_747 = arith.constant 0 : i32
      %dma_wait3A_748 = tpu.memref_slice %arg8[%squeeze3A_123, %dma_wait3A_747] : memref<128x1792xf32, #tpu.memory_space<vmem_shared>> -> memref<1x1792xf32, #tpu.memory_space<vmem_shared>>
      %dma_wait3A_749 = tpu.memref_squeeze %dma_wait3A_748 : memref<1x1792xf32, #tpu.memory_space<vmem_shared>> -> memref<1792xf32, #tpu.memory_space<vmem_shared>>
      tpu.wait_dma2 semaphore(%arg12 : memref<!tpu.dma_semaphore, #tpu.memory_space<semaphore_mem>>) src(%dma_wait3A_749 : memref<1792xf32, #tpu.memory_space<vmem_shared>>) dst(%dma_wait3A_746 : memref<1792xf32, #tpu.memory_space<hbm>>)
      %barrier3A_750 = arith.constant 0 : index
      tpu.barrier barrier_id(%barrier3A_750)
      %add3A_751 = arith.constant 2 : i32
      %add3A_752 = arith.addi %mul3A_177, %add3A_751 : i32
      %min3A = arith.minsi %add3A_752, %scan3A_124 : i32
      %mul3A_753 = arith.constant 8 : i32
      %mul3A_754 = arith.muli %arg1, %mul3A_753 : i32
      %mul3A_755 = arith.constant 32 : i32
      %mul3A_756 = arith.muli %arg0, %mul3A_755 : i32
      %add3A_757 = arith.addi %mul3A_756, %min3A : i32
      %mul3A_758 = arith.constant 1792 : i32
      %mul3A_759 = arith.muli %add3A_757, %mul3A_758 : i32
      %mul3A_760 = arith.constant 8 : i32
      %mul3A_761 = arith.muli %arg1, %mul3A_760 : i32
      %dma_start3A_762 = arith.constant 0 : i32
      %dma_start3A_763 = tpu.memref_slice %arg8[%mul3A_761, %dma_start3A_762] : memref<128x1792xf32, #tpu.memory_space<vmem_shared>> -> memref<8x1792xf32, #tpu.memory_space<vmem_shared>>
      %dma_start3A_764 = tpu.memref_slice %arg3[%mul3A_754, %mul3A_759] : memref<128x114688xf32, #tpu.memory_space<hbm>> -> memref<8x1792xf32, #tpu.memory_space<hbm>>
      tpu.enqueue_dma source(%dma_start3A_764 : memref<8x1792xf32, #tpu.memory_space<hbm>>) target(%dma_start3A_763 : memref<8x1792xf32, #tpu.memory_space<vmem_shared>>) target_semaphore(%arg10 : memref<!tpu.dma_semaphore, #tpu.memory_space<semaphore_mem>>)
      %mul3A_765 = arith.constant 8 : i32
      %mul3A_766 = arith.muli %arg1, %mul3A_765 : i32
      %mul3A_767 = arith.constant 32 : i32
      %mul3A_768 = arith.muli %arg0, %mul3A_767 : i32
      %add3A_769 = arith.addi %mul3A_768, %add3A_181 : i32
      %mul3A_770 = arith.constant 1792 : i32
      %mul3A_771 = arith.muli %add3A_769, %mul3A_770 : i32
      %mul3A_772 = arith.constant 8 : i32
      %mul3A_773 = arith.muli %arg1, %mul3A_772 : i32
      %dma_wait3A_774 = arith.constant 0 : i32
      %dma_wait3A_775 = tpu.memref_slice %arg9[%mul3A_773, %dma_wait3A_774] : memref<128x1792xf32, #tpu.memory_space<vmem_shared>> -> memref<8x1792xf32, #tpu.memory_space<vmem_shared>>
      %dma_wait3A_776 = tpu.memref_slice %arg3[%mul3A_766, %mul3A_771] : memref<128x114688xf32, #tpu.memory_space<hbm>> -> memref<8x1792xf32, #tpu.memory_space<hbm>>
      tpu.wait_dma2 semaphore(%arg11 : memref<!tpu.dma_semaphore, #tpu.memory_space<semaphore_mem>>) src(%dma_wait3A_776 : memref<8x1792xf32, #tpu.memory_space<hbm>>) dst(%dma_wait3A_775 : memref<8x1792xf32, #tpu.memory_space<vmem_shared>>)
      %barrier3A_777 = arith.constant 0 : index
      tpu.barrier barrier_id(%barrier3A_777)
      %add3A_778 = arith.constant 0 : i32
      %add3A_779 = arith.addi %mul3A_0, %add3A_778 : i32
      %mul3A_780 = arith.constant 32 : i32
      %mul3A_781 = arith.muli %arg0, %mul3A_780 : i32
      %add3A_782 = arith.addi %mul3A_781, %add3A_181 : i32
      %mul3A_783 = arith.constant 1792 : i32
      %mul3A_784 = arith.muli %add3A_782, %mul3A_783 : i32
      %add3A_785 = arith.constant 1 : i32
      %add3A_786 = arith.addi %mul3A_0, %add3A_785 : i32
      %mul3A_787 = arith.constant 32 : i32
      %mul3A_788 = arith.muli %arg0, %mul3A_787 : i32
      %add3A_789 = arith.addi %mul3A_788, %add3A_181 : i32
      %mul3A_790 = arith.constant 1792 : i32
      %mul3A_791 = arith.muli %add3A_789, %mul3A_790 : i32
      %add3A_792 = arith.constant 2 : i32
      %add3A_793 = arith.addi %mul3A_0, %add3A_792 : i32
      %mul3A_794 = arith.constant 32 : i32
      %mul3A_795 = arith.muli %arg0, %mul3A_794 : i32
      %add3A_796 = arith.addi %mul3A_795, %add3A_181 : i32
      %mul3A_797 = arith.constant 1792 : i32
      %mul3A_798 = arith.muli %add3A_796, %mul3A_797 : i32
      %add3A_799 = arith.constant 3 : i32
      %add3A_800 = arith.addi %mul3A_0, %add3A_799 : i32
      %mul3A_801 = arith.constant 32 : i32
      %mul3A_802 = arith.muli %arg0, %mul3A_801 : i32
      %add3A_803 = arith.addi %mul3A_802, %add3A_181 : i32
      %mul3A_804 = arith.constant 1792 : i32
      %mul3A_805 = arith.muli %add3A_803, %mul3A_804 : i32
      %add3A_806 = arith.constant 4 : i32
      %add3A_807 = arith.addi %mul3A_0, %add3A_806 : i32
      %mul3A_808 = arith.constant 32 : i32
      %mul3A_809 = arith.muli %arg0, %mul3A_808 : i32
      %add3A_810 = arith.addi %mul3A_809, %add3A_181 : i32
      %mul3A_811 = arith.constant 1792 : i32
      %mul3A_812 = arith.muli %add3A_810, %mul3A_811 : i32
      %add3A_813 = arith.constant 5 : i32
      %add3A_814 = arith.addi %mul3A_0, %add3A_813 : i32
      %mul3A_815 = arith.constant 32 : i32
      %mul3A_816 = arith.muli %arg0, %mul3A_815 : i32
      %add3A_817 = arith.addi %mul3A_816, %add3A_181 : i32
      %mul3A_818 = arith.constant 1792 : i32
      %mul3A_819 = arith.muli %add3A_817, %mul3A_818 : i32
      %add3A_820 = arith.constant 6 : i32
      %add3A_821 = arith.addi %mul3A_0, %add3A_820 : i32
      %mul3A_822 = arith.constant 32 : i32
      %mul3A_823 = arith.muli %arg0, %mul3A_822 : i32
      %add3A_824 = arith.addi %mul3A_823, %add3A_181 : i32
      %mul3A_825 = arith.constant 1792 : i32
      %mul3A_826 = arith.muli %add3A_824, %mul3A_825 : i32
      %add3A_827 = arith.constant 7 : i32
      %add3A_828 = arith.addi %mul3A_0, %add3A_827 : i32
      %mul3A_829 = arith.constant 32 : i32
      %mul3A_830 = arith.muli %arg0, %mul3A_829 : i32
      %add3A_831 = arith.addi %mul3A_830, %add3A_181 : i32
      %mul3A_832 = arith.constant 1792 : i32
      %mul3A_833 = arith.muli %add3A_831, %mul3A_832 : i32
      %add3A_834 = arith.constant 8 : i32
      %add3A_835 = arith.addi %mul3A_0, %add3A_834 : i32
      %mul3A_836 = arith.constant 32 : i32
      %mul3A_837 = arith.muli %arg0, %mul3A_836 : i32
      %add3A_838 = arith.addi %mul3A_837, %add3A_181 : i32
      %mul3A_839 = arith.constant 1792 : i32
      %mul3A_840 = arith.muli %add3A_838, %mul3A_839 : i32
      %add3A_841 = arith.constant 9 : i32
      %add3A_842 = arith.addi %mul3A_0, %add3A_841 : i32
      %mul3A_843 = arith.constant 32 : i32
      %mul3A_844 = arith.muli %arg0, %mul3A_843 : i32
      %add3A_845 = arith.addi %mul3A_844, %add3A_181 : i32
      %mul3A_846 = arith.constant 1792 : i32
      %mul3A_847 = arith.muli %add3A_845, %mul3A_846 : i32
      %add3A_848 = arith.constant 10 : i32
      %add3A_849 = arith.addi %mul3A_0, %add3A_848 : i32
      %mul3A_850 = arith.constant 32 : i32
      %mul3A_851 = arith.muli %arg0, %mul3A_850 : i32
      %add3A_852 = arith.addi %mul3A_851, %add3A_181 : i32
      %mul3A_853 = arith.constant 1792 : i32
      %mul3A_854 = arith.muli %add3A_852, %mul3A_853 : i32
      %add3A_855 = arith.constant 11 : i32
      %add3A_856 = arith.addi %mul3A_0, %add3A_855 : i32
      %mul3A_857 = arith.constant 32 : i32
      %mul3A_858 = arith.muli %arg0, %mul3A_857 : i32
      %add3A_859 = arith.addi %mul3A_858, %add3A_181 : i32
      %mul3A_860 = arith.constant 1792 : i32
      %mul3A_861 = arith.muli %add3A_859, %mul3A_860 : i32
      %add3A_862 = arith.constant 12 : i32
      %add3A_863 = arith.addi %mul3A_0, %add3A_862 : i32
      %mul3A_864 = arith.constant 32 : i32
      %mul3A_865 = arith.muli %arg0, %mul3A_864 : i32
      %add3A_866 = arith.addi %mul3A_865, %add3A_181 : i32
      %mul3A_867 = arith.constant 1792 : i32
      %mul3A_868 = arith.muli %add3A_866, %mul3A_867 : i32
      %add3A_869 = arith.constant 13 : i32
      %add3A_870 = arith.addi %mul3A_0, %add3A_869 : i32
      %mul3A_871 = arith.constant 32 : i32
      %mul3A_872 = arith.muli %arg0, %mul3A_871 : i32
      %add3A_873 = arith.addi %mul3A_872, %add3A_181 : i32
      %mul3A_874 = arith.constant 1792 : i32
      %mul3A_875 = arith.muli %add3A_873, %mul3A_874 : i32
      %add3A_876 = arith.constant 14 : i32
      %add3A_877 = arith.addi %mul3A_0, %add3A_876 : i32
      %mul3A_878 = arith.constant 32 : i32
      %mul3A_879 = arith.muli %arg0, %mul3A_878 : i32
      %add3A_880 = arith.addi %mul3A_879, %add3A_181 : i32
      %mul3A_881 = arith.constant 1792 : i32
      %mul3A_882 = arith.muli %add3A_880, %mul3A_881 : i32
      %add3A_883 = arith.constant 15 : i32
      %add3A_884 = arith.addi %mul3A_0, %add3A_883 : i32
      %mul3A_885 = arith.constant 32 : i32
      %mul3A_886 = arith.muli %arg0, %mul3A_885 : i32
      %add3A_887 = arith.addi %mul3A_886, %add3A_181 : i32
      %mul3A_888 = arith.constant 1792 : i32
      %mul3A_889 = arith.muli %add3A_887, %mul3A_888 : i32
      %add3A_890 = arith.constant 16 : i32
      %add3A_891 = arith.addi %mul3A_0, %add3A_890 : i32
      %mul3A_892 = arith.constant 32 : i32
      %mul3A_893 = arith.muli %arg0, %mul3A_892 : i32
      %add3A_894 = arith.addi %mul3A_893, %add3A_181 : i32
      %mul3A_895 = arith.constant 1792 : i32
      %mul3A_896 = arith.muli %add3A_894, %mul3A_895 : i32
      %add3A_897 = arith.constant 17 : i32
      %add3A_898 = arith.addi %mul3A_0, %add3A_897 : i32
      %mul3A_899 = arith.constant 32 : i32
      %mul3A_900 = arith.muli %arg0, %mul3A_899 : i32
      %add3A_901 = arith.addi %mul3A_900, %add3A_181 : i32
      %mul3A_902 = arith.constant 1792 : i32
      %mul3A_903 = arith.muli %add3A_901, %mul3A_902 : i32
      %add3A_904 = arith.constant 18 : i32
      %add3A_905 = arith.addi %mul3A_0, %add3A_904 : i32
      %mul3A_906 = arith.constant 32 : i32
      %mul3A_907 = arith.muli %arg0, %mul3A_906 : i32
      %add3A_908 = arith.addi %mul3A_907, %add3A_181 : i32
      %mul3A_909 = arith.constant 1792 : i32
      %mul3A_910 = arith.muli %add3A_908, %mul3A_909 : i32
      %add3A_911 = arith.constant 19 : i32
      %add3A_912 = arith.addi %mul3A_0, %add3A_911 : i32
      %mul3A_913 = arith.constant 32 : i32
      %mul3A_914 = arith.muli %arg0, %mul3A_913 : i32
      %add3A_915 = arith.addi %mul3A_914, %add3A_181 : i32
      %mul3A_916 = arith.constant 1792 : i32
      %mul3A_917 = arith.muli %add3A_915, %mul3A_916 : i32
      %add3A_918 = arith.constant 20 : i32
      %add3A_919 = arith.addi %mul3A_0, %add3A_918 : i32
      %mul3A_920 = arith.constant 32 : i32
      %mul3A_921 = arith.muli %arg0, %mul3A_920 : i32
      %add3A_922 = arith.addi %mul3A_921, %add3A_181 : i32
      %mul3A_923 = arith.constant 1792 : i32
      %mul3A_924 = arith.muli %add3A_922, %mul3A_923 : i32
      %add3A_925 = arith.constant 21 : i32
      %add3A_926 = arith.addi %mul3A_0, %add3A_925 : i32
      %mul3A_927 = arith.constant 32 : i32
      %mul3A_928 = arith.muli %arg0, %mul3A_927 : i32
      %add3A_929 = arith.addi %mul3A_928, %add3A_181 : i32
      %mul3A_930 = arith.constant 1792 : i32
      %mul3A_931 = arith.muli %add3A_929, %mul3A_930 : i32
      %add3A_932 = arith.constant 22 : i32
      %add3A_933 = arith.addi %mul3A_0, %add3A_932 : i32
      %mul3A_934 = arith.constant 32 : i32
      %mul3A_935 = arith.muli %arg0, %mul3A_934 : i32
      %add3A_936 = arith.addi %mul3A_935, %add3A_181 : i32
      %mul3A_937 = arith.constant 1792 : i32
      %mul3A_938 = arith.muli %add3A_936, %mul3A_937 : i32
      %add3A_939 = arith.constant 23 : i32
      %add3A_940 = arith.addi %mul3A_0, %add3A_939 : i32
      %mul3A_941 = arith.constant 32 : i32
      %mul3A_942 = arith.muli %arg0, %mul3A_941 : i32
      %add3A_943 = arith.addi %mul3A_942, %add3A_181 : i32
      %mul3A_944 = arith.constant 1792 : i32
      %mul3A_945 = arith.muli %add3A_943, %mul3A_944 : i32
      %add3A_946 = arith.constant 24 : i32
      %add3A_947 = arith.addi %mul3A_0, %add3A_946 : i32
      %mul3A_948 = arith.constant 32 : i32
      %mul3A_949 = arith.muli %arg0, %mul3A_948 : i32
      %add3A_950 = arith.addi %mul3A_949, %add3A_181 : i32
      %mul3A_951 = arith.constant 1792 : i32
      %mul3A_952 = arith.muli %add3A_950, %mul3A_951 : i32
      %add3A_953 = arith.constant 25 : i32
      %add3A_954 = arith.addi %mul3A_0, %add3A_953 : i32
      %mul3A_955 = arith.constant 32 : i32
      %mul3A_956 = arith.muli %arg0, %mul3A_955 : i32
      %add3A_957 = arith.addi %mul3A_956, %add3A_181 : i32
      %mul3A_958 = arith.constant 1792 : i32
      %mul3A_959 = arith.muli %add3A_957, %mul3A_958 : i32
      %add3A_960 = arith.constant 26 : i32
      %add3A_961 = arith.addi %mul3A_0, %add3A_960 : i32
      %mul3A_962 = arith.constant 32 : i32
      %mul3A_963 = arith.muli %arg0, %mul3A_962 : i32
      %add3A_964 = arith.addi %mul3A_963, %add3A_181 : i32
      %mul3A_965 = arith.constant 1792 : i32
      %mul3A_966 = arith.muli %add3A_964, %mul3A_965 : i32
      %add3A_967 = arith.constant 27 : i32
      %add3A_968 = arith.addi %mul3A_0, %add3A_967 : i32
      %mul3A_969 = arith.constant 32 : i32
      %mul3A_970 = arith.muli %arg0, %mul3A_969 : i32
      %add3A_971 = arith.addi %mul3A_970, %add3A_181 : i32
      %mul3A_972 = arith.constant 1792 : i32
      %mul3A_973 = arith.muli %add3A_971, %mul3A_972 : i32
      %add3A_974 = arith.constant 28 : i32
      %add3A_975 = arith.addi %mul3A_0, %add3A_974 : i32
      %mul3A_976 = arith.constant 32 : i32
      %mul3A_977 = arith.muli %arg0, %mul3A_976 : i32
      %add3A_978 = arith.addi %mul3A_977, %add3A_181 : i32
      %mul3A_979 = arith.constant 1792 : i32
      %mul3A_980 = arith.muli %add3A_978, %mul3A_979 : i32
      %add3A_981 = arith.constant 29 : i32
      %add3A_982 = arith.addi %mul3A_0, %add3A_981 : i32
      %mul3A_983 = arith.constant 32 : i32
      %mul3A_984 = arith.muli %arg0, %mul3A_983 : i32
      %add3A_985 = arith.addi %mul3A_984, %add3A_181 : i32
      %mul3A_986 = arith.constant 1792 : i32
      %mul3A_987 = arith.muli %add3A_985, %mul3A_986 : i32
      %add3A_988 = arith.constant 30 : i32
      %add3A_989 = arith.addi %mul3A_0, %add3A_988 : i32
      %mul3A_990 = arith.constant 32 : i32
      %mul3A_991 = arith.muli %arg0, %mul3A_990 : i32
      %add3A_992 = arith.addi %mul3A_991, %add3A_181 : i32
      %mul3A_993 = arith.constant 1792 : i32
      %mul3A_994 = arith.muli %add3A_992, %mul3A_993 : i32
      %add3A_995 = arith.constant 31 : i32
      %add3A_996 = arith.addi %mul3A_0, %add3A_995 : i32
      %mul3A_997 = arith.constant 32 : i32
      %mul3A_998 = arith.muli %arg0, %mul3A_997 : i32
      %add3A_999 = arith.addi %mul3A_998, %add3A_181 : i32
      %mul3A_1000 = arith.constant 1792 : i32
      %mul3A_1001 = arith.muli %add3A_999, %mul3A_1000 : i32
      %dma_start3A_1002 = tpu.memref_slice %arg4[%add3A_779, %mul3A_784] : memref<512x114688xf32, #tpu.memory_space<hbm>> -> memref<1x1792xf32, #tpu.memory_space<hbm>>
      %dma_start3A_1003 = tpu.memref_squeeze %dma_start3A_1002 : memref<1x1792xf32, #tpu.memory_space<hbm>> -> memref<1792xf32, #tpu.memory_space<hbm>>
      %dma_start3A_1004 = arith.constant 0 : i32
      %dma_start3A_1005 = tpu.memref_slice %arg9[%squeeze3A, %dma_start3A_1004] : memref<128x1792xf32, #tpu.memory_space<vmem_shared>> -> memref<1x1792xf32, #tpu.memory_space<vmem_shared>>
      %dma_start3A_1006 = tpu.memref_squeeze %dma_start3A_1005 : memref<1x1792xf32, #tpu.memory_space<vmem_shared>> -> memref<1792xf32, #tpu.memory_space<vmem_shared>>
      tpu.enqueue_dma source(%dma_start3A_1006 : memref<1792xf32, #tpu.memory_space<vmem_shared>>) target(%dma_start3A_1003 : memref<1792xf32, #tpu.memory_space<hbm>>) target_semaphore(%arg12 : memref<!tpu.dma_semaphore, #tpu.memory_space<semaphore_mem>>)
      %dma_start3A_1007 = tpu.memref_slice %arg4[%add3A_786, %mul3A_791] : memref<512x114688xf32, #tpu.memory_space<hbm>> -> memref<1x1792xf32, #tpu.memory_space<hbm>>
      %dma_start3A_1008 = tpu.memref_squeeze %dma_start3A_1007 : memref<1x1792xf32, #tpu.memory_space<hbm>> -> memref<1792xf32, #tpu.memory_space<hbm>>
      %dma_start3A_1009 = arith.constant 0 : i32
      %dma_start3A_1010 = tpu.memref_slice %arg9[%squeeze3A_63, %dma_start3A_1009] : memref<128x1792xf32, #tpu.memory_space<vmem_shared>> -> memref<1x1792xf32, #tpu.memory_space<vmem_shared>>
      %dma_start3A_1011 = tpu.memref_squeeze %dma_start3A_1010 : memref<1x1792xf32, #tpu.memory_space<vmem_shared>> -> memref<1792xf32, #tpu.memory_space<vmem_shared>>
      tpu.enqueue_dma source(%dma_start3A_1011 : memref<1792xf32, #tpu.memory_space<vmem_shared>>) target(%dma_start3A_1008 : memref<1792xf32, #tpu.memory_space<hbm>>) target_semaphore(%arg12 : memref<!tpu.dma_semaphore, #tpu.memory_space<semaphore_mem>>)
      %dma_start3A_1012 = tpu.memref_slice %arg4[%add3A_793, %mul3A_798] : memref<512x114688xf32, #tpu.memory_space<hbm>> -> memref<1x1792xf32, #tpu.memory_space<hbm>>
      %dma_start3A_1013 = tpu.memref_squeeze %dma_start3A_1012 : memref<1x1792xf32, #tpu.memory_space<hbm>> -> memref<1792xf32, #tpu.memory_space<hbm>>
      %dma_start3A_1014 = arith.constant 0 : i32
      %dma_start3A_1015 = tpu.memref_slice %arg9[%squeeze3A_65, %dma_start3A_1014] : memref<128x1792xf32, #tpu.memory_space<vmem_shared>> -> memref<1x1792xf32, #tpu.memory_space<vmem_shared>>
      %dma_start3A_1016 = tpu.memref_squeeze %dma_start3A_1015 : memref<1x1792xf32, #tpu.memory_space<vmem_shared>> -> memref<1792xf32, #tpu.memory_space<vmem_shared>>
      tpu.enqueue_dma source(%dma_start3A_1016 : memref<1792xf32, #tpu.memory_space<vmem_shared>>) target(%dma_start3A_1013 : memref<1792xf32, #tpu.memory_space<hbm>>) target_semaphore(%arg12 : memref<!tpu.dma_semaphore, #tpu.memory_space<semaphore_mem>>)
      %dma_start3A_1017 = tpu.memref_slice %arg4[%add3A_800, %mul3A_805] : memref<512x114688xf32, #tpu.memory_space<hbm>> -> memref<1x1792xf32, #tpu.memory_space<hbm>>
      %dma_start3A_1018 = tpu.memref_squeeze %dma_start3A_1017 : memref<1x1792xf32, #tpu.memory_space<hbm>> -> memref<1792xf32, #tpu.memory_space<hbm>>
      %dma_start3A_1019 = arith.constant 0 : i32
      %dma_start3A_1020 = tpu.memref_slice %arg9[%squeeze3A_67, %dma_start3A_1019] : memref<128x1792xf32, #tpu.memory_space<vmem_shared>> -> memref<1x1792xf32, #tpu.memory_space<vmem_shared>>
      %dma_start3A_1021 = tpu.memref_squeeze %dma_start3A_1020 : memref<1x1792xf32, #tpu.memory_space<vmem_shared>> -> memref<1792xf32, #tpu.memory_space<vmem_shared>>
      tpu.enqueue_dma source(%dma_start3A_1021 : memref<1792xf32, #tpu.memory_space<vmem_shared>>) target(%dma_start3A_1018 : memref<1792xf32, #tpu.memory_space<hbm>>) target_semaphore(%arg12 : memref<!tpu.dma_semaphore, #tpu.memory_space<semaphore_mem>>)
      %dma_start3A_1022 = tpu.memref_slice %arg4[%add3A_807, %mul3A_812] : memref<512x114688xf32, #tpu.memory_space<hbm>> -> memref<1x1792xf32, #tpu.memory_space<hbm>>
      %dma_start3A_1023 = tpu.memref_squeeze %dma_start3A_1022 : memref<1x1792xf32, #tpu.memory_space<hbm>> -> memref<1792xf32, #tpu.memory_space<hbm>>
      %dma_start3A_1024 = arith.constant 0 : i32
      %dma_start3A_1025 = tpu.memref_slice %arg9[%squeeze3A_69, %dma_start3A_1024] : memref<128x1792xf32, #tpu.memory_space<vmem_shared>> -> memref<1x1792xf32, #tpu.memory_space<vmem_shared>>
      %dma_start3A_1026 = tpu.memref_squeeze %dma_start3A_1025 : memref<1x1792xf32, #tpu.memory_space<vmem_shared>> -> memref<1792xf32, #tpu.memory_space<vmem_shared>>
      tpu.enqueue_dma source(%dma_start3A_1026 : memref<1792xf32, #tpu.memory_space<vmem_shared>>) target(%dma_start3A_1023 : memref<1792xf32, #tpu.memory_space<hbm>>) target_semaphore(%arg12 : memref<!tpu.dma_semaphore, #tpu.memory_space<semaphore_mem>>)
      %dma_start3A_1027 = tpu.memref_slice %arg4[%add3A_814, %mul3A_819] : memref<512x114688xf32, #tpu.memory_space<hbm>> -> memref<1x1792xf32, #tpu.memory_space<hbm>>
      %dma_start3A_1028 = tpu.memref_squeeze %dma_start3A_1027 : memref<1x1792xf32, #tpu.memory_space<hbm>> -> memref<1792xf32, #tpu.memory_space<hbm>>
      %dma_start3A_1029 = arith.constant 0 : i32
      %dma_start3A_1030 = tpu.memref_slice %arg9[%squeeze3A_71, %dma_start3A_1029] : memref<128x1792xf32, #tpu.memory_space<vmem_shared>> -> memref<1x1792xf32, #tpu.memory_space<vmem_shared>>
      %dma_start3A_1031 = tpu.memref_squeeze %dma_start3A_1030 : memref<1x1792xf32, #tpu.memory_space<vmem_shared>> -> memref<1792xf32, #tpu.memory_space<vmem_shared>>
      tpu.enqueue_dma source(%dma_start3A_1031 : memref<1792xf32, #tpu.memory_space<vmem_shared>>) target(%dma_start3A_1028 : memref<1792xf32, #tpu.memory_space<hbm>>) target_semaphore(%arg12 : memref<!tpu.dma_semaphore, #tpu.memory_space<semaphore_mem>>)
      %dma_start3A_1032 = tpu.memref_slice %arg4[%add3A_821, %mul3A_826] : memref<512x114688xf32, #tpu.memory_space<hbm>> -> memref<1x1792xf32, #tpu.memory_space<hbm>>
      %dma_start3A_1033 = tpu.memref_squeeze %dma_start3A_1032 : memref<1x1792xf32, #tpu.memory_space<hbm>> -> memref<1792xf32, #tpu.memory_space<hbm>>
      %dma_start3A_1034 = arith.constant 0 : i32
      %dma_start3A_1035 = tpu.memref_slice %arg9[%squeeze3A_73, %dma_start3A_1034] : memref<128x1792xf32, #tpu.memory_space<vmem_shared>> -> memref<1x1792xf32, #tpu.memory_space<vmem_shared>>
      %dma_start3A_1036 = tpu.memref_squeeze %dma_start3A_1035 : memref<1x1792xf32, #tpu.memory_space<vmem_shared>> -> memref<1792xf32, #tpu.memory_space<vmem_shared>>
      tpu.enqueue_dma source(%dma_start3A_1036 : memref<1792xf32, #tpu.memory_space<vmem_shared>>) target(%dma_start3A_1033 : memref<1792xf32, #tpu.memory_space<hbm>>) target_semaphore(%arg12 : memref<!tpu.dma_semaphore, #tpu.memory_space<semaphore_mem>>)
      %dma_start3A_1037 = tpu.memref_slice %arg4[%add3A_828, %mul3A_833] : memref<512x114688xf32, #tpu.memory_space<hbm>> -> memref<1x1792xf32, #tpu.memory_space<hbm>>
      %dma_start3A_1038 = tpu.memref_squeeze %dma_start3A_1037 : memref<1x1792xf32, #tpu.memory_space<hbm>> -> memref<1792xf32, #tpu.memory_space<hbm>>
      %dma_start3A_1039 = arith.constant 0 : i32
      %dma_start3A_1040 = tpu.memref_slice %arg9[%squeeze3A_75, %dma_start3A_1039] : memref<128x1792xf32, #tpu.memory_space<vmem_shared>> -> memref<1x1792xf32, #tpu.memory_space<vmem_shared>>
      %dma_start3A_1041 = tpu.memref_squeeze %dma_start3A_1040 : memref<1x1792xf32, #tpu.memory_space<vmem_shared>> -> memref<1792xf32, #tpu.memory_space<vmem_shared>>
      tpu.enqueue_dma source(%dma_start3A_1041 : memref<1792xf32, #tpu.memory_space<vmem_shared>>) target(%dma_start3A_1038 : memref<1792xf32, #tpu.memory_space<hbm>>) target_semaphore(%arg12 : memref<!tpu.dma_semaphore, #tpu.memory_space<semaphore_mem>>)
      %dma_start3A_1042 = tpu.memref_slice %arg4[%add3A_835, %mul3A_840] : memref<512x114688xf32, #tpu.memory_space<hbm>> -> memref<1x1792xf32, #tpu.memory_space<hbm>>
      %dma_start3A_1043 = tpu.memref_squeeze %dma_start3A_1042 : memref<1x1792xf32, #tpu.memory_space<hbm>> -> memref<1792xf32, #tpu.memory_space<hbm>>
      %dma_start3A_1044 = arith.constant 0 : i32
      %dma_start3A_1045 = tpu.memref_slice %arg9[%squeeze3A_77, %dma_start3A_1044] : memref<128x1792xf32, #tpu.memory_space<vmem_shared>> -> memref<1x1792xf32, #tpu.memory_space<vmem_shared>>
      %dma_start3A_1046 = tpu.memref_squeeze %dma_start3A_1045 : memref<1x1792xf32, #tpu.memory_space<vmem_shared>> -> memref<1792xf32, #tpu.memory_space<vmem_shared>>
      tpu.enqueue_dma source(%dma_start3A_1046 : memref<1792xf32, #tpu.memory_space<vmem_shared>>) target(%dma_start3A_1043 : memref<1792xf32, #tpu.memory_space<hbm>>) target_semaphore(%arg12 : memref<!tpu.dma_semaphore, #tpu.memory_space<semaphore_mem>>)
      %dma_start3A_1047 = tpu.memref_slice %arg4[%add3A_842, %mul3A_847] : memref<512x114688xf32, #tpu.memory_space<hbm>> -> memref<1x1792xf32, #tpu.memory_space<hbm>>
      %dma_start3A_1048 = tpu.memref_squeeze %dma_start3A_1047 : memref<1x1792xf32, #tpu.memory_space<hbm>> -> memref<1792xf32, #tpu.memory_space<hbm>>
      %dma_start3A_1049 = arith.constant 0 : i32
      %dma_start3A_1050 = tpu.memref_slice %arg9[%squeeze3A_79, %dma_start3A_1049] : memref<128x1792xf32, #tpu.memory_space<vmem_shared>> -> memref<1x1792xf32, #tpu.memory_space<vmem_shared>>
      %dma_start3A_1051 = tpu.memref_squeeze %dma_start3A_1050 : memref<1x1792xf32, #tpu.memory_space<vmem_shared>> -> memref<1792xf32, #tpu.memory_space<vmem_shared>>
      tpu.enqueue_dma source(%dma_start3A_1051 : memref<1792xf32, #tpu.memory_space<vmem_shared>>) target(%dma_start3A_1048 : memref<1792xf32, #tpu.memory_space<hbm>>) target_semaphore(%arg12 : memref<!tpu.dma_semaphore, #tpu.memory_space<semaphore_mem>>)
      %dma_start3A_1052 = tpu.memref_slice %arg4[%add3A_849, %mul3A_854] : memref<512x114688xf32, #tpu.memory_space<hbm>> -> memref<1x1792xf32, #tpu.memory_space<hbm>>
      %dma_start3A_1053 = tpu.memref_squeeze %dma_start3A_1052 : memref<1x1792xf32, #tpu.memory_space<hbm>> -> memref<1792xf32, #tpu.memory_space<hbm>>
      %dma_start3A_1054 = arith.constant 0 : i32
      %dma_start3A_1055 = tpu.memref_slice %arg9[%squeeze3A_81, %dma_start3A_1054] : memref<128x1792xf32, #tpu.memory_space<vmem_shared>> -> memref<1x1792xf32, #tpu.memory_space<vmem_shared>>
      %dma_start3A_1056 = tpu.memref_squeeze %dma_start3A_1055 : memref<1x1792xf32, #tpu.memory_space<vmem_shared>> -> memref<1792xf32, #tpu.memory_space<vmem_shared>>
      tpu.enqueue_dma source(%dma_start3A_1056 : memref<1792xf32, #tpu.memory_space<vmem_shared>>) target(%dma_start3A_1053 : memref<1792xf32, #tpu.memory_space<hbm>>) target_semaphore(%arg12 : memref<!tpu.dma_semaphore, #tpu.memory_space<semaphore_mem>>)
      %dma_start3A_1057 = tpu.memref_slice %arg4[%add3A_856, %mul3A_861] : memref<512x114688xf32, #tpu.memory_space<hbm>> -> memref<1x1792xf32, #tpu.memory_space<hbm>>
      %dma_start3A_1058 = tpu.memref_squeeze %dma_start3A_1057 : memref<1x1792xf32, #tpu.memory_space<hbm>> -> memref<1792xf32, #tpu.memory_space<hbm>>
      %dma_start3A_1059 = arith.constant 0 : i32
      %dma_start3A_1060 = tpu.memref_slice %arg9[%squeeze3A_83, %dma_start3A_1059] : memref<128x1792xf32, #tpu.memory_space<vmem_shared>> -> memref<1x1792xf32, #tpu.memory_space<vmem_shared>>
      %dma_start3A_1061 = tpu.memref_squeeze %dma_start3A_1060 : memref<1x1792xf32, #tpu.memory_space<vmem_shared>> -> memref<1792xf32, #tpu.memory_space<vmem_shared>>
      tpu.enqueue_dma source(%dma_start3A_1061 : memref<1792xf32, #tpu.memory_space<vmem_shared>>) target(%dma_start3A_1058 : memref<1792xf32, #tpu.memory_space<hbm>>) target_semaphore(%arg12 : memref<!tpu.dma_semaphore, #tpu.memory_space<semaphore_mem>>)
      %dma_start3A_1062 = tpu.memref_slice %arg4[%add3A_863, %mul3A_868] : memref<512x114688xf32, #tpu.memory_space<hbm>> -> memref<1x1792xf32, #tpu.memory_space<hbm>>
      %dma_start3A_1063 = tpu.memref_squeeze %dma_start3A_1062 : memref<1x1792xf32, #tpu.memory_space<hbm>> -> memref<1792xf32, #tpu.memory_space<hbm>>
      %dma_start3A_1064 = arith.constant 0 : i32
      %dma_start3A_1065 = tpu.memref_slice %arg9[%squeeze3A_85, %dma_start3A_1064] : memref<128x1792xf32, #tpu.memory_space<vmem_shared>> -> memref<1x1792xf32, #tpu.memory_space<vmem_shared>>
      %dma_start3A_1066 = tpu.memref_squeeze %dma_start3A_1065 : memref<1x1792xf32, #tpu.memory_space<vmem_shared>> -> memref<1792xf32, #tpu.memory_space<vmem_shared>>
      tpu.enqueue_dma source(%dma_start3A_1066 : memref<1792xf32, #tpu.memory_space<vmem_shared>>) target(%dma_start3A_1063 : memref<1792xf32, #tpu.memory_space<hbm>>) target_semaphore(%arg12 : memref<!tpu.dma_semaphore, #tpu.memory_space<semaphore_mem>>)
      %dma_start3A_1067 = tpu.memref_slice %arg4[%add3A_870, %mul3A_875] : memref<512x114688xf32, #tpu.memory_space<hbm>> -> memref<1x1792xf32, #tpu.memory_space<hbm>>
      %dma_start3A_1068 = tpu.memref_squeeze %dma_start3A_1067 : memref<1x1792xf32, #tpu.memory_space<hbm>> -> memref<1792xf32, #tpu.memory_space<hbm>>
      %dma_start3A_1069 = arith.constant 0 : i32
      %dma_start3A_1070 = tpu.memref_slice %arg9[%squeeze3A_87, %dma_start3A_1069] : memref<128x1792xf32, #tpu.memory_space<vmem_shared>> -> memref<1x1792xf32, #tpu.memory_space<vmem_shared>>
      %dma_start3A_1071 = tpu.memref_squeeze %dma_start3A_1070 : memref<1x1792xf32, #tpu.memory_space<vmem_shared>> -> memref<1792xf32, #tpu.memory_space<vmem_shared>>
      tpu.enqueue_dma source(%dma_start3A_1071 : memref<1792xf32, #tpu.memory_space<vmem_shared>>) target(%dma_start3A_1068 : memref<1792xf32, #tpu.memory_space<hbm>>) target_semaphore(%arg12 : memref<!tpu.dma_semaphore, #tpu.memory_space<semaphore_mem>>)
      %dma_start3A_1072 = tpu.memref_slice %arg4[%add3A_877, %mul3A_882] : memref<512x114688xf32, #tpu.memory_space<hbm>> -> memref<1x1792xf32, #tpu.memory_space<hbm>>
      %dma_start3A_1073 = tpu.memref_squeeze %dma_start3A_1072 : memref<1x1792xf32, #tpu.memory_space<hbm>> -> memref<1792xf32, #tpu.memory_space<hbm>>
      %dma_start3A_1074 = arith.constant 0 : i32
      %dma_start3A_1075 = tpu.memref_slice %arg9[%squeeze3A_89, %dma_start3A_1074] : memref<128x1792xf32, #tpu.memory_space<vmem_shared>> -> memref<1x1792xf32, #tpu.memory_space<vmem_shared>>
      %dma_start3A_1076 = tpu.memref_squeeze %dma_start3A_1075 : memref<1x1792xf32, #tpu.memory_space<vmem_shared>> -> memref<1792xf32, #tpu.memory_space<vmem_shared>>
      tpu.enqueue_dma source(%dma_start3A_1076 : memref<1792xf32, #tpu.memory_space<vmem_shared>>) target(%dma_start3A_1073 : memref<1792xf32, #tpu.memory_space<hbm>>) target_semaphore(%arg12 : memref<!tpu.dma_semaphore, #tpu.memory_space<semaphore_mem>>)
      %dma_start3A_1077 = tpu.memref_slice %arg4[%add3A_884, %mul3A_889] : memref<512x114688xf32, #tpu.memory_space<hbm>> -> memref<1x1792xf32, #tpu.memory_space<hbm>>
      %dma_start3A_1078 = tpu.memref_squeeze %dma_start3A_1077 : memref<1x1792xf32, #tpu.memory_space<hbm>> -> memref<1792xf32, #tpu.memory_space<hbm>>
      %dma_start3A_1079 = arith.constant 0 : i32
      %dma_start3A_1080 = tpu.memref_slice %arg9[%squeeze3A_91, %dma_start3A_1079] : memref<128x1792xf32, #tpu.memory_space<vmem_shared>> -> memref<1x1792xf32, #tpu.memory_space<vmem_shared>>
      %dma_start3A_1081 = tpu.memref_squeeze %dma_start3A_1080 : memref<1x1792xf32, #tpu.memory_space<vmem_shared>> -> memref<1792xf32, #tpu.memory_space<vmem_shared>>
      tpu.enqueue_dma source(%dma_start3A_1081 : memref<1792xf32, #tpu.memory_space<vmem_shared>>) target(%dma_start3A_1078 : memref<1792xf32, #tpu.memory_space<hbm>>) target_semaphore(%arg12 : memref<!tpu.dma_semaphore, #tpu.memory_space<semaphore_mem>>)
      %dma_start3A_1082 = tpu.memref_slice %arg4[%add3A_891, %mul3A_896] : memref<512x114688xf32, #tpu.memory_space<hbm>> -> memref<1x1792xf32, #tpu.memory_space<hbm>>
      %dma_start3A_1083 = tpu.memref_squeeze %dma_start3A_1082 : memref<1x1792xf32, #tpu.memory_space<hbm>> -> memref<1792xf32, #tpu.memory_space<hbm>>
      %dma_start3A_1084 = arith.constant 0 : i32
      %dma_start3A_1085 = tpu.memref_slice %arg9[%squeeze3A_93, %dma_start3A_1084] : memref<128x1792xf32, #tpu.memory_space<vmem_shared>> -> memref<1x1792xf32, #tpu.memory_space<vmem_shared>>
      %dma_start3A_1086 = tpu.memref_squeeze %dma_start3A_1085 : memref<1x1792xf32, #tpu.memory_space<vmem_shared>> -> memref<1792xf32, #tpu.memory_space<vmem_shared>>
      tpu.enqueue_dma source(%dma_start3A_1086 : memref<1792xf32, #tpu.memory_space<vmem_shared>>) target(%dma_start3A_1083 : memref<1792xf32, #tpu.memory_space<hbm>>) target_semaphore(%arg12 : memref<!tpu.dma_semaphore, #tpu.memory_space<semaphore_mem>>)
      %dma_start3A_1087 = tpu.memref_slice %arg4[%add3A_898, %mul3A_903] : memref<512x114688xf32, #tpu.memory_space<hbm>> -> memref<1x1792xf32, #tpu.memory_space<hbm>>
      %dma_start3A_1088 = tpu.memref_squeeze %dma_start3A_1087 : memref<1x1792xf32, #tpu.memory_space<hbm>> -> memref<1792xf32, #tpu.memory_space<hbm>>
      %dma_start3A_1089 = arith.constant 0 : i32
      %dma_start3A_1090 = tpu.memref_slice %arg9[%squeeze3A_95, %dma_start3A_1089] : memref<128x1792xf32, #tpu.memory_space<vmem_shared>> -> memref<1x1792xf32, #tpu.memory_space<vmem_shared>>
      %dma_start3A_1091 = tpu.memref_squeeze %dma_start3A_1090 : memref<1x1792xf32, #tpu.memory_space<vmem_shared>> -> memref<1792xf32, #tpu.memory_space<vmem_shared>>
      tpu.enqueue_dma source(%dma_start3A_1091 : memref<1792xf32, #tpu.memory_space<vmem_shared>>) target(%dma_start3A_1088 : memref<1792xf32, #tpu.memory_space<hbm>>) target_semaphore(%arg12 : memref<!tpu.dma_semaphore, #tpu.memory_space<semaphore_mem>>)
      %dma_start3A_1092 = tpu.memref_slice %arg4[%add3A_905, %mul3A_910] : memref<512x114688xf32, #tpu.memory_space<hbm>> -> memref<1x1792xf32, #tpu.memory_space<hbm>>
      %dma_start3A_1093 = tpu.memref_squeeze %dma_start3A_1092 : memref<1x1792xf32, #tpu.memory_space<hbm>> -> memref<1792xf32, #tpu.memory_space<hbm>>
      %dma_start3A_1094 = arith.constant 0 : i32
      %dma_start3A_1095 = tpu.memref_slice %arg9[%squeeze3A_97, %dma_start3A_1094] : memref<128x1792xf32, #tpu.memory_space<vmem_shared>> -> memref<1x1792xf32, #tpu.memory_space<vmem_shared>>
      %dma_start3A_1096 = tpu.memref_squeeze %dma_start3A_1095 : memref<1x1792xf32, #tpu.memory_space<vmem_shared>> -> memref<1792xf32, #tpu.memory_space<vmem_shared>>
      tpu.enqueue_dma source(%dma_start3A_1096 : memref<1792xf32, #tpu.memory_space<vmem_shared>>) target(%dma_start3A_1093 : memref<1792xf32, #tpu.memory_space<hbm>>) target_semaphore(%arg12 : memref<!tpu.dma_semaphore, #tpu.memory_space<semaphore_mem>>)
      %dma_start3A_1097 = tpu.memref_slice %arg4[%add3A_912, %mul3A_917] : memref<512x114688xf32, #tpu.memory_space<hbm>> -> memref<1x1792xf32, #tpu.memory_space<hbm>>
      %dma_start3A_1098 = tpu.memref_squeeze %dma_start3A_1097 : memref<1x1792xf32, #tpu.memory_space<hbm>> -> memref<1792xf32, #tpu.memory_space<hbm>>
      %dma_start3A_1099 = arith.constant 0 : i32
      %dma_start3A_1100 = tpu.memref_slice %arg9[%squeeze3A_99, %dma_start3A_1099] : memref<128x1792xf32, #tpu.memory_space<vmem_shared>> -> memref<1x1792xf32, #tpu.memory_space<vmem_shared>>
      %dma_start3A_1101 = tpu.memref_squeeze %dma_start3A_1100 : memref<1x1792xf32, #tpu.memory_space<vmem_shared>> -> memref<1792xf32, #tpu.memory_space<vmem_shared>>
      tpu.enqueue_dma source(%dma_start3A_1101 : memref<1792xf32, #tpu.memory_space<vmem_shared>>) target(%dma_start3A_1098 : memref<1792xf32, #tpu.memory_space<hbm>>) target_semaphore(%arg12 : memref<!tpu.dma_semaphore, #tpu.memory_space<semaphore_mem>>)
      %dma_start3A_1102 = tpu.memref_slice %arg4[%add3A_919, %mul3A_924] : memref<512x114688xf32, #tpu.memory_space<hbm>> -> memref<1x1792xf32, #tpu.memory_space<hbm>>
      %dma_start3A_1103 = tpu.memref_squeeze %dma_start3A_1102 : memref<1x1792xf32, #tpu.memory_space<hbm>> -> memref<1792xf32, #tpu.memory_space<hbm>>
      %dma_start3A_1104 = arith.constant 0 : i32
      %dma_start3A_1105 = tpu.memref_slice %arg9[%squeeze3A_101, %dma_start3A_1104] : memref<128x1792xf32, #tpu.memory_space<vmem_shared>> -> memref<1x1792xf32, #tpu.memory_space<vmem_shared>>
      %dma_start3A_1106 = tpu.memref_squeeze %dma_start3A_1105 : memref<1x1792xf32, #tpu.memory_space<vmem_shared>> -> memref<1792xf32, #tpu.memory_space<vmem_shared>>
      tpu.enqueue_dma source(%dma_start3A_1106 : memref<1792xf32, #tpu.memory_space<vmem_shared>>) target(%dma_start3A_1103 : memref<1792xf32, #tpu.memory_space<hbm>>) target_semaphore(%arg12 : memref<!tpu.dma_semaphore, #tpu.memory_space<semaphore_mem>>)
      %dma_start3A_1107 = tpu.memref_slice %arg4[%add3A_926, %mul3A_931] : memref<512x114688xf32, #tpu.memory_space<hbm>> -> memref<1x1792xf32, #tpu.memory_space<hbm>>
      %dma_start3A_1108 = tpu.memref_squeeze %dma_start3A_1107 : memref<1x1792xf32, #tpu.memory_space<hbm>> -> memref<1792xf32, #tpu.memory_space<hbm>>
      %dma_start3A_1109 = arith.constant 0 : i32
      %dma_start3A_1110 = tpu.memref_slice %arg9[%squeeze3A_103, %dma_start3A_1109] : memref<128x1792xf32, #tpu.memory_space<vmem_shared>> -> memref<1x1792xf32, #tpu.memory_space<vmem_shared>>
      %dma_start3A_1111 = tpu.memref_squeeze %dma_start3A_1110 : memref<1x1792xf32, #tpu.memory_space<vmem_shared>> -> memref<1792xf32, #tpu.memory_space<vmem_shared>>
      tpu.enqueue_dma source(%dma_start3A_1111 : memref<1792xf32, #tpu.memory_space<vmem_shared>>) target(%dma_start3A_1108 : memref<1792xf32, #tpu.memory_space<hbm>>) target_semaphore(%arg12 : memref<!tpu.dma_semaphore, #tpu.memory_space<semaphore_mem>>)
      %dma_start3A_1112 = tpu.memref_slice %arg4[%add3A_933, %mul3A_938] : memref<512x114688xf32, #tpu.memory_space<hbm>> -> memref<1x1792xf32, #tpu.memory_space<hbm>>
      %dma_start3A_1113 = tpu.memref_squeeze %dma_start3A_1112 : memref<1x1792xf32, #tpu.memory_space<hbm>> -> memref<1792xf32, #tpu.memory_space<hbm>>
      %dma_start3A_1114 = arith.constant 0 : i32
      %dma_start3A_1115 = tpu.memref_slice %arg9[%squeeze3A_105, %dma_start3A_1114] : memref<128x1792xf32, #tpu.memory_space<vmem_shared>> -> memref<1x1792xf32, #tpu.memory_space<vmem_shared>>
      %dma_start3A_1116 = tpu.memref_squeeze %dma_start3A_1115 : memref<1x1792xf32, #tpu.memory_space<vmem_shared>> -> memref<1792xf32, #tpu.memory_space<vmem_shared>>
      tpu.enqueue_dma source(%dma_start3A_1116 : memref<1792xf32, #tpu.memory_space<vmem_shared>>) target(%dma_start3A_1113 : memref<1792xf32, #tpu.memory_space<hbm>>) target_semaphore(%arg12 : memref<!tpu.dma_semaphore, #tpu.memory_space<semaphore_mem>>)
      %dma_start3A_1117 = tpu.memref_slice %arg4[%add3A_940, %mul3A_945] : memref<512x114688xf32, #tpu.memory_space<hbm>> -> memref<1x1792xf32, #tpu.memory_space<hbm>>
      %dma_start3A_1118 = tpu.memref_squeeze %dma_start3A_1117 : memref<1x1792xf32, #tpu.memory_space<hbm>> -> memref<1792xf32, #tpu.memory_space<hbm>>
      %dma_start3A_1119 = arith.constant 0 : i32
      %dma_start3A_1120 = tpu.memref_slice %arg9[%squeeze3A_107, %dma_start3A_1119] : memref<128x1792xf32, #tpu.memory_space<vmem_shared>> -> memref<1x1792xf32, #tpu.memory_space<vmem_shared>>
      %dma_start3A_1121 = tpu.memref_squeeze %dma_start3A_1120 : memref<1x1792xf32, #tpu.memory_space<vmem_shared>> -> memref<1792xf32, #tpu.memory_space<vmem_shared>>
      tpu.enqueue_dma source(%dma_start3A_1121 : memref<1792xf32, #tpu.memory_space<vmem_shared>>) target(%dma_start3A_1118 : memref<1792xf32, #tpu.memory_space<hbm>>) target_semaphore(%arg12 : memref<!tpu.dma_semaphore, #tpu.memory_space<semaphore_mem>>)
      %dma_start3A_1122 = tpu.memref_slice %arg4[%add3A_947, %mul3A_952] : memref<512x114688xf32, #tpu.memory_space<hbm>> -> memref<1x1792xf32, #tpu.memory_space<hbm>>
      %dma_start3A_1123 = tpu.memref_squeeze %dma_start3A_1122 : memref<1x1792xf32, #tpu.memory_space<hbm>> -> memref<1792xf32, #tpu.memory_space<hbm>>
      %dma_start3A_1124 = arith.constant 0 : i32
      %dma_start3A_1125 = tpu.memref_slice %arg9[%squeeze3A_109, %dma_start3A_1124] : memref<128x1792xf32, #tpu.memory_space<vmem_shared>> -> memref<1x1792xf32, #tpu.memory_space<vmem_shared>>
      %dma_start3A_1126 = tpu.memref_squeeze %dma_start3A_1125 : memref<1x1792xf32, #tpu.memory_space<vmem_shared>> -> memref<1792xf32, #tpu.memory_space<vmem_shared>>
      tpu.enqueue_dma source(%dma_start3A_1126 : memref<1792xf32, #tpu.memory_space<vmem_shared>>) target(%dma_start3A_1123 : memref<1792xf32, #tpu.memory_space<hbm>>) target_semaphore(%arg12 : memref<!tpu.dma_semaphore, #tpu.memory_space<semaphore_mem>>)
      %dma_start3A_1127 = tpu.memref_slice %arg4[%add3A_954, %mul3A_959] : memref<512x114688xf32, #tpu.memory_space<hbm>> -> memref<1x1792xf32, #tpu.memory_space<hbm>>
      %dma_start3A_1128 = tpu.memref_squeeze %dma_start3A_1127 : memref<1x1792xf32, #tpu.memory_space<hbm>> -> memref<1792xf32, #tpu.memory_space<hbm>>
      %dma_start3A_1129 = arith.constant 0 : i32
      %dma_start3A_1130 = tpu.memref_slice %arg9[%squeeze3A_111, %dma_start3A_1129] : memref<128x1792xf32, #tpu.memory_space<vmem_shared>> -> memref<1x1792xf32, #tpu.memory_space<vmem_shared>>
      %dma_start3A_1131 = tpu.memref_squeeze %dma_start3A_1130 : memref<1x1792xf32, #tpu.memory_space<vmem_shared>> -> memref<1792xf32, #tpu.memory_space<vmem_shared>>
      tpu.enqueue_dma source(%dma_start3A_1131 : memref<1792xf32, #tpu.memory_space<vmem_shared>>) target(%dma_start3A_1128 : memref<1792xf32, #tpu.memory_space<hbm>>) target_semaphore(%arg12 : memref<!tpu.dma_semaphore, #tpu.memory_space<semaphore_mem>>)
      %dma_start3A_1132 = tpu.memref_slice %arg4[%add3A_961, %mul3A_966] : memref<512x114688xf32, #tpu.memory_space<hbm>> -> memref<1x1792xf32, #tpu.memory_space<hbm>>
      %dma_start3A_1133 = tpu.memref_squeeze %dma_start3A_1132 : memref<1x1792xf32, #tpu.memory_space<hbm>> -> memref<1792xf32, #tpu.memory_space<hbm>>
      %dma_start3A_1134 = arith.constant 0 : i32
      %dma_start3A_1135 = tpu.memref_slice %arg9[%squeeze3A_113, %dma_start3A_1134] : memref<128x1792xf32, #tpu.memory_space<vmem_shared>> -> memref<1x1792xf32, #tpu.memory_space<vmem_shared>>
      %dma_start3A_1136 = tpu.memref_squeeze %dma_start3A_1135 : memref<1x1792xf32, #tpu.memory_space<vmem_shared>> -> memref<1792xf32, #tpu.memory_space<vmem_shared>>
      tpu.enqueue_dma source(%dma_start3A_1136 : memref<1792xf32, #tpu.memory_space<vmem_shared>>) target(%dma_start3A_1133 : memref<1792xf32, #tpu.memory_space<hbm>>) target_semaphore(%arg12 : memref<!tpu.dma_semaphore, #tpu.memory_space<semaphore_mem>>)
      %dma_start3A_1137 = tpu.memref_slice %arg4[%add3A_968, %mul3A_973] : memref<512x114688xf32, #tpu.memory_space<hbm>> -> memref<1x1792xf32, #tpu.memory_space<hbm>>
      %dma_start3A_1138 = tpu.memref_squeeze %dma_start3A_1137 : memref<1x1792xf32, #tpu.memory_space<hbm>> -> memref<1792xf32, #tpu.memory_space<hbm>>
      %dma_start3A_1139 = arith.constant 0 : i32
      %dma_start3A_1140 = tpu.memref_slice %arg9[%squeeze3A_115, %dma_start3A_1139] : memref<128x1792xf32, #tpu.memory_space<vmem_shared>> -> memref<1x1792xf32, #tpu.memory_space<vmem_shared>>
      %dma_start3A_1141 = tpu.memref_squeeze %dma_start3A_1140 : memref<1x1792xf32, #tpu.memory_space<vmem_shared>> -> memref<1792xf32, #tpu.memory_space<vmem_shared>>
      tpu.enqueue_dma source(%dma_start3A_1141 : memref<1792xf32, #tpu.memory_space<vmem_shared>>) target(%dma_start3A_1138 : memref<1792xf32, #tpu.memory_space<hbm>>) target_semaphore(%arg12 : memref<!tpu.dma_semaphore, #tpu.memory_space<semaphore_mem>>)
      %dma_start3A_1142 = tpu.memref_slice %arg4[%add3A_975, %mul3A_980] : memref<512x114688xf32, #tpu.memory_space<hbm>> -> memref<1x1792xf32, #tpu.memory_space<hbm>>
      %dma_start3A_1143 = tpu.memref_squeeze %dma_start3A_1142 : memref<1x1792xf32, #tpu.memory_space<hbm>> -> memref<1792xf32, #tpu.memory_space<hbm>>
      %dma_start3A_1144 = arith.constant 0 : i32
      %dma_start3A_1145 = tpu.memref_slice %arg9[%squeeze3A_117, %dma_start3A_1144] : memref<128x1792xf32, #tpu.memory_space<vmem_shared>> -> memref<1x1792xf32, #tpu.memory_space<vmem_shared>>
      %dma_start3A_1146 = tpu.memref_squeeze %dma_start3A_1145 : memref<1x1792xf32, #tpu.memory_space<vmem_shared>> -> memref<1792xf32, #tpu.memory_space<vmem_shared>>
      tpu.enqueue_dma source(%dma_start3A_1146 : memref<1792xf32, #tpu.memory_space<vmem_shared>>) target(%dma_start3A_1143 : memref<1792xf32, #tpu.memory_space<hbm>>) target_semaphore(%arg12 : memref<!tpu.dma_semaphore, #tpu.memory_space<semaphore_mem>>)
      %dma_start3A_1147 = tpu.memref_slice %arg4[%add3A_982, %mul3A_987] : memref<512x114688xf32, #tpu.memory_space<hbm>> -> memref<1x1792xf32, #tpu.memory_space<hbm>>
      %dma_start3A_1148 = tpu.memref_squeeze %dma_start3A_1147 : memref<1x1792xf32, #tpu.memory_space<hbm>> -> memref<1792xf32, #tpu.memory_space<hbm>>
      %dma_start3A_1149 = arith.constant 0 : i32
      %dma_start3A_1150 = tpu.memref_slice %arg9[%squeeze3A_119, %dma_start3A_1149] : memref<128x1792xf32, #tpu.memory_space<vmem_shared>> -> memref<1x1792xf32, #tpu.memory_space<vmem_shared>>
      %dma_start3A_1151 = tpu.memref_squeeze %dma_start3A_1150 : memref<1x1792xf32, #tpu.memory_space<vmem_shared>> -> memref<1792xf32, #tpu.memory_space<vmem_shared>>
      tpu.enqueue_dma source(%dma_start3A_1151 : memref<1792xf32, #tpu.memory_space<vmem_shared>>) target(%dma_start3A_1148 : memref<1792xf32, #tpu.memory_space<hbm>>) target_semaphore(%arg12 : memref<!tpu.dma_semaphore, #tpu.memory_space<semaphore_mem>>)
      %dma_start3A_1152 = tpu.memref_slice %arg4[%add3A_989, %mul3A_994] : memref<512x114688xf32, #tpu.memory_space<hbm>> -> memref<1x1792xf32, #tpu.memory_space<hbm>>
      %dma_start3A_1153 = tpu.memref_squeeze %dma_start3A_1152 : memref<1x1792xf32, #tpu.memory_space<hbm>> -> memref<1792xf32, #tpu.memory_space<hbm>>
      %dma_start3A_1154 = arith.constant 0 : i32
      %dma_start3A_1155 = tpu.memref_slice %arg9[%squeeze3A_121, %dma_start3A_1154] : memref<128x1792xf32, #tpu.memory_space<vmem_shared>> -> memref<1x1792xf32, #tpu.memory_space<vmem_shared>>
      %dma_start3A_1156 = tpu.memref_squeeze %dma_start3A_1155 : memref<1x1792xf32, #tpu.memory_space<vmem_shared>> -> memref<1792xf32, #tpu.memory_space<vmem_shared>>
      tpu.enqueue_dma source(%dma_start3A_1156 : memref<1792xf32, #tpu.memory_space<vmem_shared>>) target(%dma_start3A_1153 : memref<1792xf32, #tpu.memory_space<hbm>>) target_semaphore(%arg12 : memref<!tpu.dma_semaphore, #tpu.memory_space<semaphore_mem>>)
      %dma_start3A_1157 = tpu.memref_slice %arg4[%add3A_996, %mul3A_1001] : memref<512x114688xf32, #tpu.memory_space<hbm>> -> memref<1x1792xf32, #tpu.memory_space<hbm>>
      %dma_start3A_1158 = tpu.memref_squeeze %dma_start3A_1157 : memref<1x1792xf32, #tpu.memory_space<hbm>> -> memref<1792xf32, #tpu.memory_space<hbm>>
      %dma_start3A_1159 = arith.constant 0 : i32
      %dma_start3A_1160 = tpu.memref_slice %arg9[%squeeze3A_123, %dma_start3A_1159] : memref<128x1792xf32, #tpu.memory_space<vmem_shared>> -> memref<1x1792xf32, #tpu.memory_space<vmem_shared>>
      %dma_start3A_1161 = tpu.memref_squeeze %dma_start3A_1160 : memref<1x1792xf32, #tpu.memory_space<vmem_shared>> -> memref<1792xf32, #tpu.memory_space<vmem_shared>>
      tpu.enqueue_dma source(%dma_start3A_1161 : memref<1792xf32, #tpu.memory_space<vmem_shared>>) target(%dma_start3A_1158 : memref<1792xf32, #tpu.memory_space<hbm>>) target_semaphore(%arg12 : memref<!tpu.dma_semaphore, #tpu.memory_space<semaphore_mem>>)
      %add3A_1162 = arith.constant 22 : i32
      %add3A_1163 = arith.addi %add3A_1162, %scan3A_175 : i32
      %gt3A_1164 = arith.constant 0 : i32
      %gt3A_1165 = arith.cmpi sgt, %scan3A_175, %gt3A_1164 : i32
      %lt3A_1166 = arith.constant 10 : i32
      %lt3A_1167 = arith.cmpi slt, %scan3A_175, %lt3A_1166 : i32
      %and3A_1168 = arith.andi %gt3A_1165, %lt3A_1167 : i1
      %convert_element_type3A_1169 = arith.extui %and3A_1168 : i1 to i32
      %cond3A_1170 = arith.constant 0 : i32
      %cond3A_1171 = arith.cmpi ne, %convert_element_type3A_1169, %cond3A_1170 : i32
      scf.if %cond3A_1171 {
        %add3A_1353 = arith.constant 16 : i32
        %add3A_1354 = arith.addi %mul3A_0, %add3A_1353 : i32
        %mul3A_1355 = arith.constant 32 : i32
        %mul3A_1356 = arith.muli %arg0, %mul3A_1355 : i32
        %add3A_1357 = arith.addi %mul3A_1356, %add3A_1163 : i32
        %mul3A_1358 = arith.constant 1792 : i32
        %mul3A_1359 = arith.muli %add3A_1357, %mul3A_1358 : i32
        %dma_wait3A_1360 = tpu.memref_slice %arg4[%add3A_1354, %mul3A_1359] : memref<512x114688xf32, #tpu.memory_space<hbm>> -> memref<16x1792xf32, #tpu.memory_space<hbm>>
        %dma_wait3A_1361 = tpu.memref_slice %arg4[%add3A_1354, %mul3A_1359] : memref<512x114688xf32, #tpu.memory_space<hbm>> -> memref<16x1792xf32, #tpu.memory_space<hbm>>
        tpu.wait_dma2 semaphore(%arg15 : memref<!tpu.dma_semaphore, #tpu.memory_space<semaphore_mem>>) src(%arg7 : memref<16x1792xf32, #tpu.memory_space<vmem>>) dst(%dma_wait3A_1361 : memref<16x1792xf32, #tpu.memory_space<hbm>>)
      } else {
      }
      %lt3A_1172 = arith.constant 10 : i32
      %lt3A_1173 = arith.cmpi slt, %scan3A_175, %lt3A_1172 : i32
      %convert_element_type3A_1174 = arith.extui %lt3A_1173 : i1 to i32
      %cond3A_1175 = arith.constant 0 : i32
      %cond3A_1176 = arith.cmpi ne, %convert_element_type3A_1174, %cond3A_1175 : i32
      scf.if %cond3A_1176 {
        %mul3A_1353 = arith.constant 32 : i32
        %mul3A_1354 = arith.muli %arg0, %mul3A_1353 : i32
        %add3A_1355 = arith.addi %mul3A_1354, %add3A_1163 : i32
        %mul3A_1356 = arith.constant 1792 : i32
        %mul3A_1357 = arith.muli %add3A_1355, %mul3A_1356 : i32
        %dma_start3A_1358 = arith.constant 0 : i32
        %dma_start3A_1359 = tpu.memref_slice %arg3[%dma_start3A_1358, %mul3A_1357] : memref<128x114688xf32, #tpu.memory_space<hbm>> -> memref<128x1792xf32, #tpu.memory_space<hbm>>
        tpu.enqueue_indirect_dma source(%dma_start3A_1359 : memref<128x1792xf32, #tpu.memory_space<hbm>>) target(%arg7 : memref<16x1792xf32, #tpu.memory_space<vmem>>) offsets(%get3A_61 : vector<16xi32>) semaphore(%arg13 : memref<!tpu.dma_semaphore, #tpu.memory_space<semaphore_mem>>)
        %mul3A_1360 = arith.constant 32 : i32
        %mul3A_1361 = arith.muli %arg0, %mul3A_1360 : i32
        %add3A_1362 = arith.addi %mul3A_1361, %add3A_1163 : i32
        %mul3A_1363 = arith.constant 1792 : i32
        %mul3A_1364 = arith.muli %add3A_1362, %mul3A_1363 : i32
        %dma_wait3A_1365 = arith.constant 0 : i32
        %dma_wait3A_1366 = tpu.memref_slice %arg3[%dma_wait3A_1365, %mul3A_1364] : memref<128x114688xf32, #tpu.memory_space<hbm>> -> memref<128x1792xf32, #tpu.memory_space<hbm>>
        tpu.wait_indirect_dma semaphore(%arg13 : memref<!tpu.dma_semaphore, #tpu.memory_space<semaphore_mem>>) src(%dma_wait3A_1366 : memref<128x1792xf32, #tpu.memory_space<hbm>>) dst(%arg7 : memref<16x1792xf32, #tpu.memory_space<vmem>>)
        %add3A_1367 = arith.constant 16 : i32
        %add3A_1368 = arith.addi %mul3A_0, %add3A_1367 : i32
        %mul3A_1369 = arith.constant 32 : i32
        %mul3A_1370 = arith.muli %arg0, %mul3A_1369 : i32
        %add3A_1371 = arith.addi %mul3A_1370, %add3A_1163 : i32
        %mul3A_1372 = arith.constant 1792 : i32
        %mul3A_1373 = arith.muli %add3A_1371, %mul3A_1372 : i32
        %dma_start3A_1374 = tpu.memref_slice %arg4[%add3A_1368, %mul3A_1373] : memref<512x114688xf32, #tpu.memory_space<hbm>> -> memref<16x1792xf32, #tpu.memory_space<hbm>>
        %dma_start3A_1375 = tpu.memref_slice %arg4[%add3A_1368, %mul3A_1373] : memref<512x114688xf32, #tpu.memory_space<hbm>> -> memref<16x1792xf32, #tpu.memory_space<hbm>>
        tpu.enqueue_dma source(%arg7 : memref<16x1792xf32, #tpu.memory_space<vmem>>) target(%dma_start3A_1375 : memref<16x1792xf32, #tpu.memory_space<hbm>>) target_semaphore(%arg15 : memref<!tpu.dma_semaphore, #tpu.memory_space<semaphore_mem>>)
      } else {
      }
      %dma_wait3A_1177 = tpu.memref_slice %arg4[%add3A_779, %mul3A_784] : memref<512x114688xf32, #tpu.memory_space<hbm>> -> memref<1x1792xf32, #tpu.memory_space<hbm>>
      %dma_wait3A_1178 = tpu.memref_squeeze %dma_wait3A_1177 : memref<1x1792xf32, #tpu.memory_space<hbm>> -> memref<1792xf32, #tpu.memory_space<hbm>>
      %dma_wait3A_1179 = arith.constant 0 : i32
      %dma_wait3A_1180 = tpu.memref_slice %arg9[%squeeze3A, %dma_wait3A_1179] : memref<128x1792xf32, #tpu.memory_space<vmem_shared>> -> memref<1x1792xf32, #tpu.memory_space<vmem_shared>>
      %dma_wait3A_1181 = tpu.memref_squeeze %dma_wait3A_1180 : memref<1x1792xf32, #tpu.memory_space<vmem_shared>> -> memref<1792xf32, #tpu.memory_space<vmem_shared>>
      tpu.wait_dma2 semaphore(%arg12 : memref<!tpu.dma_semaphore, #tpu.memory_space<semaphore_mem>>) src(%dma_wait3A_1181 : memref<1792xf32, #tpu.memory_space<vmem_shared>>) dst(%dma_wait3A_1178 : memref<1792xf32, #tpu.memory_space<hbm>>)
      %dma_wait3A_1182 = tpu.memref_slice %arg4[%add3A_786, %mul3A_791] : memref<512x114688xf32, #tpu.memory_space<hbm>> -> memref<1x1792xf32, #tpu.memory_space<hbm>>
      %dma_wait3A_1183 = tpu.memref_squeeze %dma_wait3A_1182 : memref<1x1792xf32, #tpu.memory_space<hbm>> -> memref<1792xf32, #tpu.memory_space<hbm>>
      %dma_wait3A_1184 = arith.constant 0 : i32
      %dma_wait3A_1185 = tpu.memref_slice %arg9[%squeeze3A_63, %dma_wait3A_1184] : memref<128x1792xf32, #tpu.memory_space<vmem_shared>> -> memref<1x1792xf32, #tpu.memory_space<vmem_shared>>
      %dma_wait3A_1186 = tpu.memref_squeeze %dma_wait3A_1185 : memref<1x1792xf32, #tpu.memory_space<vmem_shared>> -> memref<1792xf32, #tpu.memory_space<vmem_shared>>
      tpu.wait_dma2 semaphore(%arg12 : memref<!tpu.dma_semaphore, #tpu.memory_space<semaphore_mem>>) src(%dma_wait3A_1186 : memref<1792xf32, #tpu.memory_space<vmem_shared>>) dst(%dma_wait3A_1183 : memref<1792xf32, #tpu.memory_space<hbm>>)
      %dma_wait3A_1187 = tpu.memref_slice %arg4[%add3A_793, %mul3A_798] : memref<512x114688xf32, #tpu.memory_space<hbm>> -> memref<1x1792xf32, #tpu.memory_space<hbm>>
      %dma_wait3A_1188 = tpu.memref_squeeze %dma_wait3A_1187 : memref<1x1792xf32, #tpu.memory_space<hbm>> -> memref<1792xf32, #tpu.memory_space<hbm>>
      %dma_wait3A_1189 = arith.constant 0 : i32
      %dma_wait3A_1190 = tpu.memref_slice %arg9[%squeeze3A_65, %dma_wait3A_1189] : memref<128x1792xf32, #tpu.memory_space<vmem_shared>> -> memref<1x1792xf32, #tpu.memory_space<vmem_shared>>
      %dma_wait3A_1191 = tpu.memref_squeeze %dma_wait3A_1190 : memref<1x1792xf32, #tpu.memory_space<vmem_shared>> -> memref<1792xf32, #tpu.memory_space<vmem_shared>>
      tpu.wait_dma2 semaphore(%arg12 : memref<!tpu.dma_semaphore, #tpu.memory_space<semaphore_mem>>) src(%dma_wait3A_1191 : memref<1792xf32, #tpu.memory_space<vmem_shared>>) dst(%dma_wait3A_1188 : memref<1792xf32, #tpu.memory_space<hbm>>)
      %dma_wait3A_1192 = tpu.memref_slice %arg4[%add3A_800, %mul3A_805] : memref<512x114688xf32, #tpu.memory_space<hbm>> -> memref<1x1792xf32, #tpu.memory_space<hbm>>
      %dma_wait3A_1193 = tpu.memref_squeeze %dma_wait3A_1192 : memref<1x1792xf32, #tpu.memory_space<hbm>> -> memref<1792xf32, #tpu.memory_space<hbm>>
      %dma_wait3A_1194 = arith.constant 0 : i32
      %dma_wait3A_1195 = tpu.memref_slice %arg9[%squeeze3A_67, %dma_wait3A_1194] : memref<128x1792xf32, #tpu.memory_space<vmem_shared>> -> memref<1x1792xf32, #tpu.memory_space<vmem_shared>>
      %dma_wait3A_1196 = tpu.memref_squeeze %dma_wait3A_1195 : memref<1x1792xf32, #tpu.memory_space<vmem_shared>> -> memref<1792xf32, #tpu.memory_space<vmem_shared>>
      tpu.wait_dma2 semaphore(%arg12 : memref<!tpu.dma_semaphore, #tpu.memory_space<semaphore_mem>>) src(%dma_wait3A_1196 : memref<1792xf32, #tpu.memory_space<vmem_shared>>) dst(%dma_wait3A_1193 : memref<1792xf32, #tpu.memory_space<hbm>>)
      %dma_wait3A_1197 = tpu.memref_slice %arg4[%add3A_807, %mul3A_812] : memref<512x114688xf32, #tpu.memory_space<hbm>> -> memref<1x1792xf32, #tpu.memory_space<hbm>>
      %dma_wait3A_1198 = tpu.memref_squeeze %dma_wait3A_1197 : memref<1x1792xf32, #tpu.memory_space<hbm>> -> memref<1792xf32, #tpu.memory_space<hbm>>
      %dma_wait3A_1199 = arith.constant 0 : i32
      %dma_wait3A_1200 = tpu.memref_slice %arg9[%squeeze3A_69, %dma_wait3A_1199] : memref<128x1792xf32, #tpu.memory_space<vmem_shared>> -> memref<1x1792xf32, #tpu.memory_space<vmem_shared>>
      %dma_wait3A_1201 = tpu.memref_squeeze %dma_wait3A_1200 : memref<1x1792xf32, #tpu.memory_space<vmem_shared>> -> memref<1792xf32, #tpu.memory_space<vmem_shared>>
      tpu.wait_dma2 semaphore(%arg12 : memref<!tpu.dma_semaphore, #tpu.memory_space<semaphore_mem>>) src(%dma_wait3A_1201 : memref<1792xf32, #tpu.memory_space<vmem_shared>>) dst(%dma_wait3A_1198 : memref<1792xf32, #tpu.memory_space<hbm>>)
      %dma_wait3A_1202 = tpu.memref_slice %arg4[%add3A_814, %mul3A_819] : memref<512x114688xf32, #tpu.memory_space<hbm>> -> memref<1x1792xf32, #tpu.memory_space<hbm>>
      %dma_wait3A_1203 = tpu.memref_squeeze %dma_wait3A_1202 : memref<1x1792xf32, #tpu.memory_space<hbm>> -> memref<1792xf32, #tpu.memory_space<hbm>>
      %dma_wait3A_1204 = arith.constant 0 : i32
      %dma_wait3A_1205 = tpu.memref_slice %arg9[%squeeze3A_71, %dma_wait3A_1204] : memref<128x1792xf32, #tpu.memory_space<vmem_shared>> -> memref<1x1792xf32, #tpu.memory_space<vmem_shared>>
      %dma_wait3A_1206 = tpu.memref_squeeze %dma_wait3A_1205 : memref<1x1792xf32, #tpu.memory_space<vmem_shared>> -> memref<1792xf32, #tpu.memory_space<vmem_shared>>
      tpu.wait_dma2 semaphore(%arg12 : memref<!tpu.dma_semaphore, #tpu.memory_space<semaphore_mem>>) src(%dma_wait3A_1206 : memref<1792xf32, #tpu.memory_space<vmem_shared>>) dst(%dma_wait3A_1203 : memref<1792xf32, #tpu.memory_space<hbm>>)
      %dma_wait3A_1207 = tpu.memref_slice %arg4[%add3A_821, %mul3A_826] : memref<512x114688xf32, #tpu.memory_space<hbm>> -> memref<1x1792xf32, #tpu.memory_space<hbm>>
      %dma_wait3A_1208 = tpu.memref_squeeze %dma_wait3A_1207 : memref<1x1792xf32, #tpu.memory_space<hbm>> -> memref<1792xf32, #tpu.memory_space<hbm>>
      %dma_wait3A_1209 = arith.constant 0 : i32
      %dma_wait3A_1210 = tpu.memref_slice %arg9[%squeeze3A_73, %dma_wait3A_1209] : memref<128x1792xf32, #tpu.memory_space<vmem_shared>> -> memref<1x1792xf32, #tpu.memory_space<vmem_shared>>
      %dma_wait3A_1211 = tpu.memref_squeeze %dma_wait3A_1210 : memref<1x1792xf32, #tpu.memory_space<vmem_shared>> -> memref<1792xf32, #tpu.memory_space<vmem_shared>>
      tpu.wait_dma2 semaphore(%arg12 : memref<!tpu.dma_semaphore, #tpu.memory_space<semaphore_mem>>) src(%dma_wait3A_1211 : memref<1792xf32, #tpu.memory_space<vmem_shared>>) dst(%dma_wait3A_1208 : memref<1792xf32, #tpu.memory_space<hbm>>)
      %dma_wait3A_1212 = tpu.memref_slice %arg4[%add3A_828, %mul3A_833] : memref<512x114688xf32, #tpu.memory_space<hbm>> -> memref<1x1792xf32, #tpu.memory_space<hbm>>
      %dma_wait3A_1213 = tpu.memref_squeeze %dma_wait3A_1212 : memref<1x1792xf32, #tpu.memory_space<hbm>> -> memref<1792xf32, #tpu.memory_space<hbm>>
      %dma_wait3A_1214 = arith.constant 0 : i32
      %dma_wait3A_1215 = tpu.memref_slice %arg9[%squeeze3A_75, %dma_wait3A_1214] : memref<128x1792xf32, #tpu.memory_space<vmem_shared>> -> memref<1x1792xf32, #tpu.memory_space<vmem_shared>>
      %dma_wait3A_1216 = tpu.memref_squeeze %dma_wait3A_1215 : memref<1x1792xf32, #tpu.memory_space<vmem_shared>> -> memref<1792xf32, #tpu.memory_space<vmem_shared>>
      tpu.wait_dma2 semaphore(%arg12 : memref<!tpu.dma_semaphore, #tpu.memory_space<semaphore_mem>>) src(%dma_wait3A_1216 : memref<1792xf32, #tpu.memory_space<vmem_shared>>) dst(%dma_wait3A_1213 : memref<1792xf32, #tpu.memory_space<hbm>>)
      %dma_wait3A_1217 = tpu.memref_slice %arg4[%add3A_835, %mul3A_840] : memref<512x114688xf32, #tpu.memory_space<hbm>> -> memref<1x1792xf32, #tpu.memory_space<hbm>>
      %dma_wait3A_1218 = tpu.memref_squeeze %dma_wait3A_1217 : memref<1x1792xf32, #tpu.memory_space<hbm>> -> memref<1792xf32, #tpu.memory_space<hbm>>
      %dma_wait3A_1219 = arith.constant 0 : i32
      %dma_wait3A_1220 = tpu.memref_slice %arg9[%squeeze3A_77, %dma_wait3A_1219] : memref<128x1792xf32, #tpu.memory_space<vmem_shared>> -> memref<1x1792xf32, #tpu.memory_space<vmem_shared>>
      %dma_wait3A_1221 = tpu.memref_squeeze %dma_wait3A_1220 : memref<1x1792xf32, #tpu.memory_space<vmem_shared>> -> memref<1792xf32, #tpu.memory_space<vmem_shared>>
      tpu.wait_dma2 semaphore(%arg12 : memref<!tpu.dma_semaphore, #tpu.memory_space<semaphore_mem>>) src(%dma_wait3A_1221 : memref<1792xf32, #tpu.memory_space<vmem_shared>>) dst(%dma_wait3A_1218 : memref<1792xf32, #tpu.memory_space<hbm>>)
      %dma_wait3A_1222 = tpu.memref_slice %arg4[%add3A_842, %mul3A_847] : memref<512x114688xf32, #tpu.memory_space<hbm>> -> memref<1x1792xf32, #tpu.memory_space<hbm>>
      %dma_wait3A_1223 = tpu.memref_squeeze %dma_wait3A_1222 : memref<1x1792xf32, #tpu.memory_space<hbm>> -> memref<1792xf32, #tpu.memory_space<hbm>>
      %dma_wait3A_1224 = arith.constant 0 : i32
      %dma_wait3A_1225 = tpu.memref_slice %arg9[%squeeze3A_79, %dma_wait3A_1224] : memref<128x1792xf32, #tpu.memory_space<vmem_shared>> -> memref<1x1792xf32, #tpu.memory_space<vmem_shared>>
      %dma_wait3A_1226 = tpu.memref_squeeze %dma_wait3A_1225 : memref<1x1792xf32, #tpu.memory_space<vmem_shared>> -> memref<1792xf32, #tpu.memory_space<vmem_shared>>
      tpu.wait_dma2 semaphore(%arg12 : memref<!tpu.dma_semaphore, #tpu.memory_space<semaphore_mem>>) src(%dma_wait3A_1226 : memref<1792xf32, #tpu.memory_space<vmem_shared>>) dst(%dma_wait3A_1223 : memref<1792xf32, #tpu.memory_space<hbm>>)
      %dma_wait3A_1227 = tpu.memref_slice %arg4[%add3A_849, %mul3A_854] : memref<512x114688xf32, #tpu.memory_space<hbm>> -> memref<1x1792xf32, #tpu.memory_space<hbm>>
      %dma_wait3A_1228 = tpu.memref_squeeze %dma_wait3A_1227 : memref<1x1792xf32, #tpu.memory_space<hbm>> -> memref<1792xf32, #tpu.memory_space<hbm>>
      %dma_wait3A_1229 = arith.constant 0 : i32
      %dma_wait3A_1230 = tpu.memref_slice %arg9[%squeeze3A_81, %dma_wait3A_1229] : memref<128x1792xf32, #tpu.memory_space<vmem_shared>> -> memref<1x1792xf32, #tpu.memory_space<vmem_shared>>
      %dma_wait3A_1231 = tpu.memref_squeeze %dma_wait3A_1230 : memref<1x1792xf32, #tpu.memory_space<vmem_shared>> -> memref<1792xf32, #tpu.memory_space<vmem_shared>>
      tpu.wait_dma2 semaphore(%arg12 : memref<!tpu.dma_semaphore, #tpu.memory_space<semaphore_mem>>) src(%dma_wait3A_1231 : memref<1792xf32, #tpu.memory_space<vmem_shared>>) dst(%dma_wait3A_1228 : memref<1792xf32, #tpu.memory_space<hbm>>)
      %dma_wait3A_1232 = tpu.memref_slice %arg4[%add3A_856, %mul3A_861] : memref<512x114688xf32, #tpu.memory_space<hbm>> -> memref<1x1792xf32, #tpu.memory_space<hbm>>
      %dma_wait3A_1233 = tpu.memref_squeeze %dma_wait3A_1232 : memref<1x1792xf32, #tpu.memory_space<hbm>> -> memref<1792xf32, #tpu.memory_space<hbm>>
      %dma_wait3A_1234 = arith.constant 0 : i32
      %dma_wait3A_1235 = tpu.memref_slice %arg9[%squeeze3A_83, %dma_wait3A_1234] : memref<128x1792xf32, #tpu.memory_space<vmem_shared>> -> memref<1x1792xf32, #tpu.memory_space<vmem_shared>>
      %dma_wait3A_1236 = tpu.memref_squeeze %dma_wait3A_1235 : memref<1x1792xf32, #tpu.memory_space<vmem_shared>> -> memref<1792xf32, #tpu.memory_space<vmem_shared>>
      tpu.wait_dma2 semaphore(%arg12 : memref<!tpu.dma_semaphore, #tpu.memory_space<semaphore_mem>>) src(%dma_wait3A_1236 : memref<1792xf32, #tpu.memory_space<vmem_shared>>) dst(%dma_wait3A_1233 : memref<1792xf32, #tpu.memory_space<hbm>>)
      %dma_wait3A_1237 = tpu.memref_slice %arg4[%add3A_863, %mul3A_868] : memref<512x114688xf32, #tpu.memory_space<hbm>> -> memref<1x1792xf32, #tpu.memory_space<hbm>>
      %dma_wait3A_1238 = tpu.memref_squeeze %dma_wait3A_1237 : memref<1x1792xf32, #tpu.memory_space<hbm>> -> memref<1792xf32, #tpu.memory_space<hbm>>
      %dma_wait3A_1239 = arith.constant 0 : i32
      %dma_wait3A_1240 = tpu.memref_slice %arg9[%squeeze3A_85, %dma_wait3A_1239] : memref<128x1792xf32, #tpu.memory_space<vmem_shared>> -> memref<1x1792xf32, #tpu.memory_space<vmem_shared>>
      %dma_wait3A_1241 = tpu.memref_squeeze %dma_wait3A_1240 : memref<1x1792xf32, #tpu.memory_space<vmem_shared>> -> memref<1792xf32, #tpu.memory_space<vmem_shared>>
      tpu.wait_dma2 semaphore(%arg12 : memref<!tpu.dma_semaphore, #tpu.memory_space<semaphore_mem>>) src(%dma_wait3A_1241 : memref<1792xf32, #tpu.memory_space<vmem_shared>>) dst(%dma_wait3A_1238 : memref<1792xf32, #tpu.memory_space<hbm>>)
      %dma_wait3A_1242 = tpu.memref_slice %arg4[%add3A_870, %mul3A_875] : memref<512x114688xf32, #tpu.memory_space<hbm>> -> memref<1x1792xf32, #tpu.memory_space<hbm>>
      %dma_wait3A_1243 = tpu.memref_squeeze %dma_wait3A_1242 : memref<1x1792xf32, #tpu.memory_space<hbm>> -> memref<1792xf32, #tpu.memory_space<hbm>>
      %dma_wait3A_1244 = arith.constant 0 : i32
      %dma_wait3A_1245 = tpu.memref_slice %arg9[%squeeze3A_87, %dma_wait3A_1244] : memref<128x1792xf32, #tpu.memory_space<vmem_shared>> -> memref<1x1792xf32, #tpu.memory_space<vmem_shared>>
      %dma_wait3A_1246 = tpu.memref_squeeze %dma_wait3A_1245 : memref<1x1792xf32, #tpu.memory_space<vmem_shared>> -> memref<1792xf32, #tpu.memory_space<vmem_shared>>
      tpu.wait_dma2 semaphore(%arg12 : memref<!tpu.dma_semaphore, #tpu.memory_space<semaphore_mem>>) src(%dma_wait3A_1246 : memref<1792xf32, #tpu.memory_space<vmem_shared>>) dst(%dma_wait3A_1243 : memref<1792xf32, #tpu.memory_space<hbm>>)
      %dma_wait3A_1247 = tpu.memref_slice %arg4[%add3A_877, %mul3A_882] : memref<512x114688xf32, #tpu.memory_space<hbm>> -> memref<1x1792xf32, #tpu.memory_space<hbm>>
      %dma_wait3A_1248 = tpu.memref_squeeze %dma_wait3A_1247 : memref<1x1792xf32, #tpu.memory_space<hbm>> -> memref<1792xf32, #tpu.memory_space<hbm>>
      %dma_wait3A_1249 = arith.constant 0 : i32
      %dma_wait3A_1250 = tpu.memref_slice %arg9[%squeeze3A_89, %dma_wait3A_1249] : memref<128x1792xf32, #tpu.memory_space<vmem_shared>> -> memref<1x1792xf32, #tpu.memory_space<vmem_shared>>
      %dma_wait3A_1251 = tpu.memref_squeeze %dma_wait3A_1250 : memref<1x1792xf32, #tpu.memory_space<vmem_shared>> -> memref<1792xf32, #tpu.memory_space<vmem_shared>>
      tpu.wait_dma2 semaphore(%arg12 : memref<!tpu.dma_semaphore, #tpu.memory_space<semaphore_mem>>) src(%dma_wait3A_1251 : memref<1792xf32, #tpu.memory_space<vmem_shared>>) dst(%dma_wait3A_1248 : memref<1792xf32, #tpu.memory_space<hbm>>)
      %dma_wait3A_1252 = tpu.memref_slice %arg4[%add3A_884, %mul3A_889] : memref<512x114688xf32, #tpu.memory_space<hbm>> -> memref<1x1792xf32, #tpu.memory_space<hbm>>
      %dma_wait3A_1253 = tpu.memref_squeeze %dma_wait3A_1252 : memref<1x1792xf32, #tpu.memory_space<hbm>> -> memref<1792xf32, #tpu.memory_space<hbm>>
      %dma_wait3A_1254 = arith.constant 0 : i32
      %dma_wait3A_1255 = tpu.memref_slice %arg9[%squeeze3A_91, %dma_wait3A_1254] : memref<128x1792xf32, #tpu.memory_space<vmem_shared>> -> memref<1x1792xf32, #tpu.memory_space<vmem_shared>>
      %dma_wait3A_1256 = tpu.memref_squeeze %dma_wait3A_1255 : memref<1x1792xf32, #tpu.memory_space<vmem_shared>> -> memref<1792xf32, #tpu.memory_space<vmem_shared>>
      tpu.wait_dma2 semaphore(%arg12 : memref<!tpu.dma_semaphore, #tpu.memory_space<semaphore_mem>>) src(%dma_wait3A_1256 : memref<1792xf32, #tpu.memory_space<vmem_shared>>) dst(%dma_wait3A_1253 : memref<1792xf32, #tpu.memory_space<hbm>>)
      %dma_wait3A_1257 = tpu.memref_slice %arg4[%add3A_891, %mul3A_896] : memref<512x114688xf32, #tpu.memory_space<hbm>> -> memref<1x1792xf32, #tpu.memory_space<hbm>>
      %dma_wait3A_1258 = tpu.memref_squeeze %dma_wait3A_1257 : memref<1x1792xf32, #tpu.memory_space<hbm>> -> memref<1792xf32, #tpu.memory_space<hbm>>
      %dma_wait3A_1259 = arith.constant 0 : i32
      %dma_wait3A_1260 = tpu.memref_slice %arg9[%squeeze3A_93, %dma_wait3A_1259] : memref<128x1792xf32, #tpu.memory_space<vmem_shared>> -> memref<1x1792xf32, #tpu.memory_space<vmem_shared>>
      %dma_wait3A_1261 = tpu.memref_squeeze %dma_wait3A_1260 : memref<1x1792xf32, #tpu.memory_space<vmem_shared>> -> memref<1792xf32, #tpu.memory_space<vmem_shared>>
      tpu.wait_dma2 semaphore(%arg12 : memref<!tpu.dma_semaphore, #tpu.memory_space<semaphore_mem>>) src(%dma_wait3A_1261 : memref<1792xf32, #tpu.memory_space<vmem_shared>>) dst(%dma_wait3A_1258 : memref<1792xf32, #tpu.memory_space<hbm>>)
      %dma_wait3A_1262 = tpu.memref_slice %arg4[%add3A_898, %mul3A_903] : memref<512x114688xf32, #tpu.memory_space<hbm>> -> memref<1x1792xf32, #tpu.memory_space<hbm>>
      %dma_wait3A_1263 = tpu.memref_squeeze %dma_wait3A_1262 : memref<1x1792xf32, #tpu.memory_space<hbm>> -> memref<1792xf32, #tpu.memory_space<hbm>>
      %dma_wait3A_1264 = arith.constant 0 : i32
      %dma_wait3A_1265 = tpu.memref_slice %arg9[%squeeze3A_95, %dma_wait3A_1264] : memref<128x1792xf32, #tpu.memory_space<vmem_shared>> -> memref<1x1792xf32, #tpu.memory_space<vmem_shared>>
      %dma_wait3A_1266 = tpu.memref_squeeze %dma_wait3A_1265 : memref<1x1792xf32, #tpu.memory_space<vmem_shared>> -> memref<1792xf32, #tpu.memory_space<vmem_shared>>
      tpu.wait_dma2 semaphore(%arg12 : memref<!tpu.dma_semaphore, #tpu.memory_space<semaphore_mem>>) src(%dma_wait3A_1266 : memref<1792xf32, #tpu.memory_space<vmem_shared>>) dst(%dma_wait3A_1263 : memref<1792xf32, #tpu.memory_space<hbm>>)
      %dma_wait3A_1267 = tpu.memref_slice %arg4[%add3A_905, %mul3A_910] : memref<512x114688xf32, #tpu.memory_space<hbm>> -> memref<1x1792xf32, #tpu.memory_space<hbm>>
      %dma_wait3A_1268 = tpu.memref_squeeze %dma_wait3A_1267 : memref<1x1792xf32, #tpu.memory_space<hbm>> -> memref<1792xf32, #tpu.memory_space<hbm>>
      %dma_wait3A_1269 = arith.constant 0 : i32
      %dma_wait3A_1270 = tpu.memref_slice %arg9[%squeeze3A_97, %dma_wait3A_1269] : memref<128x1792xf32, #tpu.memory_space<vmem_shared>> -> memref<1x1792xf32, #tpu.memory_space<vmem_shared>>
      %dma_wait3A_1271 = tpu.memref_squeeze %dma_wait3A_1270 : memref<1x1792xf32, #tpu.memory_space<vmem_shared>> -> memref<1792xf32, #tpu.memory_space<vmem_shared>>
      tpu.wait_dma2 semaphore(%arg12 : memref<!tpu.dma_semaphore, #tpu.memory_space<semaphore_mem>>) src(%dma_wait3A_1271 : memref<1792xf32, #tpu.memory_space<vmem_shared>>) dst(%dma_wait3A_1268 : memref<1792xf32, #tpu.memory_space<hbm>>)
      %dma_wait3A_1272 = tpu.memref_slice %arg4[%add3A_912, %mul3A_917] : memref<512x114688xf32, #tpu.memory_space<hbm>> -> memref<1x1792xf32, #tpu.memory_space<hbm>>
      %dma_wait3A_1273 = tpu.memref_squeeze %dma_wait3A_1272 : memref<1x1792xf32, #tpu.memory_space<hbm>> -> memref<1792xf32, #tpu.memory_space<hbm>>
      %dma_wait3A_1274 = arith.constant 0 : i32
      %dma_wait3A_1275 = tpu.memref_slice %arg9[%squeeze3A_99, %dma_wait3A_1274] : memref<128x1792xf32, #tpu.memory_space<vmem_shared>> -> memref<1x1792xf32, #tpu.memory_space<vmem_shared>>
      %dma_wait3A_1276 = tpu.memref_squeeze %dma_wait3A_1275 : memref<1x1792xf32, #tpu.memory_space<vmem_shared>> -> memref<1792xf32, #tpu.memory_space<vmem_shared>>
      tpu.wait_dma2 semaphore(%arg12 : memref<!tpu.dma_semaphore, #tpu.memory_space<semaphore_mem>>) src(%dma_wait3A_1276 : memref<1792xf32, #tpu.memory_space<vmem_shared>>) dst(%dma_wait3A_1273 : memref<1792xf32, #tpu.memory_space<hbm>>)
      %dma_wait3A_1277 = tpu.memref_slice %arg4[%add3A_919, %mul3A_924] : memref<512x114688xf32, #tpu.memory_space<hbm>> -> memref<1x1792xf32, #tpu.memory_space<hbm>>
      %dma_wait3A_1278 = tpu.memref_squeeze %dma_wait3A_1277 : memref<1x1792xf32, #tpu.memory_space<hbm>> -> memref<1792xf32, #tpu.memory_space<hbm>>
      %dma_wait3A_1279 = arith.constant 0 : i32
      %dma_wait3A_1280 = tpu.memref_slice %arg9[%squeeze3A_101, %dma_wait3A_1279] : memref<128x1792xf32, #tpu.memory_space<vmem_shared>> -> memref<1x1792xf32, #tpu.memory_space<vmem_shared>>
      %dma_wait3A_1281 = tpu.memref_squeeze %dma_wait3A_1280 : memref<1x1792xf32, #tpu.memory_space<vmem_shared>> -> memref<1792xf32, #tpu.memory_space<vmem_shared>>
      tpu.wait_dma2 semaphore(%arg12 : memref<!tpu.dma_semaphore, #tpu.memory_space<semaphore_mem>>) src(%dma_wait3A_1281 : memref<1792xf32, #tpu.memory_space<vmem_shared>>) dst(%dma_wait3A_1278 : memref<1792xf32, #tpu.memory_space<hbm>>)
      %dma_wait3A_1282 = tpu.memref_slice %arg4[%add3A_926, %mul3A_931] : memref<512x114688xf32, #tpu.memory_space<hbm>> -> memref<1x1792xf32, #tpu.memory_space<hbm>>
      %dma_wait3A_1283 = tpu.memref_squeeze %dma_wait3A_1282 : memref<1x1792xf32, #tpu.memory_space<hbm>> -> memref<1792xf32, #tpu.memory_space<hbm>>
      %dma_wait3A_1284 = arith.constant 0 : i32
      %dma_wait3A_1285 = tpu.memref_slice %arg9[%squeeze3A_103, %dma_wait3A_1284] : memref<128x1792xf32, #tpu.memory_space<vmem_shared>> -> memref<1x1792xf32, #tpu.memory_space<vmem_shared>>
      %dma_wait3A_1286 = tpu.memref_squeeze %dma_wait3A_1285 : memref<1x1792xf32, #tpu.memory_space<vmem_shared>> -> memref<1792xf32, #tpu.memory_space<vmem_shared>>
      tpu.wait_dma2 semaphore(%arg12 : memref<!tpu.dma_semaphore, #tpu.memory_space<semaphore_mem>>) src(%dma_wait3A_1286 : memref<1792xf32, #tpu.memory_space<vmem_shared>>) dst(%dma_wait3A_1283 : memref<1792xf32, #tpu.memory_space<hbm>>)
      %dma_wait3A_1287 = tpu.memref_slice %arg4[%add3A_933, %mul3A_938] : memref<512x114688xf32, #tpu.memory_space<hbm>> -> memref<1x1792xf32, #tpu.memory_space<hbm>>
      %dma_wait3A_1288 = tpu.memref_squeeze %dma_wait3A_1287 : memref<1x1792xf32, #tpu.memory_space<hbm>> -> memref<1792xf32, #tpu.memory_space<hbm>>
      %dma_wait3A_1289 = arith.constant 0 : i32
      %dma_wait3A_1290 = tpu.memref_slice %arg9[%squeeze3A_105, %dma_wait3A_1289] : memref<128x1792xf32, #tpu.memory_space<vmem_shared>> -> memref<1x1792xf32, #tpu.memory_space<vmem_shared>>
      %dma_wait3A_1291 = tpu.memref_squeeze %dma_wait3A_1290 : memref<1x1792xf32, #tpu.memory_space<vmem_shared>> -> memref<1792xf32, #tpu.memory_space<vmem_shared>>
      tpu.wait_dma2 semaphore(%arg12 : memref<!tpu.dma_semaphore, #tpu.memory_space<semaphore_mem>>) src(%dma_wait3A_1291 : memref<1792xf32, #tpu.memory_space<vmem_shared>>) dst(%dma_wait3A_1288 : memref<1792xf32, #tpu.memory_space<hbm>>)
      %dma_wait3A_1292 = tpu.memref_slice %arg4[%add3A_940, %mul3A_945] : memref<512x114688xf32, #tpu.memory_space<hbm>> -> memref<1x1792xf32, #tpu.memory_space<hbm>>
      %dma_wait3A_1293 = tpu.memref_squeeze %dma_wait3A_1292 : memref<1x1792xf32, #tpu.memory_space<hbm>> -> memref<1792xf32, #tpu.memory_space<hbm>>
      %dma_wait3A_1294 = arith.constant 0 : i32
      %dma_wait3A_1295 = tpu.memref_slice %arg9[%squeeze3A_107, %dma_wait3A_1294] : memref<128x1792xf32, #tpu.memory_space<vmem_shared>> -> memref<1x1792xf32, #tpu.memory_space<vmem_shared>>
      %dma_wait3A_1296 = tpu.memref_squeeze %dma_wait3A_1295 : memref<1x1792xf32, #tpu.memory_space<vmem_shared>> -> memref<1792xf32, #tpu.memory_space<vmem_shared>>
      tpu.wait_dma2 semaphore(%arg12 : memref<!tpu.dma_semaphore, #tpu.memory_space<semaphore_mem>>) src(%dma_wait3A_1296 : memref<1792xf32, #tpu.memory_space<vmem_shared>>) dst(%dma_wait3A_1293 : memref<1792xf32, #tpu.memory_space<hbm>>)
      %dma_wait3A_1297 = tpu.memref_slice %arg4[%add3A_947, %mul3A_952] : memref<512x114688xf32, #tpu.memory_space<hbm>> -> memref<1x1792xf32, #tpu.memory_space<hbm>>
      %dma_wait3A_1298 = tpu.memref_squeeze %dma_wait3A_1297 : memref<1x1792xf32, #tpu.memory_space<hbm>> -> memref<1792xf32, #tpu.memory_space<hbm>>
      %dma_wait3A_1299 = arith.constant 0 : i32
      %dma_wait3A_1300 = tpu.memref_slice %arg9[%squeeze3A_109, %dma_wait3A_1299] : memref<128x1792xf32, #tpu.memory_space<vmem_shared>> -> memref<1x1792xf32, #tpu.memory_space<vmem_shared>>
      %dma_wait3A_1301 = tpu.memref_squeeze %dma_wait3A_1300 : memref<1x1792xf32, #tpu.memory_space<vmem_shared>> -> memref<1792xf32, #tpu.memory_space<vmem_shared>>
      tpu.wait_dma2 semaphore(%arg12 : memref<!tpu.dma_semaphore, #tpu.memory_space<semaphore_mem>>) src(%dma_wait3A_1301 : memref<1792xf32, #tpu.memory_space<vmem_shared>>) dst(%dma_wait3A_1298 : memref<1792xf32, #tpu.memory_space<hbm>>)
      %dma_wait3A_1302 = tpu.memref_slice %arg4[%add3A_954, %mul3A_959] : memref<512x114688xf32, #tpu.memory_space<hbm>> -> memref<1x1792xf32, #tpu.memory_space<hbm>>
      %dma_wait3A_1303 = tpu.memref_squeeze %dma_wait3A_1302 : memref<1x1792xf32, #tpu.memory_space<hbm>> -> memref<1792xf32, #tpu.memory_space<hbm>>
      %dma_wait3A_1304 = arith.constant 0 : i32
      %dma_wait3A_1305 = tpu.memref_slice %arg9[%squeeze3A_111, %dma_wait3A_1304] : memref<128x1792xf32, #tpu.memory_space<vmem_shared>> -> memref<1x1792xf32, #tpu.memory_space<vmem_shared>>
      %dma_wait3A_1306 = tpu.memref_squeeze %dma_wait3A_1305 : memref<1x1792xf32, #tpu.memory_space<vmem_shared>> -> memref<1792xf32, #tpu.memory_space<vmem_shared>>
      tpu.wait_dma2 semaphore(%arg12 : memref<!tpu.dma_semaphore, #tpu.memory_space<semaphore_mem>>) src(%dma_wait3A_1306 : memref<1792xf32, #tpu.memory_space<vmem_shared>>) dst(%dma_wait3A_1303 : memref<1792xf32, #tpu.memory_space<hbm>>)
      %dma_wait3A_1307 = tpu.memref_slice %arg4[%add3A_961, %mul3A_966] : memref<512x114688xf32, #tpu.memory_space<hbm>> -> memref<1x1792xf32, #tpu.memory_space<hbm>>
      %dma_wait3A_1308 = tpu.memref_squeeze %dma_wait3A_1307 : memref<1x1792xf32, #tpu.memory_space<hbm>> -> memref<1792xf32, #tpu.memory_space<hbm>>
      %dma_wait3A_1309 = arith.constant 0 : i32
      %dma_wait3A_1310 = tpu.memref_slice %arg9[%squeeze3A_113, %dma_wait3A_1309] : memref<128x1792xf32, #tpu.memory_space<vmem_shared>> -> memref<1x1792xf32, #tpu.memory_space<vmem_shared>>
      %dma_wait3A_1311 = tpu.memref_squeeze %dma_wait3A_1310 : memref<1x1792xf32, #tpu.memory_space<vmem_shared>> -> memref<1792xf32, #tpu.memory_space<vmem_shared>>
      tpu.wait_dma2 semaphore(%arg12 : memref<!tpu.dma_semaphore, #tpu.memory_space<semaphore_mem>>) src(%dma_wait3A_1311 : memref<1792xf32, #tpu.memory_space<vmem_shared>>) dst(%dma_wait3A_1308 : memref<1792xf32, #tpu.memory_space<hbm>>)
      %dma_wait3A_1312 = tpu.memref_slice %arg4[%add3A_968, %mul3A_973] : memref<512x114688xf32, #tpu.memory_space<hbm>> -> memref<1x1792xf32, #tpu.memory_space<hbm>>
      %dma_wait3A_1313 = tpu.memref_squeeze %dma_wait3A_1312 : memref<1x1792xf32, #tpu.memory_space<hbm>> -> memref<1792xf32, #tpu.memory_space<hbm>>
      %dma_wait3A_1314 = arith.constant 0 : i32
      %dma_wait3A_1315 = tpu.memref_slice %arg9[%squeeze3A_115, %dma_wait3A_1314] : memref<128x1792xf32, #tpu.memory_space<vmem_shared>> -> memref<1x1792xf32, #tpu.memory_space<vmem_shared>>
      %dma_wait3A_1316 = tpu.memref_squeeze %dma_wait3A_1315 : memref<1x1792xf32, #tpu.memory_space<vmem_shared>> -> memref<1792xf32, #tpu.memory_space<vmem_shared>>
      tpu.wait_dma2 semaphore(%arg12 : memref<!tpu.dma_semaphore, #tpu.memory_space<semaphore_mem>>) src(%dma_wait3A_1316 : memref<1792xf32, #tpu.memory_space<vmem_shared>>) dst(%dma_wait3A_1313 : memref<1792xf32, #tpu.memory_space<hbm>>)
      %dma_wait3A_1317 = tpu.memref_slice %arg4[%add3A_975, %mul3A_980] : memref<512x114688xf32, #tpu.memory_space<hbm>> -> memref<1x1792xf32, #tpu.memory_space<hbm>>
      %dma_wait3A_1318 = tpu.memref_squeeze %dma_wait3A_1317 : memref<1x1792xf32, #tpu.memory_space<hbm>> -> memref<1792xf32, #tpu.memory_space<hbm>>
      %dma_wait3A_1319 = arith.constant 0 : i32
      %dma_wait3A_1320 = tpu.memref_slice %arg9[%squeeze3A_117, %dma_wait3A_1319] : memref<128x1792xf32, #tpu.memory_space<vmem_shared>> -> memref<1x1792xf32, #tpu.memory_space<vmem_shared>>
      %dma_wait3A_1321 = tpu.memref_squeeze %dma_wait3A_1320 : memref<1x1792xf32, #tpu.memory_space<vmem_shared>> -> memref<1792xf32, #tpu.memory_space<vmem_shared>>
      tpu.wait_dma2 semaphore(%arg12 : memref<!tpu.dma_semaphore, #tpu.memory_space<semaphore_mem>>) src(%dma_wait3A_1321 : memref<1792xf32, #tpu.memory_space<vmem_shared>>) dst(%dma_wait3A_1318 : memref<1792xf32, #tpu.memory_space<hbm>>)
      %dma_wait3A_1322 = tpu.memref_slice %arg4[%add3A_982, %mul3A_987] : memref<512x114688xf32, #tpu.memory_space<hbm>> -> memref<1x1792xf32, #tpu.memory_space<hbm>>
      %dma_wait3A_1323 = tpu.memref_squeeze %dma_wait3A_1322 : memref<1x1792xf32, #tpu.memory_space<hbm>> -> memref<1792xf32, #tpu.memory_space<hbm>>
      %dma_wait3A_1324 = arith.constant 0 : i32
      %dma_wait3A_1325 = tpu.memref_slice %arg9[%squeeze3A_119, %dma_wait3A_1324] : memref<128x1792xf32, #tpu.memory_space<vmem_shared>> -> memref<1x1792xf32, #tpu.memory_space<vmem_shared>>
      %dma_wait3A_1326 = tpu.memref_squeeze %dma_wait3A_1325 : memref<1x1792xf32, #tpu.memory_space<vmem_shared>> -> memref<1792xf32, #tpu.memory_space<vmem_shared>>
      tpu.wait_dma2 semaphore(%arg12 : memref<!tpu.dma_semaphore, #tpu.memory_space<semaphore_mem>>) src(%dma_wait3A_1326 : memref<1792xf32, #tpu.memory_space<vmem_shared>>) dst(%dma_wait3A_1323 : memref<1792xf32, #tpu.memory_space<hbm>>)
      %dma_wait3A_1327 = tpu.memref_slice %arg4[%add3A_989, %mul3A_994] : memref<512x114688xf32, #tpu.memory_space<hbm>> -> memref<1x1792xf32, #tpu.memory_space<hbm>>
      %dma_wait3A_1328 = tpu.memref_squeeze %dma_wait3A_1327 : memref<1x1792xf32, #tpu.memory_space<hbm>> -> memref<1792xf32, #tpu.memory_space<hbm>>
      %dma_wait3A_1329 = arith.constant 0 : i32
      %dma_wait3A_1330 = tpu.memref_slice %arg9[%squeeze3A_121, %dma_wait3A_1329] : memref<128x1792xf32, #tpu.memory_space<vmem_shared>> -> memref<1x1792xf32, #tpu.memory_space<vmem_shared>>
      %dma_wait3A_1331 = tpu.memref_squeeze %dma_wait3A_1330 : memref<1x1792xf32, #tpu.memory_space<vmem_shared>> -> memref<1792xf32, #tpu.memory_space<vmem_shared>>
      tpu.wait_dma2 semaphore(%arg12 : memref<!tpu.dma_semaphore, #tpu.memory_space<semaphore_mem>>) src(%dma_wait3A_1331 : memref<1792xf32, #tpu.memory_space<vmem_shared>>) dst(%dma_wait3A_1328 : memref<1792xf32, #tpu.memory_space<hbm>>)
      %dma_wait3A_1332 = tpu.memref_slice %arg4[%add3A_996, %mul3A_1001] : memref<512x114688xf32, #tpu.memory_space<hbm>> -> memref<1x1792xf32, #tpu.memory_space<hbm>>
      %dma_wait3A_1333 = tpu.memref_squeeze %dma_wait3A_1332 : memref<1x1792xf32, #tpu.memory_space<hbm>> -> memref<1792xf32, #tpu.memory_space<hbm>>
      %dma_wait3A_1334 = arith.constant 0 : i32
      %dma_wait3A_1335 = tpu.memref_slice %arg9[%squeeze3A_123, %dma_wait3A_1334] : memref<128x1792xf32, #tpu.memory_space<vmem_shared>> -> memref<1x1792xf32, #tpu.memory_space<vmem_shared>>
      %dma_wait3A_1336 = tpu.memref_squeeze %dma_wait3A_1335 : memref<1x1792xf32, #tpu.memory_space<vmem_shared>> -> memref<1792xf32, #tpu.memory_space<vmem_shared>>
      tpu.wait_dma2 semaphore(%arg12 : memref<!tpu.dma_semaphore, #tpu.memory_space<semaphore_mem>>) src(%dma_wait3A_1336 : memref<1792xf32, #tpu.memory_space<vmem_shared>>) dst(%dma_wait3A_1333 : memref<1792xf32, #tpu.memory_space<hbm>>)
      %barrier3A_1337 = arith.constant 0 : index
      tpu.barrier barrier_id(%barrier3A_1337)
      %add3A_1338 = arith.constant 2 : i32
      %add3A_1339 = arith.addi %add3A_181, %add3A_1338 : i32
      %min3A_1340 = arith.minsi %add3A_1339, %scan3A_124 : i32
      %mul3A_1341 = arith.constant 8 : i32
      %mul3A_1342 = arith.muli %arg1, %mul3A_1341 : i32
      %mul3A_1343 = arith.constant 32 : i32
      %mul3A_1344 = arith.muli %arg0, %mul3A_1343 : i32
      %add3A_1345 = arith.addi %mul3A_1344, %min3A_1340 : i32
      %mul3A_1346 = arith.constant 1792 : i32
      %mul3A_1347 = arith.muli %add3A_1345, %mul3A_1346 : i32
      %mul3A_1348 = arith.constant 8 : i32
      %mul3A_1349 = arith.muli %arg1, %mul3A_1348 : i32
      %dma_start3A_1350 = arith.constant 0 : i32
      %dma_start3A_1351 = tpu.memref_slice %arg9[%mul3A_1349, %dma_start3A_1350] : memref<128x1792xf32, #tpu.memory_space<vmem_shared>> -> memref<8x1792xf32, #tpu.memory_space<vmem_shared>>
      %dma_start3A_1352 = tpu.memref_slice %arg3[%mul3A_1342, %mul3A_1347] : memref<128x114688xf32, #tpu.memory_space<hbm>> -> memref<8x1792xf32, #tpu.memory_space<hbm>>
      tpu.enqueue_dma source(%dma_start3A_1352 : memref<8x1792xf32, #tpu.memory_space<hbm>>) target(%dma_start3A_1351 : memref<8x1792xf32, #tpu.memory_space<vmem_shared>>) target_semaphore(%arg11 : memref<!tpu.dma_semaphore, #tpu.memory_space<semaphore_mem>>)
    }
    %scan3A_129 = arith.constant 11 : i32
    %mul3A_130 = arith.constant 8 : i32
    %mul3A_131 = arith.muli %arg1, %mul3A_130 : i32
    %mul3A_132 = arith.constant 32 : i32
    %mul3A_133 = arith.muli %arg0, %mul3A_132 : i32
    %add3A_134 = arith.constant 21 : i32
    %add3A_135 = arith.addi %mul3A_133, %add3A_134 : i32
    %mul3A_136 = arith.constant 1792 : i32
    %mul3A_137 = arith.muli %add3A_135, %mul3A_136 : i32
    %mul3A_138 = arith.constant 8 : i32
    %mul3A_139 = arith.muli %arg1, %mul3A_138 : i32
    %dma_wait3A = arith.constant 0 : i32
    %dma_wait3A_140 = tpu.memref_slice %arg8[%mul3A_139, %dma_wait3A] : memref<128x1792xf32, #tpu.memory_space<vmem_shared>> -> memref<8x1792xf32, #tpu.memory_space<vmem_shared>>
    %dma_wait3A_141 = tpu.memref_slice %arg3[%mul3A_131, %mul3A_137] : memref<128x114688xf32, #tpu.memory_space<hbm>> -> memref<8x1792xf32, #tpu.memory_space<hbm>>
    tpu.wait_dma2 semaphore(%arg10 : memref<!tpu.dma_semaphore, #tpu.memory_space<semaphore_mem>>) src(%dma_wait3A_141 : memref<8x1792xf32, #tpu.memory_space<hbm>>) dst(%dma_wait3A_140 : memref<8x1792xf32, #tpu.memory_space<vmem_shared>>)
    %mul3A_142 = arith.constant 8 : i32
    %mul3A_143 = arith.muli %arg1, %mul3A_142 : i32
    %mul3A_144 = arith.constant 32 : i32
    %mul3A_145 = arith.muli %arg0, %mul3A_144 : i32
    %add3A_146 = arith.constant 21 : i32
    %add3A_147 = arith.addi %mul3A_145, %add3A_146 : i32
    %mul3A_148 = arith.constant 1792 : i32
    %mul3A_149 = arith.muli %add3A_147, %mul3A_148 : i32
    %mul3A_150 = arith.constant 8 : i32
    %mul3A_151 = arith.muli %arg1, %mul3A_150 : i32
    %dma_wait3A_152 = arith.constant 0 : i32
    %dma_wait3A_153 = tpu.memref_slice %arg9[%mul3A_151, %dma_wait3A_152] : memref<128x1792xf32, #tpu.memory_space<vmem_shared>> -> memref<8x1792xf32, #tpu.memory_space<vmem_shared>>
    %dma_wait3A_154 = tpu.memref_slice %arg3[%mul3A_143, %mul3A_149] : memref<128x114688xf32, #tpu.memory_space<hbm>> -> memref<8x1792xf32, #tpu.memory_space<hbm>>
    tpu.wait_dma2 semaphore(%arg11 : memref<!tpu.dma_semaphore, #tpu.memory_space<semaphore_mem>>) src(%dma_wait3A_154 : memref<8x1792xf32, #tpu.memory_space<hbm>>) dst(%dma_wait3A_153 : memref<8x1792xf32, #tpu.memory_space<vmem_shared>>)
    %add3A_155 = arith.constant 0 : i32
    %add3A_156 = arith.addi %mul3A_0, %add3A_155 : i32
    %mul3A_157 = arith.constant 32 : i32
    %mul3A_158 = arith.muli %arg0, %mul3A_157 : i32
    %add3A_159 = arith.constant 31 : i32
    %add3A_160 = arith.addi %mul3A_158, %add3A_159 : i32
    %mul3A_161 = arith.constant 1792 : i32
    %mul3A_162 = arith.muli %add3A_160, %mul3A_161 : i32
    %dma_wait3A_163 = tpu.memref_slice %arg4[%add3A_156, %mul3A_162] : memref<512x114688xf32, #tpu.memory_space<hbm>> -> memref<16x1792xf32, #tpu.memory_space<hbm>>
    %dma_wait3A_164 = tpu.memref_slice %arg4[%add3A_156, %mul3A_162] : memref<512x114688xf32, #tpu.memory_space<hbm>> -> memref<16x1792xf32, #tpu.memory_space<hbm>>
    tpu.wait_dma2 semaphore(%arg14 : memref<!tpu.dma_semaphore, #tpu.memory_space<semaphore_mem>>) src(%arg6 : memref<16x1792xf32, #tpu.memory_space<vmem>>) dst(%dma_wait3A_164 : memref<16x1792xf32, #tpu.memory_space<hbm>>)
    %add3A_165 = arith.constant 16 : i32
    %add3A_166 = arith.addi %mul3A_0, %add3A_165 : i32
    %mul3A_167 = arith.constant 32 : i32
    %mul3A_168 = arith.muli %arg0, %mul3A_167 : i32
    %add3A_169 = arith.constant 31 : i32
    %add3A_170 = arith.addi %mul3A_168, %add3A_169 : i32
    %mul3A_171 = arith.constant 1792 : i32
    %mul3A_172 = arith.muli %add3A_170, %mul3A_171 : i32
    %dma_wait3A_173 = tpu.memref_slice %arg4[%add3A_166, %mul3A_172] : memref<512x114688xf32, #tpu.memory_space<hbm>> -> memref<16x1792xf32, #tpu.memory_space<hbm>>
    %dma_wait3A_174 = tpu.memref_slice %arg4[%add3A_166, %mul3A_172] : memref<512x114688xf32, #tpu.memory_space<hbm>> -> memref<16x1792xf32, #tpu.memory_space<hbm>>
    tpu.wait_dma2 semaphore(%arg15 : memref<!tpu.dma_semaphore, #tpu.memory_space<semaphore_mem>>) src(%arg7 : memref<16x1792xf32, #tpu.memory_space<vmem>>) dst(%dma_wait3A_174 : memref<16x1792xf32, #tpu.memory_space<hbm>>)
    return
  }
}

</mosaic_0001>

<sc_bundles>
// kernel: kernel.3.cloned.1.call-start
scs
__scs_entry_jumppad:
0x0: {  	(pc) =	sbr.rel $0x88, $3  }
0x1: {  	(tag) =	ssettag $0x0;
	lr =	simm.s32 $0x1  }
0x2: {  	[smem:$0x3F9F] =	sst lr;
	_ =	strace $0xD0000000  }
0x3: {  	_ = 	snop  }
0x4: {  	_ = 	snop  }
0x5: {  	_ = 	snop  }
0x6: {  	_ = 	snop  }
0x7: {  	_ = 	snop  }
__scs_overlays_trampoline_lowered:
0x8: {  	[smem:$0x3FAE] =	sst s0  }
0x9: {  	[smem:$0x3FAF] =	sst s1  }
0xa: {  	[smem:$0x3FB0] =	sst s2  }
0xb: {  	[smem:$0x3FB1] =	sst s3  }
0xc: {  	[smem:$0x3FB2] =	sst s4  }
0xd: {  	[smem:$0x3FB3] =	sst s5  }
0xe: {  	[smem:$0x3FB4] =	sst s6  }
0xf: {  	[smem:$0x3FB5] =	sst s7  }
0x10: {  	[smem:$0x3FB6] =	sst s8  }
0x11: {  	[smem:$0x3FB7] =	sst s9;
	s0 =	simm.s32 @!p0 $0x0  }
0x12: {  	s1 =	sld [smem:$0x3F9D];
	s0 =	simm.s32 @p0 $0x1  }
0x13: {  	[smem:$0x3FB8] =	sst s0;
	s0 =	simm.s32 @!p1 $0x0  }
0x14: {  	s2 =	sld [smem:$0x3F9C];
	s0 =	simm.s32 @p1 $0x1  }
0x15: {  	[smem:$0x3FB9] =	sst s0;
	s0 =	simm.s32 @!p2 $0x0  }
0x16: {  	s3 =	sld [smem:$0x3FDB];
	s0 =	simm.s32 @p2 $0x1  }
0x17: {  	s4 =	simm.s32 $0x1BF5;
	[smem:$0x3FBB] =	sst s0  }
0x18: {  	s0 =	sld [smem:$0x3F9E];
	_ =	swait.ge [sflag:s4], $0x0  }
0x19: {  	s7 =	sld [smem:$0x3F9F]  }
0x1a: {  	s8 =	sadd.s32 $0xFFFFE003, lr  }
0x1b: {  	s9 =	sadd.s32 $0xFFFFFEF7, lr;
	s5 =	simm.s32 $0xFFFFFFFF;
	p2 =	slt.u32 s8, $0xFFFFF086  }
0x1c: {  	p1 =	slt.u32 s9, $0xF7A;
	s5 =	simm.s32 @!p2 $0x0  }
0x1d: {  	s5 =	simm.s32 @p1 $0x1;
	p0 =	seq.s32 s7, s2  }
0x1e: {  	s7 =	smul.u32 @!p0 $0xF7A, s2;
	p2 =	seq.s32 @!p0 s5, $0x0  }
0x1f: {  	s9 =	smul.u32 $0xF7A, s1;
	s8 =	simm.s32 @!p0 $0x1BF5;
	p2 =	por !p2, p0  }
0x20: {  	[sflag:s8] =	ssyncset.s32 @!p0 $0xFFFFF086;
	s6 =	sadd.s32 @!p0 s3, s7;
	s7 =	simm.s32 @!p0 $0x108  }
0x21: {  	s3 =	sadd.s32 s3, s9;
	s6 =	sadd.s32 @!p0 $0x88, s6;
	s7 =	simm.s32 @p2 $0x1082  }
0x22: {  	[simem:s7], [sflag:s8] =	dma.local @!p0 [hbm:s6], $0xF7A  }
0x23: {  	s9 =	sor.u32 $0xD0000000, s2;
	s6 =	simm.s32 $0x108;
	_ =	swait.ge @!p0 [sflag:s8], $0x0  }
0x24: {  	s3 =	sadd.s32 $0x88, s3;
	s6 =	simm.s32 @!p1 $0x1082;
	[sflag:s4] =	ssyncset.s32 $0xFFFFF086  }
0x25: {  	[simem:s6], [sflag:s4] =	dma.local [hbm:s3], $0xF7A  }
0x26: {  	[smem:$0x3F9F] =	sst s1;
	(tag) =	ssettag s2;
	_ =	strace s9  }
0x27: {  	s1 =	sld [smem:$0x3FAF]  }
0x28: {  	s2 =	sld [smem:$0x3FB0]  }
0x29: {  	s4 =	sld [smem:$0x3FB2]  }
0x2a: {  	p0 =	seq.s32 s5, $0x0;
	s5 =	sld [smem:$0x3FB3]  }
0x2b: {  	s6 =	sld [smem:$0x3FB4]  }
0x2c: {  	s7 =	sld [smem:$0x3FB5]  }
0x2d: {  	s3 =	simm.s32 $0x108;
	s8 =	sld [smem:$0x3FB6]  }
0x2e: {  	s3 =	simm.s32 @!p0 $0x1082;
	s9 =	sld [smem:$0x3FB7]  }
0x2f: {  	lr =	sadd.s32 s0, s3;
	s0 =	sld [smem:$0x3FAE]  }
0x30: {  	s3 =	sld [smem:$0x3FB1]  }
0x31: {  	[smem:$0x3FBA] =	sst s10  }
0x32: {  	s10 =	sld [smem:$0x3FB8];
	_ =	sdelay $0x3  }
0x33: {  	p0 =	seq.s32 s10, $0x1;
	s10 =	sld [smem:$0x3FBA];
	_ =	sdelay $0x3  }
0x34: {  	[smem:$0x3FBA] =	sst s10  }
0x35: {  	s10 =	sld [smem:$0x3FB9];
	_ =	sdelay $0x3  }
0x36: {  	p1 =	seq.s32 s10, $0x1;
	s10 =	sld [smem:$0x3FBA];
	_ =	sdelay $0x3  }
0x37: {  	[smem:$0x3FBA] =	sst s10  }
0x38: {  	s10 =	sld [smem:$0x3FBB]  }
0x39: {  	_ = 	snop;
	(pc) =	sbr.ind lr, $3  }
0x3a: {  	_ = 	snop  }
0x3b: {  	_ = 	snop  }
0x3c: {  	p2 =	seq.s32 s10, $0x1;
	s10 =	sld [smem:$0x3FBA]  }
0x3d: {  	_ =	shalt  }
0x3e: {  	_ =	shalt  }
0x3f: {  	_ =	shalt  }
0x40: {  	_ =	shalt  }
0x41: {  	_ =	shalt  }
0x42: {  	_ =	shalt  }
0x43: {  	_ =	shalt  }
0x44: {  	_ =	shalt  }
0x45: {  	_ =	shalt  }
0x46: {  	_ =	shalt  }
0x47: {  	_ =	shalt  }
0x48: {  	_ =	shalt  }
0x49: {  	_ =	shalt  }
0x4a: {  	_ =	shalt  }
0x4b: {  	_ =	shalt  }
0x4c: {  	_ =	shalt  }
0x4d: {  	_ =	shalt  }
0x4e: {  	_ =	shalt  }
0x4f: {  	_ =	shalt  }
0x50: {  	_ =	shalt  }
0x51: {  	_ =	shalt  }
0x52: {  	_ =	shalt  }
0x53: {  	_ =	shalt  }
0x54: {  	_ =	shalt  }
0x55: {  	_ =	shalt  }
0x56: {  	_ =	shalt  }
0x57: {  	_ =	shalt  }
0x58: {  	_ =	shalt  }
0x59: {  	_ =	shalt  }
0x5a: {  	_ =	shalt  }
0x5b: {  	_ =	shalt  }
0x5c: {  	_ =	shalt  }
0x5d: {  	_ =	shalt  }
0x5e: {  	_ =	shalt  }
0x5f: {  	_ =	shalt  }
0x60: {  	_ =	shalt  }
0x61: {  	_ =	shalt  }
0x62: {  	_ =	shalt  }
0x63: {  	_ =	shalt  }
0x64: {  	_ =	shalt  }
0x65: {  	_ =	shalt  }
0x66: {  	_ =	shalt  }
0x67: {  	_ =	shalt  }
0x68: {  	_ =	shalt  }
0x69: {  	_ =	shalt  }
0x6a: {  	_ =	shalt  }
0x6b: {  	_ =	shalt  }
0x6c: {  	_ =	shalt  }
0x6d: {  	_ =	shalt  }
0x6e: {  	_ =	shalt  }
0x6f: {  	_ =	shalt  }
0x70: {  	_ =	shalt  }
0x71: {  	_ =	shalt  }
0x72: {  	_ =	shalt  }
0x73: {  	_ =	shalt  }
0x74: {  	_ =	shalt  }
0x75: {  	_ =	shalt  }
0x76: {  	_ =	shalt  }
0x77: {  	_ =	shalt  }
0x78: {  	_ =	shalt  }
0x79: {  	_ =	shalt  }
0x7a: {  	_ =	shalt  }
0x7b: {  	_ =	shalt  }
0x7c: {  	_ =	shalt  }
0x7d: {  	_ =	shalt  }
0x7e: {  	_ =	shalt  }
0x7f: {  	_ =	shalt  }
0x80: {  	_ =	shalt  }
0x81: {  	_ =	shalt  }
0x82: {  	_ =	shalt  }
0x83: {  	_ =	shalt  }
0x84: {  	_ =	shalt  }
0x85: {  	_ =	shalt  }
0x86: {  	_ =	shalt  }
0x87: {  	_ =	shalt  }
.Lfunc_end0:
.L_simem_size_0:
called_computation_lowered:
.L_overlay_start_0:
0x88: {  	s2 =	sld [smem:$0x3FD9]  }
0x89: {  	s3 =	sld [smem:$0x3FFE];
	_ =	sdelay $0x1  }
0x8a: {  	s1 =	srdreg.scid  }
0x8b: {  	s0 =	sand.u32 $0x1, s1  }
0x8c: {  	s18 =	sshll.u32 s0, $0xA;
	s2 =	sadd.s32 s3, s2  }
0x8d: {  	s2 =	sadd.s32 s2, s18  }
0x8e: {  	[smem:$0x3FC6] =	sst s2  }
0x8f: {  	_ = 	snop  }
0x90: {  	s2 =	sld [smem:$0x3FC9]  }
0x91: {  	s19 =	sld [smem:$0x3FC8]  }
0x92: {  	s4 =	sld [smem:$0x3FD0];
	(tm) =	ssettm $0x1  }
0x93: {  	s5 =	sld [smem:$0x3FFB];
	_ =	sdelay $0x3  }
0x94: {  	_ =	strace s5  }
0x95: {  	s5 =	sld [smem:$0x3FFC];
	_ =	sdelay $0x3  }
0x96: {  	_ =	strace s5  }
0x97: {  	s5 =	sld [smem:$0x3FFD];
	_ =	sdelay $0x3  }
0x98: {  	_ =	strace s5  }
0x99: {  	_ =	strace $0x8FFFFFFF  }
0x9a: {  	s20 =	sld [smem:$0x3FDB];
	_ =	sdelay $0x1  }
0x9b: {  	s6 =	simm.s32 $_scs_section_size  }
0x9c: {  	s7 =	simm.s32 $_size__tile_overlayer_lowered;
	s8 =	simm.s32 $_tile_overlayer_lowered  }
0x9d: {  	s23 =	simm.s32 $0x1BFF;
	s22 =	sshll.u32 s8, $0x1;
	s5 =	sadd.s32 s6, s20  }
0x9e: {  	s9 =	simm.s32 $0x0;
	s21 =	sshll.u32 s7, $0x1;
	s7 =	sadd.s32 s22, s5  }
0x9f: {  	[timem:s9], [sflag:s23] =	dma.local [hbm:s7], s21  }
0xa0: {  	_ =	swait.ge [sflag:s23], s21  }
0xa1: {  	s6 =	ssub.s32 $0x0, s21;
	[sflag:s23] =	ssyncset.done $0x0  }
0xa2: {  	[sflag:s23] =	ssyncadd.s32 s6;
	_ =	sdelay $0x1  }
0xa3: {  	s24 =	simm.s32 $0x1B8B  }
0xa4: {  	_ =	swait.ge [sflag:s24], $0x1  }
0xa5: {  	[sflag:s24] =	ssyncset.done $0x0  }
0xa6: {  	s25 =	simm.s32 $0x1B8E;
	[sflag:s24] =	ssyncadd.s32 $0xFFFFFFFF  }
0xa7: {  	s26 =	simm.s32 $execute0_lowered;
	[smem:$0x3FD2] =	sst s25  }
0xa8: {  	s6 =	sshll.u32 s26, $0x1;
	_ =	strace $0x80000046;
	[dreg:$0x1] =	wrdreg $0xFFFFFFFF  }
0xa9: {  	s28 =	simm.s32 $_size_execute0_lowered;
	s5 =	sadd.s32 s5, s6;
	[dreg:$0x0] =	wrdreg $0x0  }
0xaa: {  	s6 =	sshll.u32 s28, $0x1;
	[dreg:$0x2] =	wrdreg s5  }
0xab: {  	[dreg:$0x3] =	wrdreg s6  }
0xac: {  	[dreg:$0x4] =	wrdreg $0xC0  }
0xad: {  	_ =	task [dreg:s9], $0x5FFFF  }
0xae: {  	[dreg:$0x1] =	wrdreg $0xFFFFFFFF  }
0xaf: {  	[dreg:$0x0] =	wrdreg $0x60  }
0xb0: {  	[dreg:$0x2] =	wrdreg s2  }
0xb1: {  	[dreg:$0x3] =	wrdreg s19  }
0xb2: {  	[dreg:$0x4] =	wrdreg s4  }
0xb3: {  	[dreg:$0x5] =	wrdreg $0xE0800  }
0xb4: {  	[dreg:$0x6] =	wrdreg $0x118800  }
0xb5: {  	[dreg:$0x7] =	wrdreg $0x9  }
0xb6: {  	_ =	task.clear_ibuf [dreg:s9], $0x8FFFF;
	_ =	strace $0x90000046  }
0xb7: {  	s29 =	simm.s32 $0x9;
	_ =	strace $0x80000048  }
0xb8: {  	_ =	swait.ge [sflag:s29], $0x1  }
0xb9: {  	[sflag:s29] =	ssyncadd.s32 $0xFFFFFFFF  }
0xba: {  	_ =	strace $0x90000048  }
0xbb: {  	_ =	sfence  }
0xbc: {  	s30 =	sld [smem:$0x0];
	_ =	sdelay $0x2  }
0xbd: {  	s31 =	sshll.u32 s1, $0xD;
	s1 =	sshrl.u32 s1, $0x2  }
0xbe: {  	s3 =	sand.u32 $0x4000, s31;
	s1 =	sadd.s32 s1, s30  }
0xbf: {  	s0 =	sor.u32 s3, s0;
	s1 =	sshll.u32 s1, $0x11  }
0xc0: {  	s0 =	sor.u32 s1, s0  }
0xc1: {  	s0 =	sadd.s32 $0x8F2B, s0  }
0xc2: {  	[sflag:s0] =	ssyncadd.remote.s32 $0x1  }
0xc3: {  	_ =	sfence.sel $0xFFFF  }
0xc4: {  	[dreg:$0x0] =	wrdreg $0xFFFFFFFF;
	(pc) =	sbr.abs _section_cstart, $3  }
0xc5: {  	[dreg:$0x1] =	wrdreg $0xFFFFFFFF  }
0xc6: {  	_ =	task.clear_ibuf [dreg:s9], $0x2FFFF;
	_ =	strace $0x9FFFFFFF  }
0xc7: {  	(tm) =	ssettm $0x7FFFFFFF  }
tec
execute0_lowered:
.L_overlay_start_1:
0x0: {  	(tag) =	ssettag $0x1  }
0x1: {  	s0 =	rddreg [dreg:$0x0]  }
0x2: {  	s6 =	rddreg [dreg:$0x1]  }
0x3: {  	s10 =	rddreg [dreg:$0x2]  }
0x4: {  	s9 =	rddreg [dreg:$0x3]  }
0x5: {  	s1 =	srdreg.scid;
	s2 =	stileid.u32  }
0x6: {  	s11 =	rddreg [dreg:$0x4];
	s4 =	simm.s32 $0x0;
	s8 =	smul.u32 $0xE0000, s2  }
0x7: {  	s29 =	simm.s32 $0x1;
	s30 =	simm.s32 $0x80;
	s7 =	smul.u32 $0x3800, s2  }
0x8: {  	s1 =	sand.u32 $0x1, s1;
	[smem:$0x7FF] =	sst s4;
	s26 =	smul.u32 $0x380000, s2  }
0x9: {  	s12 =	sshll.u32 s2, $0x6;
	s28 =	sshll.u32 s2, $0x2;
	s3 =	smul.u32 $0x70000, s1  }
0xa: {  	s20 =	ssub.s32 $0x2, s1;
	[smem:$0x7EA] =	sst s8;
	s22 =	sadd.s32 s7, s9  }
0xb: {  	s25 =	sadd.s32 s7, s11;
	_ =	strace $0x80000047;
	[smem:$0x7EC] =	sst s22  }
0xc: {  	s24 =	sshll.u32 s1, $0x5;
	s0 =	sadd.s32 s0, s28;
	[smem:$0x7EE] =	sst s25  }
0xd: {  	s1 =	smul.u32 $0xE000, s1;
	s2 =	sor.u32 $0x2, s24;
	[smem:$0x7EF] =	sst s0  }
0xe: {  	s5 =	sshrl.u32 s20, $0x1;
	s11 =	sor.u32 $0x3, s24;
	[dreg:$0x6] =	wrdreg s2  }
0xf: {  	s8 =	sadd.s32 s3, s8;
	s4 =	ssub.s32 s20, s5;
	[dreg:$0x7] =	wrdreg s11  }
0x10: {  	s13 =	sadd.s32 s1, s6;
	[smem:$0x7FC] =	sst s12;
	s1 =	sor.u32 $0x1C01, s12  }
0x11: {  	s14 =	sor.u32 s3, s26;
	s15 =	smax.u32 s4, $0x1;
	[smem:$0x7FD] =	sst s1  }
0x12: {  	s21 =	sshrl.u32 s8, $0x3;
	s0 =	sadd.s32 $0x9A00, s13;
	[smem:$0x7F0] =	sst s15  }
0x13: {  	s23 =	sor.u32 $0x3800, s8;
	s28 =	sshrl.u32 s14, $0x3;
	[smem:$0x7F1] =	sst s0  }
0x14: {  	s16 =	sadd.s32 $0x20D000, s14;
	s5 =	sadd.s32 s6, s21;
	[smem:$0x7FB] =	sst s28  }
0x15: {  	s3 =	sor.u32 $0x3800, s14;
	s0 =	sshrl.u32 s16, $0x3;
	[smem:$0x7EB] =	sst s5  }
0x16: {  	s25 =	sadd.s32 $0xE0000, s14;
	s18 =	sshrl.u32 s3, $0x3;
	[smem:$0x7F2] =	sst s0  }
0x17: {  	s17 =	sadd.s32 $0x4D000, s14;
	s26 =	sshrl.u32 s25, $0x3;
	[smem:$0x7F4] =	sst s18  }
0x18: {  	s21 =	sadd.s32 $0x2A3800, s14;
	s0 =	sshrl.u32 s17, $0x3;
	[smem:$0x7FA] =	sst s26  }
0x19: {  	s5 =	sshrl.u32 s23, $0x3;
	s22 =	sshrl.u32 s21, $0x3;
	[smem:$0x7F3] =	sst s0  }
0x1a: {  	s19 =	sadd.s32 $0xE3800, s14;
	s5 =	sadd.s32 s6, s5;
	[smem:$0x7F7] =	sst s22  }
0x1b: {  	s20 =	sadd.s32 $0x1C3800, s14;
	s0 =	sshrl.u32 s19, $0x3;
	[smem:$0x7ED] =	sst s5  }
0x1c: {  	s23 =	sadd.s32 $0x2A0000, s14;
	[smem:$0x7F5] =	sst s0;
	s0 =	sshrl.u32 s20, $0x3  }
0x1d: {  	s24 =	sadd.s32 $0x1C0000, s14;
	[smem:$0x7F6] =	sst s0;
	s0 =	sshrl.u32 s23, $0x3  }
0x1e: {  	s31 =	simm.s32 $0x3;
	[smem:$0x7F8] =	sst s0;
	s0 =	sshrl.u32 s24, $0x3  }
0x1f: {  	s2 =	simm.s32 $0x0;
	s6 =	smov.u32 s10;
	[smem:$0x7F9] =	sst s0  }
.LBB2_1:
0x20: {  	s0 =	sld [smem:$0x7EC];
	_ =	sdelay $0x1  }
0x21: {  	s20 =	sld [smem:$0x7EB]  }
0x22: {  	[smem:$0x7AA] =	sst s2;
	s19 =	sshrl.u32 s0, $0x3  }
0x23: {  	[smem:$0x7C9] =	sst s19  }
0x24: {  	[spmem:s19], [sflag:s1] =	dma.local [hbm:s20], $0x700  }
0x25: {  	s0 =	sld [smem:$0x7FC]  }
0x26: {  	s22 =	sld [smem:$0x7EE];
	_ =	sdelay $0x1  }
0x27: {  	s23 =	sld [smem:$0x7ED];
	s21 =	sor.u32 $0x1C02, s0  }
0x28: {  	s3 =	sshrl.u32 s22, $0x3;
	[smem:$0x7AB] =	sst s21  }
0x29: {  	[smem:$0x7AC] =	sst s3  }
0x2a: {  	[spmem:s3], [sflag:s21] =	dma.local [hbm:s23], $0x700  }
0x2b: {  	s0 =	sld [smem:$0x7EF];
	_ =	sdelay $0x1  }
0x2c: {  	s24 =	simm.s32 $0x0;
	s25 =	simm.s32 $0x7  }
0x2d: {  	[tilespmem:s24], [sflag:$0x7] =	stream.linear.gather [hbm4b:s0+s24], $0x20, $0x38;
	[tilespmem:$0x15080] =	vst v63  }
0x2e: {  	_ =	swait.ge [sflag:s25], $0x20  }
0x2f: {  	[sflag:s25] =	ssyncset.done $0x0  }
0x30: {  	[sflag:s25] =	ssyncadd.s32 $0xFFFFFFE0  }
0x31: {  	v0 =	vld [tilespmem:$0x0];
	_ =	sdelay $0x4  }
0x32: {  	(v2sf) =	vpush v0, $0x0  }
0x33: {  	(v2sf) =	vpush v0, $0x1  }
0x34: {  	(v2sf) =	vpush v0, $0x2;
	_ =	sdelay $0x1  }
0x35: {  	(v2sf) =	vpush v0, $0x3;
	_ =	sdelay $0x1  }
0x36: {  	(v2sf) =	vpush v0, $0x4;
	_ =	sdelay $0x1  }
0x37: {  	(v2sf) =	vpush v0, $0x5;
	_ =	sdelay $0x1  }
0x38: {  	(v2sf) =	vpush v0, $0x6;
	_ =	sdelay $0x1  }
0x39: {  	(v2sf) =	vpush v0, $0x7;
	_ =	sdelay $0x1  }
0x3a: {  	(v2sf) =	vpush v0, $0x8  }
0x3b: {  	s10 =	spop (v2sf)  }
0x3c: {  	(v2sf) =	vpush v0, $0x9;
	s11 =	spop (v2sf)  }
0x3d: {  	s22 =	sshrl.u32 s10, $0x3;
	s10 =	sshll.u32 s10, $0x7;
	s14 =	spop (v2sf)  }
0x3e: {  	s22 =	smul.u32 $0x3800, s22;
	s23 =	sshrl.u32 s11, $0x3;
	s10 =	sand.u32 $0x380, s10  }
0x3f: {  	(v2sf) =	vpush v0, $0xA;
	s11 =	sshll.u32 s11, $0x7;
	s15 =	spop (v2sf);
	s23 =	smul.u32 $0x3800, s23  }
0x40: {  	s24 =	sshrl.u32 s14, $0x3;
	s14 =	sshll.u32 s14, $0x7;
	s28 =	sand.u32 $0x380, s11  }
0x41: {  	(v2sf) =	vpush v0, $0xB;
	s16 =	spop (v2sf);
	s24 =	smul.u32 $0x3800, s24;
	s26 =	sor.u32 s10, s22  }
0x42: {  	s2 =	sand.u32 $0x380, s14;
	s11 =	sshrl.u32 s15, $0x3;
	s14 =	sshll.u32 s15, $0x7  }
0x43: {  	(v2sf) =	vpush v0, $0xC;
	s17 =	spop (v2sf);
	[smem:$0x7AD] =	sst s26;
	s23 =	sor.u32 s28, s23  }
0x44: {  	v1 =	vld [tilespmem:$0x10];
	(v2sf) =	vpush v0, $0xD;
	s10 =	smul.u32 $0x3800, s11;
	s15 =	sshrl.u32 s16, $0x3;
	s11 =	sand.u32 $0x380, s14  }
0x45: {  	s16 =	sshll.u32 s16, $0x7;
	s18 =	spop (v2sf);
	s22 =	sor.u32 s2, s24  }
0x46: {  	s14 =	smul.u32 $0x3800, s15;
	s24 =	sshrl.u32 s17, $0x3;
	s17 =	sshll.u32 s17, $0x7  }
0x47: {  	(v2sf) =	vpush v0, $0xE;
	s26 =	sand.u32 $0x380, s16;
	s19 =	spop (v2sf);
	s15 =	smul.u32 $0x3800, s24  }
0x48: {  	(v2sf) =	vpush v0, $0xF;
	s25 =	sor.u32 s11, s10;
	s28 =	sand.u32 $0x380, s17;
	s16 =	sshrl.u32 s18, $0x3  }
0x49: {  	(v2sf) =	vpush v1, $0x0;
	s17 =	sshll.u32 s18, $0x7;
	s20 =	spop (v2sf);
	[smem:$0x7AE] =	sst s25  }
0x4a: {  	s14 =	sor.u32 s26, s14;
	s10 =	smul.u32 $0x3800, s16;
	s18 =	sshrl.u32 s19, $0x3  }
0x4b: {  	(v2sf) =	vpush v1, $0x1;
	s11 =	sand.u32 $0x380, s17;
	s26 =	sshll.u32 s19, $0x7;
	s21 =	spop (v2sf)  }
0x4c: {  	(v2sf) =	vpush v1, $0x2;
	[smem:$0x7AF] =	sst s14;
	s24 =	sor.u32 s28, s15;
	s14 =	smul.u32 $0x3800, s18  }
0x4d: {  	s25 =	sshrl.u32 s20, $0x3;
	s28 =	sshll.u32 s20, $0x7;
	s18 =	sand.u32 $0x380, s26  }
0x4e: {  	s13 =	spop (v2sf);
	s15 =	smul.u32 $0x3800, s25;
	s11 =	sor.u32 s11, s10  }
0x4f: {  	(v2sf) =	vpush v1, $0x3;
	s19 =	sand.u32 $0x380, s28;
	s25 =	sshrl.u32 s21, $0x3;
	s26 =	sshll.u32 s21, $0x7  }
0x50: {  	s12 =	spop (v2sf);
	[smem:$0x7B9] =	sst s11;
	s11 =	sor.u32 s18, s14  }
0x51: {  	s14 =	smul.u32 $0x3800, s25;
	s28 =	sshrl.u32 s13, $0x3;
	s10 =	sshll.u32 s13, $0x7  }
0x52: {  	s3 =	spop (v2sf);
	s20 =	sor.u32 s19, s15;
	s15 =	sand.u32 $0x380, s26  }
0x53: {  	s16 =	smul.u32 $0x3800, s28;
	s2 =	sshrl.u32 s12, $0x3;
	s9 =	spop (v2sf)  }
0x54: {  	s12 =	sshll.u32 s12, $0x7;
	[smem:$0x7B0] =	sst s20;
	s17 =	smul.u32 $0x3800, s2  }
0x55: {  	s13 =	sor.u32 s15, s14;
	s15 =	sand.u32 $0x380, s10;
	s12 =	sand.u32 $0x380, s12  }
0x56: {  	s8 =	spop (v2sf);
	s14 =	sor.u32 s15, s16;
	s16 =	sshrl.u32 s3, $0x3  }
0x57: {  	s3 =	sshll.u32 s3, $0x7;
	s7 =	spop (v2sf);
	(v2sf) =	vpush v1, $0x4;
	s12 =	sor.u32 s12, s17  }
0x58: {  	s15 =	smul.u32 $0x3800, s16;
	s17 =	sshrl.u32 s9, $0x3;
	s5 =	spop (v2sf);
	(v2sf) =	vpush v1, $0x5  }
0x59: {  	s3 =	sand.u32 $0x380, s3;
	s19 =	sshrl.u32 s8, $0x3;
	s9 =	sshll.u32 s9, $0x7  }
0x5a: {  	s8 =	sshll.u32 s8, $0x7;
	s18 =	smul.u32 $0x3800, s17;
	s4 =	spop (v2sf);
	(v2sf) =	vpush v1, $0x6  }
0x5b: {  	s20 =	smul.u32 $0x3800, s19;
	s21 =	sand.u32 $0x380, s9;
	s1 =	spop (v2sf);
	(v2sf) =	vpush v1, $0x7  }
0x5c: {  	s8 =	sand.u32 $0x380, s8;
	s25 =	sshrl.u32 s7, $0x3;
	s7 =	sshll.u32 s7, $0x7  }
0x5d: {  	s15 =	sor.u32 s3, s15;
	s3 =	smul.u32 $0x3800, s25;
	s26 =	sshrl.u32 s5, $0x3  }
0x5e: {  	s7 =	sand.u32 $0x380, s7;
	s5 =	sshll.u32 s5, $0x7;
	s0 =	spop (v2sf);
	(v2sf) =	vpush v1, $0x8  }
0x5f: {  	s16 =	sor.u32 s21, s18;
	s17 =	sor.u32 s8, s20;
	s8 =	smul.u32 $0x3800, s26;
	(v2sf) =	vpush v1, $0x9  }
0x60: {  	s28 =	sshrl.u32 s4, $0x3;
	s4 =	sshll.u32 s4, $0x7;
	s2 =	sand.u32 $0x380, s5  }
0x61: {  	s9 =	smul.u32 $0x3800, s28;
	s18 =	sor.u32 s7, s3;
	s4 =	sand.u32 $0x380, s4  }
0x62: {  	s7 =	sshrl.u32 s1, $0x3;
	s1 =	sshll.u32 s1, $0x7;
	s3 =	sor.u32 s2, s8;
	(v2sf) =	vpush v1, $0xA  }
0x63: {  	s8 =	sshrl.u32 s0, $0x3;
	[smem:$0x7B1] =	sst s3;
	s3 =	smul.u32 $0x3800, s7  }
0x64: {  	s0 =	sshll.u32 s0, $0x7;
	s5 =	sor.u32 s4, s9;
	s4 =	smul.u32 $0x3800, s8;
	(v2sf) =	vpush v1, $0xB  }
0x65: {  	s1 =	sand.u32 $0x380, s1;
	s0 =	sand.u32 $0x380, s0;
	[smem:$0x7BB] =	sst s5  }
0x66: {  	s28 =	sor.u32 s1, s3;
	s0 =	sor.u32 s0, s4;
	s9 =	spop (v2sf)  }
0x67: {  	[smem:$0x7B2] =	sst s0;
	s10 =	spop (v2sf);
	s19 =	sshrl.u32 s9, $0x3  }
0x68: {  	(v2sf) =	vpush v1, $0xC;
	s20 =	sshll.u32 s9, $0x7;
	s0 =	smul.u32 $0x3800, s19;
	s21 =	sshrl.u32 s10, $0x3  }
0x69: {  	s3 =	sand.u32 $0x380, s20;
	s1 =	sshll.u32 s10, $0x7;
	s26 =	spop (v2sf)  }
0x6a: {  	(v2sf) =	vpush v1, $0xD;
	s4 =	smul.u32 $0x3800, s21;
	s25 =	sand.u32 $0x380, s1;
	s2 =	spop (v2sf)  }
0x6b: {  	s5 =	sshrl.u32 s26, $0x3;
	s1 =	sshll.u32 s26, $0x7;
	s8 =	sor.u32 s3, s0  }
0x6c: {  	(v2sf) =	vpush v1, $0xE;
	s3 =	smul.u32 $0x3800, s5;
	s7 =	sshrl.u32 s2, $0x3;
	s1 =	sand.u32 $0x380, s1  }
0x6d: {  	(v2sf) =	vpush v1, $0xF;
	s9 =	spop (v2sf);
	s0 =	sor.u32 s25, s4;
	s4 =	smul.u32 $0x3800, s7  }
0x6e: {  	s10 =	spop (v2sf);
	s19 =	sshrl.u32 s9, $0x3;
	[smem:$0x7B3] =	sst s0  }
0x6f: {  	s0 =	sshll.u32 s2, $0x7;
	s25 =	sor.u32 s1, s3;
	s3 =	smul.u32 $0x3800, s19  }
0x70: {  	s1 =	sshll.u32 s9, $0x7;
	s20 =	sshrl.u32 s10, $0x3;
	s0 =	sand.u32 $0x380, s0  }
0x71: {  	s21 =	spop (v2sf);
	s1 =	sand.u32 $0x380, s1;
	s0 =	sor.u32 s0, s4  }
0x72: {  	s4 =	smul.u32 $0x3800, s20;
	[smem:$0x7B4] =	sst s0;
	s0 =	sshll.u32 s10, $0x7  }
0x73: {  	s2 =	spop (v2sf);
	s5 =	sshrl.u32 s21, $0x3;
	s0 =	sand.u32 $0x380, s0  }
0x74: {  	s26 =	sor.u32 s1, s3;
	s7 =	sshrl.u32 s2, $0x3;
	s0 =	sor.u32 s0, s4  }
0x75: {  	s4 =	smul.u32 $0x3800, s7;
	[smem:$0x7B5] =	sst s0;
	s0 =	sshll.u32 s2, $0x7  }
0x76: {  	s3 =	smul.u32 $0x3800, s5;
	s1 =	sshll.u32 s21, $0x7;
	s0 =	sand.u32 $0x380, s0  }
0x77: {  	s1 =	sand.u32 $0x380, s1;
	s0 =	sor.u32 s0, s4;
	s9 =	spop (v2sf)  }
0x78: {  	s7 =	sor.u32 s1, s3;
	[smem:$0x7B6] =	sst s0;
	s19 =	sshrl.u32 s9, $0x3  }
0x79: {  	s10 =	spop (v2sf);
	s1 =	sshll.u32 s9, $0x7;
	s3 =	smul.u32 $0x3800, s19  }
0x7a: {  	s20 =	sshrl.u32 s10, $0x3;
	s1 =	sand.u32 $0x380, s1;
	s0 =	sshll.u32 s10, $0x7  }
0x7b: {  	s2 =	spop (v2sf);
	s21 =	smul.u32 $0x3800, s20;
	s0 =	sand.u32 $0x380, s0  }
0x7c: {  	s4 =	spop (v2sf);
	s5 =	sshrl.u32 s2, $0x3;
	s9 =	sor.u32 s1, s3  }
0x7d: {  	s10 =	smul.u32 $0x3800, s5;
	s1 =	sshll.u32 s2, $0x7;
	s0 =	sor.u32 s0, s21  }
0x7e: {  	s19 =	sshrl.u32 s4, $0x3;
	s1 =	sand.u32 $0x380, s1;
	[smem:$0x7B7] =	sst s0  }
0x7f: {  	s0 =	sshll.u32 s4, $0x7;
	s4 =	sor.u32 s1, s10;
	s10 =	sld [smem:$0x7AD]  }
0x80: {  	_ = 	snop  }
0x81: {  	s2 =	rddreg [dreg:$0x3]  }
0x82: {  	s21 =	sadd.s32 s23, s2;
	s20 =	sadd.s32 s10, s2  }
0x83: {  	s1 =	sshrl.u32 s20, $0x3;
	s20 =	smov.u32 s23;
	s23 =	sshrl.u32 s21, $0x3  }
0x84: {  	s3 =	smul.u32 $0x3800, s19;
	[dreg:$0x9] =	wrdreg s23  }
0x85: {  	s0 =	sand.u32 $0x380, s0;
	s23 =	sld [smem:$0x7AF]  }
0x86: {  	s0 =	sor.u32 s0, s3  }
0x87: {  	s19 =	smov.u32 s22;
	[smem:$0x7B8] =	sst s0;
	s0 =	sadd.s32 s22, s2  }
0x88: {  	s22 =	sld [smem:$0x7AE];
	s3 =	sshrl.u32 s0, $0x3;
	s0 =	sadd.s32 s23, s2  }
0x89: {  	[dreg:$0xa] =	wrdreg s3;
	s3 =	sshrl.u32 s0, $0x3  }
0x8a: {  	[dreg:$0xc] =	wrdreg s3  }
0x8b: {  	s5 =	sadd.s32 s22, s2;
	s3 =	sld [smem:$0x7B9]  }
0x8c: {  	s21 =	sshrl.u32 s5, $0x3  }
0x8d: {  	s5 =	sadd.s32 s24, s2;
	[dreg:$0xb] =	wrdreg s21  }
0x8e: {  	s21 =	smov.u32 s24;
	s24 =	sshrl.u32 s5, $0x3;
	s5 =	sadd.s32 s3, s2  }
0x8f: {  	[dreg:$0xd] =	wrdreg s24;
	s24 =	sshrl.u32 s5, $0x3  }
0x90: {  	[dreg:$0xe] =	wrdreg s24  }
0x91: {  	s24 =	sld [smem:$0x7B0];
	_ =	sdelay $0x1  }
0x92: {  	s0 =	sadd.s32 s11, s2  }
0x93: {  	[smem:$0x7BA] =	sst s17;
	s5 =	sshrl.u32 s0, $0x3;
	s0 =	sadd.s32 s24, s2  }
0x94: {  	[dreg:$0xf] =	wrdreg s5;
	s5 =	sshrl.u32 s0, $0x3;
	s0 =	sadd.s32 s13, s2  }
0x95: {  	[dreg:$0x10] =	wrdreg s5;
	s5 =	sshrl.u32 s0, $0x3;
	s0 =	sadd.s32 s14, s2  }
0x96: {  	[dreg:$0x11] =	wrdreg s5;
	s5 =	sshrl.u32 s0, $0x3;
	s0 =	sadd.s32 s12, s2  }
0x97: {  	[dreg:$0x12] =	wrdreg s5;
	s5 =	sshrl.u32 s0, $0x3;
	s0 =	sadd.s32 s15, s2  }
0x98: {  	[dreg:$0x13] =	wrdreg s5;
	s5 =	sshrl.u32 s0, $0x3;
	s0 =	sadd.s32 s16, s2  }
0x99: {  	[dreg:$0x14] =	wrdreg s5;
	s5 =	sshrl.u32 s0, $0x3  }
0x9a: {  	s0 =	sadd.s32 s17, s2;
	s17 =	smov.u32 s18;
	[dreg:$0x15] =	wrdreg s5  }
0x9b: {  	s5 =	sshrl.u32 s0, $0x3;
	s0 =	sadd.s32 s18, s2;
	s18 =	sld [smem:$0x7B1]  }
0x9c: {  	[dreg:$0x16] =	wrdreg s5;
	s5 =	sshrl.u32 s0, $0x3  }
0x9d: {  	[dreg:$0x17] =	wrdreg s5  }
0x9e: {  	s5 =	sld [smem:$0x7BB];
	_ =	sdelay $0x1  }
0x9f: {  	s0 =	sadd.s32 s18, s2  }
0xa0: {  	s3 =	sshrl.u32 s0, $0x3;
	s0 =	sadd.s32 s5, s2  }
0xa1: {  	s5 =	sshrl.u32 s0, $0x3  }
0xa2: {  	s0 =	sadd.s32 s28, s2;
	[dreg:$0x19] =	wrdreg s5  }
0xa3: {  	s5 =	sshrl.u32 s0, $0x3;
	s0 =	sld [smem:$0x7B2]  }
0xa4: {  	[smem:$0x7BC] =	sst s28  }
0xa5: {  	[smem:$0x7BD] =	sst s8  }
0xa6: {  	[dreg:$0x1a] =	wrdreg s5;
	s28 =	sadd.s32 s0, s2  }
0xa7: {  	s5 =	sshrl.u32 s28, $0x3;
	s28 =	sadd.s32 s8, s2;
	s8 =	sld [smem:$0x7B3]  }
0xa8: {  	_ = 	snop  }
0xa9: {  	[dreg:$0x18] =	wrdreg s3  }
0xaa: {  	[dreg:$0x1b] =	wrdreg s5;
	s5 =	sshrl.u32 s28, $0x3;
	s28 =	sadd.s32 s8, s2  }
0xab: {  	[dreg:$0x1c] =	wrdreg s5;
	s5 =	sshrl.u32 s28, $0x3;
	s28 =	sadd.s32 s25, s2  }
0xac: {  	s3 =	sshrl.u32 s28, $0x3;
	s28 =	sld [smem:$0x7B4]  }
0xad: {  	[smem:$0x7BE] =	sst s26  }
0xae: {  	[smem:$0x7BF] =	sst s9  }
0xaf: {  	[dreg:$0x1d] =	wrdreg s5;
	s5 =	sadd.s32 s28, s2  }
0xb0: {  	[smem:$0x7C0] =	sst s4;
	s5 =	sshrl.u32 s5, $0x3  }
0xb1: {  	[dreg:$0x1f] =	wrdreg s5  }
0xb2: {  	s5 =	sld [smem:$0x7B5]  }
0xb3: {  	s26 =	sadd.s32 s26, s2;
	[dreg:$0x8] =	wrdreg s1  }
0xb4: {  	[dreg:$0x1e] =	wrdreg s3;
	s3 =	sshrl.u32 s26, $0x3  }
0xb5: {  	[smem:$0x7C1] =	sst s3;
	s3 =	sadd.s32 s7, s2;
	s26 =	sadd.s32 s5, s2  }
0xb6: {  	s1 =	sshrl.u32 s26, $0x3;
	s26 =	smov.u32 s7;
	s7 =	sld [smem:$0x7B6]  }
0xb7: {  	[smem:$0x7C2] =	sst s1;
	s1 =	sshrl.u32 s3, $0x3  }
0xb8: {  	s9 =	sadd.s32 s9, s2;
	[smem:$0x7C3] =	sst s1  }
0xb9: {  	s1 =	sshrl.u32 s9, $0x3;
	s9 =	sld [smem:$0x7B7]  }
0xba: {  	s4 =	sadd.s32 s4, s2;
	s3 =	sadd.s32 s7, s2;
	[smem:$0x7C5] =	sst s1  }
0xbb: {  	s1 =	sshrl.u32 s4, $0x3;
	s4 =	sld [smem:$0x7B8];
	s3 =	sshrl.u32 s3, $0x3  }
0xbc: {  	[smem:$0x7C4] =	sst s3;
	s3 =	sadd.s32 s9, s2  }
0xbd: {  	[smem:$0x7C7] =	sst s1;
	s3 =	sshrl.u32 s3, $0x3  }
0xbe: {  	[smem:$0x7C6] =	sst s3  }
0xbf: {  	s3 =	sadd.s32 s4, s2;
	s2 =	rddreg [dreg:$0x4]  }
0xc0: {  	s1 =	sadd.s32 s10, s2;
	s3 =	sshrl.u32 s3, $0x3;
	s10 =	sadd.s32 s20, s2  }
0xc1: {  	[smem:$0x7C8] =	sst s3;
	s1 =	sshrl.u32 s1, $0x3;
	s3 =	sshrl.u32 s10, $0x3  }
0xc2: {  	s10 =	sadd.s32 s23, s2;
	s23 =	sadd.s32 s13, s2;
	s13 =	sld [smem:$0x7BA]  }
0xc3: {  	s20 =	sadd.s32 s19, s2;
	[smem:$0x7CA] =	sst s1  }
0xc4: {  	s22 =	sadd.s32 s22, s2;
	[smem:$0x7CB] =	sst s3;
	s1 =	sshrl.u32 s20, $0x3  }
0xc5: {  	s3 =	sshrl.u32 s22, $0x3;
	s20 =	sld [smem:$0x7B9];
	s22 =	sadd.s32 s24, s2  }
0xc6: {  	s24 =	sadd.s32 s14, s2;
	s14 =	sadd.s32 s17, s2;
	s17 =	sld [smem:$0x7BC]  }
0xc7: {  	[smem:$0x7CC] =	sst s1  }
0xc8: {  	s19 =	sadd.s32 s21, s2;
	[smem:$0x7CD] =	sst s3;
	s1 =	sshrl.u32 s10, $0x3  }
0xc9: {  	s10 =	sadd.s32 s12, s2;
	s12 =	sadd.s32 s16, s2;
	s16 =	sld [smem:$0x7BB]  }
0xca: {  	s21 =	sadd.s32 s11, s2;
	s3 =	sshrl.u32 s19, $0x3;
	s19 =	sld [smem:$0x7BD]  }
0xcb: {  	s11 =	sadd.s32 s15, s2;
	s15 =	sadd.s32 s18, s2;
	[smem:$0x7CE] =	sst s1  }
0xcc: {  	s18 =	sadd.s32 s0, s2;
	[smem:$0x7CF] =	sst s3;
	s3 =	sshrl.u32 s21, $0x3  }
0xcd: {  	s21 =	sshrl.u32 s18, $0x3;
	[smem:$0x7D1] =	sst s3  }
0xce: {  	s3 =	sshrl.u32 s23, $0x3;
	[smem:$0x7DD] =	sst s21  }
0xcf: {  	s1 =	sadd.s32 s20, s2;
	[smem:$0x7D3] =	sst s3  }
0xd0: {  	s1 =	sshrl.u32 s1, $0x3;
	s20 =	sadd.s32 s19, s2;
	s19 =	sld [smem:$0x7BF]  }
0xd1: {  	s3 =	sshrl.u32 s10, $0x3;
	[smem:$0x7D0] =	sst s1  }
0xd2: {  	[smem:$0x7D5] =	sst s3  }
0xd3: {  	s1 =	sshrl.u32 s22, $0x3;
	s22 =	sadd.s32 s8, s2;
	s8 =	sld [smem:$0x7BE]  }
0xd4: {  	s3 =	sshrl.u32 s12, $0x3;
	[smem:$0x7D2] =	sst s1  }
0xd5: {  	s28 =	sadd.s32 s28, s2;
	s23 =	sshrl.u32 s20, $0x3;
	[smem:$0x7D7] =	sst s3  }
0xd6: {  	s12 =	sshrl.u32 s28, $0x3;
	[smem:$0x7DE] =	sst s23  }
0xd7: {  	s1 =	sshrl.u32 s24, $0x3;
	[smem:$0x7E1] =	sst s12  }
0xd8: {  	s28 =	sadd.s32 s4, s2;
	s3 =	sshrl.u32 s14, $0x3;
	[smem:$0x7D4] =	sst s1  }
0xd9: {  	s24 =	sadd.s32 s25, s2;
	s25 =	sshrl.u32 s22, $0x3;
	[smem:$0x7D9] =	sst s3  }
0xda: {  	s0 =	sshrl.u32 s28, $0x3;
	[smem:$0x7DF] =	sst s25  }
0xdb: {  	s1 =	sshrl.u32 s11, $0x3;
	s3 =	sadd.s32 s16, s2;
	[smem:$0x7E9] =	sst s0  }
0xdc: {  	[smem:$0x7D6] =	sst s1;
	s3 =	sshrl.u32 s3, $0x3  }
0xdd: {  	s20 =	sadd.s32 s19, s2;
	s1 =	sadd.s32 s13, s2;
	[smem:$0x7DB] =	sst s3  }
0xde: {  	s23 =	sshrl.u32 s20, $0x3;
	s3 =	sshrl.u32 s24, $0x3;
	s24 =	sld [smem:$0x7C0]  }
0xdf: {  	s1 =	sshrl.u32 s1, $0x3;
	[smem:$0x7E6] =	sst s23  }
0xe0: {  	s10 =	sadd.s32 s8, s2;
	[smem:$0x7D8] =	sst s1  }
0xe1: {  	s13 =	sadd.s32 s5, s2;
	s14 =	sshrl.u32 s10, $0x3;
	[smem:$0x7E0] =	sst s3  }
0xe2: {  	s16 =	sshrl.u32 s13, $0x3;
	[smem:$0x7E2] =	sst s14  }
0xe3: {  	s22 =	sadd.s32 s9, s2;
	s1 =	sshrl.u32 s15, $0x3;
	[smem:$0x7E3] =	sst s16  }
0xe4: {  	s15 =	sadd.s32 s26, s2;
	s26 =	sshrl.u32 s22, $0x3;
	[smem:$0x7DA] =	sst s1  }
0xe5: {  	s1 =	sadd.s32 s17, s2;
	s18 =	sshrl.u32 s15, $0x3;
	[smem:$0x7E7] =	sst s26  }
0xe6: {  	s17 =	sadd.s32 s7, s2;
	s1 =	sshrl.u32 s1, $0x3;
	[smem:$0x7E4] =	sst s18  }
0xe7: {  	s21 =	sshrl.u32 s17, $0x3;
	s25 =	sadd.s32 s24, s2;
	[smem:$0x7DC] =	sst s1  }
0xe8: {  	[smem:$0x7E5] =	sst s21;
	s2 =	sshrl.u32 s25, $0x3  }
0xe9: {  	[smem:$0x7E8] =	sst s2  }
0xea: {  	_ =	swait.ge [sflag:s29], $0x700  }
0xeb: {  	[sflag:s29] =	ssyncset.done $0x0  }
0xec: {  	[sflag:s29] =	ssyncadd.s32 $0xFFFFF900  }
0xed: {  	[bflag:$0x0] =	sbarrier.arrive $0xFFFF  }
0xee: {  	s25 =	sld [smem:$0x7FB]  }
0xef: {  	s5 =	sld [smem:$0x7FC];
	_ =	sdelay $0x2  }
0xf0: {  	s3 =	rddreg [dreg:$0x8];
	s4 =	sadd.s32 s25, s6;
	s14 =	sor.u32 $0x1C03, s5  }
0xf1: {  	[hbm:s4@s30], [sflag:s14] =	dma.strided [spmem:s3@s30], $0xE0, s29, $0x10   }
0xf2: {  	s7 =	sadd.s32 $0x10, s4;
	s0 =	rddreg [dreg:$0x9]  }
0xf3: {  	[hbm:s7@s30], [sflag:s14] =	dma.strided [spmem:s0@s30], $0xE0, s29, $0x10   }
0xf4: {  	s8 =	sadd.s32 $0x20, s4;
	s0 =	rddreg [dreg:$0xa]  }
0xf5: {  	[hbm:s8@s30], [sflag:s14] =	dma.strided [spmem:s0@s30], $0xE0, s29, $0x10   }
0xf6: {  	s9 =	sadd.s32 $0x30, s4;
	s0 =	rddreg [dreg:$0xb]  }
0xf7: {  	[hbm:s9@s30], [sflag:s14] =	dma.strided [spmem:s0@s30], $0xE0, s29, $0x10   }
0xf8: {  	s10 =	sadd.s32 $0x40, s4;
	s0 =	rddreg [dreg:$0xc]  }
0xf9: {  	[hbm:s10@s30], [sflag:s14] =	dma.strided [spmem:s0@s30], $0xE0, s29, $0x10   }
0xfa: {  	s11 =	sadd.s32 $0x50, s4;
	s0 =	rddreg [dreg:$0xd]  }
0xfb: {  	[hbm:s11@s30], [sflag:s14] =	dma.strided [spmem:s0@s30], $0xE0, s29, $0x10   }
0xfc: {  	s12 =	sadd.s32 $0x60, s4;
	s0 =	rddreg [dreg:$0xe]  }
0xfd: {  	[hbm:s12@s30], [sflag:s14] =	dma.strided [spmem:s0@s30], $0xE0, s29, $0x10   }
0xfe: {  	s1 =	sadd.s32 $0x70, s4;
	s0 =	rddreg [dreg:$0xf]  }
0xff: {  	[hbm:s1@s30], [sflag:s14] =	dma.strided [spmem:s0@s30], $0xE0, s29, $0x10   }
0x100: {  	s24 =	sld [smem:$0x7FA];
	_ =	sdelay $0x2  }
0x101: {  	s0 =	rddreg [dreg:$0x10];
	s13 =	sadd.s32 s24, s6  }
0x102: {  	[hbm:s13@s30], [sflag:s14] =	dma.strided [spmem:s0@s30], $0xE0, s29, $0x10   }
0x103: {  	s15 =	sadd.s32 $0x10, s13;
	s0 =	rddreg [dreg:$0x11]  }
0x104: {  	[hbm:s15@s30], [sflag:s14] =	dma.strided [spmem:s0@s30], $0xE0, s29, $0x10   }
0x105: {  	s16 =	sadd.s32 $0x20, s13;
	s0 =	rddreg [dreg:$0x12]  }
0x106: {  	[hbm:s16@s30], [sflag:s14] =	dma.strided [spmem:s0@s30], $0xE0, s29, $0x10   }
0x107: {  	s17 =	sadd.s32 $0x30, s13;
	s0 =	rddreg [dreg:$0x13]  }
0x108: {  	[hbm:s17@s30], [sflag:s14] =	dma.strided [spmem:s0@s30], $0xE0, s29, $0x10   }
0x109: {  	s18 =	sadd.s32 $0x40, s13;
	s0 =	rddreg [dreg:$0x14]  }
0x10a: {  	[hbm:s18@s30], [sflag:s14] =	dma.strided [spmem:s0@s30], $0xE0, s29, $0x10   }
0x10b: {  	s19 =	sadd.s32 $0x50, s13;
	s0 =	rddreg [dreg:$0x15]  }
0x10c: {  	[hbm:s19@s30], [sflag:s14] =	dma.strided [spmem:s0@s30], $0xE0, s29, $0x10   }
0x10d: {  	s20 =	sadd.s32 $0x60, s13;
	s0 =	rddreg [dreg:$0x16]  }
0x10e: {  	[hbm:s20@s30], [sflag:s14] =	dma.strided [spmem:s0@s30], $0xE0, s29, $0x10   }
0x10f: {  	s1 =	sadd.s32 $0x70, s13;
	s0 =	rddreg [dreg:$0x17]  }
0x110: {  	[hbm:s1@s30], [sflag:s14] =	dma.strided [spmem:s0@s30], $0xE0, s29, $0x10   }
0x111: {  	s23 =	sld [smem:$0x7F9];
	_ =	sdelay $0x2  }
0x112: {  	s0 =	rddreg [dreg:$0x18];
	s21 =	sadd.s32 s23, s6  }
0x113: {  	[hbm:s21@s30], [sflag:s14] =	dma.strided [spmem:s0@s30], $0xE0, s29, $0x10   }
0x114: {  	s22 =	sadd.s32 $0x10, s21;
	s0 =	rddreg [dreg:$0x19]  }
0x115: {  	[hbm:s22@s30], [sflag:s14] =	dma.strided [spmem:s0@s30], $0xE0, s29, $0x10   }
0x116: {  	s26 =	sadd.s32 $0x20, s21;
	s0 =	rddreg [dreg:$0x1a]  }
0x117: {  	[hbm:s26@s30], [sflag:s14] =	dma.strided [spmem:s0@s30], $0xE0, s29, $0x10   }
0x118: {  	s28 =	sadd.s32 $0x30, s21;
	s0 =	rddreg [dreg:$0x1b]  }
0x119: {  	[hbm:s28@s30], [sflag:s14] =	dma.strided [spmem:s0@s30], $0xE0, s29, $0x10   }
0x11a: {  	s2 =	sadd.s32 $0x40, s21;
	s0 =	rddreg [dreg:$0x1c]  }
0x11b: {  	[hbm:s2@s30], [sflag:s14] =	dma.strided [spmem:s0@s30], $0xE0, s29, $0x10   }
0x11c: {  	s4 =	sadd.s32 $0x50, s21;
	s0 =	rddreg [dreg:$0x1d]  }
0x11d: {  	[hbm:s4@s30], [sflag:s14] =	dma.strided [spmem:s0@s30], $0xE0, s29, $0x10   }
0x11e: {  	s5 =	sadd.s32 $0x60, s21;
	s0 =	rddreg [dreg:$0x1e]  }
0x11f: {  	[hbm:s5@s30], [sflag:s14] =	dma.strided [spmem:s0@s30], $0xE0, s29, $0x10   }
0x120: {  	s1 =	sadd.s32 $0x70, s21;
	s0 =	rddreg [dreg:$0x1f]  }
0x121: {  	[hbm:s1@s30], [sflag:s14] =	dma.strided [spmem:s0@s30], $0xE0, s29, $0x10   }
0x122: {  	s16 =	sld [smem:$0x7F8]  }
0x123: {  	s0 =	sld [smem:$0x7C1];
	_ =	sdelay $0x1  }
0x124: {  	s7 =	sadd.s32 s16, s6  }
0x125: {  	[hbm:s7@s30], [sflag:s14] =	dma.strided [spmem:s0@s30], $0xE0, s29, $0x10   }
0x126: {  	s0 =	sld [smem:$0x7C2];
	_ =	sdelay $0x1  }
0x127: {  	s8 =	sadd.s32 $0x10, s7  }
0x128: {  	[hbm:s8@s30], [sflag:s14] =	dma.strided [spmem:s0@s30], $0xE0, s29, $0x10   }
0x129: {  	s0 =	sld [smem:$0x7C3];
	_ =	sdelay $0x1  }
0x12a: {  	s9 =	sadd.s32 $0x20, s7  }
0x12b: {  	[hbm:s9@s30], [sflag:s14] =	dma.strided [spmem:s0@s30], $0xE0, s29, $0x10   }
0x12c: {  	s0 =	sld [smem:$0x7C4];
	_ =	sdelay $0x1  }
0x12d: {  	s10 =	sadd.s32 $0x30, s7  }
0x12e: {  	[hbm:s10@s30], [sflag:s14] =	dma.strided [spmem:s0@s30], $0xE0, s29, $0x10   }
0x12f: {  	s0 =	sld [smem:$0x7C5];
	_ =	sdelay $0x1  }
0x130: {  	s11 =	sadd.s32 $0x40, s7  }
0x131: {  	[hbm:s11@s30], [sflag:s14] =	dma.strided [spmem:s0@s30], $0xE0, s29, $0x10   }
0x132: {  	s0 =	sld [smem:$0x7C6];
	_ =	sdelay $0x1  }
0x133: {  	s12 =	sadd.s32 $0x50, s7  }
0x134: {  	[hbm:s12@s30], [sflag:s14] =	dma.strided [spmem:s0@s30], $0xE0, s29, $0x10   }
0x135: {  	s0 =	sld [smem:$0x7C7];
	_ =	sdelay $0x1  }
0x136: {  	p0 =	por $0x0, $0x0;
	v2 =	vshrl.u32 v0, $0x3;
	s13 =	sadd.s32 $0x60, s7  }
0x137: {  	v2 =	vmul.u32 $0x1C00, v2;
	[hbm:s13@s30], [sflag:s14] =	dma.strided [spmem:s0@s30], $0xE0, s29, $0x10   }
0x138: {  	p1 =	por $0x1, $0x1;
	v4 =	vlaneseq.u32 @!p0;
	v0 =	vand.u32 $0x7, v0;
	s0 =	sld [smem:$0x7C8]  }
0x139: {  	p2 =	por @!p1 $0x0, $0x0;
	v3 =	vand.u32 @!p0 $0x7, v4;
	v0 =	vor.u32 v0, v2;
	v2 =	vshrl.u32 @!p0 v4, $0x3  }
0x13a: {  	p1 =	por p2, p1;
	v5 =	vperm.xlane @!p0 v0, v3;
	v2 =	vmul.u32 @!p0 $0x8, v2;
	s1 =	sadd.s32 $0x70, s7  }
0x13b: {  	[hbm:s1@s30], [sflag:s14] =	dma.strided [spmem:s0@s30], $0xE0, s29, $0x10   }
0x13c: {  	v5 =	vadd.s32 @!p0 v2, v5;
	s1 =	simm.s32 @!p1 $0x5  }
0x13d: {  	_ =	swait.ge @!p1 [sflag:s1], $0x7000  }
0x13e: {  	s22 =	sld [smem:$0x7F1]  }
0x13f: {  	[sflag:s1] =	ssyncset.done @!p1 $0x0  }
0x140: {  	vm0 =	vmmov @!p0 $0xffff;
	s3 =	simm.s32 @!p0 $0x80;
	s0 =	simm.s32 @!p0 $0x0;
	[sflag:s1] =	ssyncadd.s32 @!p1 $0xFFFF9000  }
0x141: {  	[tilespmem:s3], [sflag:$0x4] =	stream.indirect_vreg.gather @!p0 [hbm4b:s22+s0], $0x80, v5, vm0, $0xb8;
	[tilespmem:$0x15080] =	vst v63  }
0x142: {  	s4 =	simm.s32 @!p0 $0x880;
	s1 =	sadd.s32 @!p0 $0x100, s22  }
0x143: {  	[tilespmem:s4], [sflag:$0x4] =	stream.indirect_vreg.gather @!p0 [hbm4b:s1+s0], $0x80, v5, vm0, $0xb8;
	[tilespmem:$0x15080] =	vst v63  }
0x144: {  	s5 =	simm.s32 @!p0 $0x1080;
	s4 =	sadd.s32 @!p0 $0x200, s22  }
0x145: {  	[tilespmem:s5], [sflag:$0x4] =	stream.indirect_vreg.gather @!p0 [hbm4b:s4+s0], $0x80, v5, vm0, $0xb8;
	[tilespmem:$0x15080] =	vst v63  }
0x146: {  	s7 =	simm.s32 @!p0 $0x1880;
	s5 =	sadd.s32 @!p0 $0x300, s22  }
0x147: {  	v4 =	vor.u32 @!p0 $0x8, v4;
	[tilespmem:s7], [sflag:$0x4] =	stream.indirect_vreg.gather @!p0 [hbm4b:s5+s0], $0x80, v5, vm0, $0xb8;
	[tilespmem:$0x15080] =	vst v63  }
0x148: {  	v6 =	vperm.xlane @!p0 v0, v4;
	s8 =	simm.s32 @!p0 $0x2080;
	s7 =	sadd.s32 @!p0 $0x400, s22  }
0x149: {  	[tilespmem:s8], [sflag:$0x4] =	stream.indirect_vreg.gather @!p0 [hbm4b:s7+s0], $0x80, v5, vm0, $0xb8;
	[tilespmem:$0x15080] =	vst v63  }
0x14a: {  	v6 =	vadd.s32 @!p0 v2, v6;
	s9 =	simm.s32 @!p0 $0x2880;
	s8 =	sadd.s32 @!p0 $0x500, s22  }
0x14b: {  	[tilespmem:s9], [sflag:$0x4] =	stream.indirect_vreg.gather @!p0 [hbm4b:s8+s0], $0x80, v5, vm0, $0xb8;
	[tilespmem:$0x15080] =	vst v63  }
0x14c: {  	s10 =	simm.s32 @!p0 $0x3080;
	s9 =	sadd.s32 @!p0 $0x600, s22  }
0x14d: {  	[tilespmem:s10], [sflag:$0x4] =	stream.indirect_vreg.gather @!p0 [hbm4b:s9+s0], $0x80, v5, vm0, $0xb8;
	[tilespmem:$0x15080] =	vst v63  }
0x14e: {  	s10 =	simm.s32 @!p0 $0x3880  }
0x14f: {  	[tilespmem:s10], [sflag:$0x4] =	stream.indirect_vreg.gather @!p0 [hbm4b:s22+s0], $0x80, v6, vm0, $0xb8;
	[tilespmem:$0x15080] =	vst v63  }
0x150: {  	s10 =	simm.s32 @!p0 $0x4080  }
0x151: {  	[tilespmem:s10], [sflag:$0x4] =	stream.indirect_vreg.gather @!p0 [hbm4b:s1+s0], $0x80, v6, vm0, $0xb8;
	[tilespmem:$0x15080] =	vst v63  }
0x152: {  	s10 =	simm.s32 @!p0 $0x4880  }
0x153: {  	[tilespmem:s10], [sflag:$0x4] =	stream.indirect_vreg.gather @!p0 [hbm4b:s4+s0], $0x80, v6, vm0, $0xb8;
	[tilespmem:$0x15080] =	vst v63  }
0x154: {  	s10 =	simm.s32 @!p0 $0x5080  }
0x155: {  	[tilespmem:s10], [sflag:$0x4] =	stream.indirect_vreg.gather @!p0 [hbm4b:s5+s0], $0x80, v6, vm0, $0xb8;
	[tilespmem:$0x15080] =	vst v63  }
0x156: {  	s10 =	simm.s32 @!p0 $0x5880  }
0x157: {  	[tilespmem:s10], [sflag:$0x4] =	stream.indirect_vreg.gather @!p0 [hbm4b:s7+s0], $0x80, v6, vm0, $0xb8;
	[tilespmem:$0x15080] =	vst v63  }
0x158: {  	s10 =	simm.s32 @!p0 $0x6080  }
0x159: {  	[tilespmem:s10], [sflag:$0x4] =	stream.indirect_vreg.gather @!p0 [hbm4b:s8+s0], $0x80, v6, vm0, $0xb8;
	[tilespmem:$0x15080] =	vst v63  }
0x15a: {  	s11 =	simm.s32 @!p0 $0x6880;
	s10 =	simm.s32 @!p0 $0x4  }
0x15b: {  	[tilespmem:s11], [sflag:$0x4] =	stream.indirect_vreg.gather @!p0 [hbm4b:s9+s0], $0x80, v6, vm0, $0xb8;
	[tilespmem:$0x15080] =	vst v63  }
0x15c: {  	_ =	swait.ge @!p0 [sflag:s10], $0x7000  }
0x15d: {  	s20 =	sld [smem:$0x7F3];
	_ =	sdelay $0x1  }
0x15e: {  	s12 =	simm.s32 @!p0 $0x3800;
	[sflag:s10] =	ssyncset.done @!p0 $0x0  }
0x15f: {  	s11 =	simm.s32 @!p0 $0xE0000;
	[sflag:s10] =	ssyncadd.s32 @!p0 $0xFFFF9000;
	s13 =	sadd.s32 @!p0 s20, s6  }
0x160: {  	[hbm4b:s13+s12] =	stream.strided.scatter @!p0 [tilespmem:s3], [sflag:$0x5], $0x7000, s11, s12, $0x38;
	[tilespmem:$0x15080] =	vst v63  }
0x161: {  	_ =	swait.ge [sflag:s31], $0xE0  }
0x162: {  	[sflag:s31] =	ssyncset.done $0x0  }
0x163: {  	[sflag:s31] =	ssyncadd.s32 $0xFFFFFF20  }
0x164: {  	_ =	swait.ge [sflag:s31], $0xE0  }
0x165: {  	[sflag:s31] =	ssyncset.done $0x0  }
0x166: {  	[sflag:s31] =	ssyncadd.s32 $0xFFFFFF20  }
0x167: {  	_ =	swait.ge [sflag:s31], $0xE0  }
0x168: {  	[sflag:s31] =	ssyncset.done $0x0  }
0x169: {  	[sflag:s31] =	ssyncadd.s32 $0xFFFFFF20  }
0x16a: {  	_ =	swait.ge [sflag:s31], $0xE0  }
0x16b: {  	[sflag:s31] =	ssyncset.done $0x0  }
0x16c: {  	[sflag:s31] =	ssyncadd.s32 $0xFFFFFF20  }
0x16d: {  	_ =	swait.ge [sflag:s31], $0xE0  }
0x16e: {  	[sflag:s31] =	ssyncset.done $0x0  }
0x16f: {  	[sflag:s31] =	ssyncadd.s32 $0xFFFFFF20  }
0x170: {  	_ =	swait.ge [sflag:s31], $0xE0  }
0x171: {  	[sflag:s31] =	ssyncset.done $0x0  }
0x172: {  	[sflag:s31] =	ssyncadd.s32 $0xFFFFFF20  }
0x173: {  	_ =	swait.ge [sflag:s31], $0xE0  }
0x174: {  	[sflag:s31] =	ssyncset.done $0x0  }
0x175: {  	[sflag:s31] =	ssyncadd.s32 $0xFFFFFF20  }
0x176: {  	_ =	swait.ge [sflag:s31], $0xE0  }
0x177: {  	[sflag:s31] =	ssyncset.done $0x0  }
0x178: {  	[sflag:s31] =	ssyncadd.s32 $0xFFFFFF20  }
0x179: {  	_ =	swait.ge [sflag:s31], $0xE0  }
0x17a: {  	[sflag:s31] =	ssyncset.done $0x0  }
0x17b: {  	[sflag:s31] =	ssyncadd.s32 $0xFFFFFF20  }
0x17c: {  	_ =	swait.ge [sflag:s31], $0xE0  }
0x17d: {  	[sflag:s31] =	ssyncset.done $0x0  }
0x17e: {  	[sflag:s31] =	ssyncadd.s32 $0xFFFFFF20  }
0x17f: {  	_ =	swait.ge [sflag:s31], $0xE0  }
0x180: {  	[sflag:s31] =	ssyncset.done $0x0  }
0x181: {  	[sflag:s31] =	ssyncadd.s32 $0xFFFFFF20  }
0x182: {  	_ =	swait.ge [sflag:s31], $0xE0  }
0x183: {  	[sflag:s31] =	ssyncset.done $0x0  }
0x184: {  	[sflag:s31] =	ssyncadd.s32 $0xFFFFFF20  }
0x185: {  	_ =	swait.ge [sflag:s31], $0xE0  }
0x186: {  	[sflag:s31] =	ssyncset.done $0x0  }
0x187: {  	[sflag:s31] =	ssyncadd.s32 $0xFFFFFF20  }
0x188: {  	_ =	swait.ge [sflag:s31], $0xE0  }
0x189: {  	[sflag:s31] =	ssyncset.done $0x0  }
0x18a: {  	[sflag:s31] =	ssyncadd.s32 $0xFFFFFF20  }
0x18b: {  	_ =	swait.ge [sflag:s31], $0xE0  }
0x18c: {  	[sflag:s31] =	ssyncset.done $0x0  }
0x18d: {  	[sflag:s31] =	ssyncadd.s32 $0xFFFFFF20  }
0x18e: {  	_ =	swait.ge [sflag:s31], $0xE0  }
0x18f: {  	[sflag:s31] =	ssyncset.done $0x0  }
0x190: {  	[sflag:s31] =	ssyncadd.s32 $0xFFFFFF20  }
0x191: {  	_ =	swait.ge [sflag:s31], $0xE0  }
0x192: {  	[sflag:s31] =	ssyncset.done $0x0  }
0x193: {  	[sflag:s31] =	ssyncadd.s32 $0xFFFFFF20  }
0x194: {  	_ =	swait.ge [sflag:s31], $0xE0  }
0x195: {  	[sflag:s31] =	ssyncset.done $0x0  }
0x196: {  	[sflag:s31] =	ssyncadd.s32 $0xFFFFFF20  }
0x197: {  	_ =	swait.ge [sflag:s31], $0xE0  }
0x198: {  	[sflag:s31] =	ssyncset.done $0x0  }
0x199: {  	[sflag:s31] =	ssyncadd.s32 $0xFFFFFF20  }
0x19a: {  	_ =	swait.ge [sflag:s31], $0xE0  }
0x19b: {  	[sflag:s31] =	ssyncset.done $0x0  }
0x19c: {  	[sflag:s31] =	ssyncadd.s32 $0xFFFFFF20  }
0x19d: {  	_ =	swait.ge [sflag:s31], $0xE0  }
0x19e: {  	[sflag:s31] =	ssyncset.done $0x0  }
0x19f: {  	[sflag:s31] =	ssyncadd.s32 $0xFFFFFF20  }
0x1a0: {  	_ =	swait.ge [sflag:s31], $0xE0  }
0x1a1: {  	[sflag:s31] =	ssyncset.done $0x0  }
0x1a2: {  	[sflag:s31] =	ssyncadd.s32 $0xFFFFFF20  }
0x1a3: {  	_ =	swait.ge [sflag:s31], $0xE0  }
0x1a4: {  	[sflag:s31] =	ssyncset.done $0x0  }
0x1a5: {  	[sflag:s31] =	ssyncadd.s32 $0xFFFFFF20  }
0x1a6: {  	_ =	swait.ge [sflag:s31], $0xE0  }
0x1a7: {  	[sflag:s31] =	ssyncset.done $0x0  }
0x1a8: {  	[sflag:s31] =	ssyncadd.s32 $0xFFFFFF20  }
0x1a9: {  	_ =	swait.ge [sflag:s31], $0xE0  }
0x1aa: {  	[sflag:s31] =	ssyncset.done $0x0  }
0x1ab: {  	[sflag:s31] =	ssyncadd.s32 $0xFFFFFF20  }
0x1ac: {  	_ =	swait.ge [sflag:s31], $0xE0  }
0x1ad: {  	[sflag:s31] =	ssyncset.done $0x0  }
0x1ae: {  	[sflag:s31] =	ssyncadd.s32 $0xFFFFFF20  }
0x1af: {  	_ =	swait.ge [sflag:s31], $0xE0  }
0x1b0: {  	[sflag:s31] =	ssyncset.done $0x0  }
0x1b1: {  	[sflag:s31] =	ssyncadd.s32 $0xFFFFFF20  }
0x1b2: {  	_ =	swait.ge [sflag:s31], $0xE0  }
0x1b3: {  	[sflag:s31] =	ssyncset.done $0x0  }
0x1b4: {  	[sflag:s31] =	ssyncadd.s32 $0xFFFFFF20  }
0x1b5: {  	_ =	swait.ge [sflag:s31], $0xE0  }
0x1b6: {  	[sflag:s31] =	ssyncset.done $0x0  }
0x1b7: {  	[sflag:s31] =	ssyncadd.s32 $0xFFFFFF20  }
0x1b8: {  	_ =	swait.ge [sflag:s31], $0xE0  }
0x1b9: {  	[sflag:s31] =	ssyncset.done $0x0  }
0x1ba: {  	[sflag:s31] =	ssyncadd.s32 $0xFFFFFF20  }
0x1bb: {  	_ =	swait.ge [sflag:s31], $0xE0  }
0x1bc: {  	[sflag:s31] =	ssyncset.done $0x0  }
0x1bd: {  	[sflag:s31] =	ssyncadd.s32 $0xFFFFFF20  }
0x1be: {  	_ =	swait.ge [sflag:s31], $0xE0  }
0x1bf: {  	[sflag:s31] =	ssyncset.done $0x0  }
0x1c0: {  	[sflag:s31] =	ssyncadd.s32 $0xFFFFFF20  }
0x1c1: {  	s28 =	simm.s32 $0x0;
	[bflag:$0x0] =	sbarrier.arrive $0xFFFF  }
0x1c2: {  	s17 =	smin.u32 s28, $0x13;
	s15 =	rddreg [dreg:$0x6]  }
0x1c3: {  	s26 =	sld [smem:$0x7EA];
	s3 =	sadd.s32 s17, s15  }
0x1c4: {  	s3 =	smul.u32 $0x3800, s3  }
0x1c5: {  	s19 =	sld [smem:$0x7C9]  }
0x1c6: {  	s21 =	sld [smem:$0x7FD];
	s3 =	sadd.s32 s26, s3  }
0x1c7: {  	s18 =	rddreg [dreg:$0x1];
	s3 =	sshrl.u32 s3, $0x3  }
0x1c8: {  	s15 =	simm.s32 $0x2;
	s3 =	sadd.s32 s18, s3  }
0x1c9: {  	[spmem:s19], [sflag:s21] =	dma.local [hbm:s3], $0x700  }
0x1ca: {  	_ =	swait.ge [sflag:s15], $0x700  }
0x1cb: {  	[sflag:s15] =	ssyncset.done $0x0  }
0x1cc: {  	[sflag:s15] =	ssyncadd.s32 $0xFFFFF900  }
0x1cd: {  	[bflag:$0x0] =	sbarrier.arrive $0xFFFF  }
0x1ce: {  	s21 =	sld [smem:$0x7F4]  }
0x1cf: {  	s17 =	sld [smem:$0x7CA];
	_ =	sdelay $0x1  }
0x1d0: {  	s13 =	sadd.s32 s21, s6  }
0x1d1: {  	[hbm:s13@s30], [sflag:s14] =	dma.strided [spmem:s17@s30], $0xE0, s29, $0x10   }
0x1d2: {  	s3 =	sld [smem:$0x7CB];
	_ =	sdelay $0x1  }
0x1d3: {  	s18 =	sadd.s32 $0x10, s13  }
0x1d4: {  	[hbm:s18@s30], [sflag:s14] =	dma.strided [spmem:s3@s30], $0xE0, s29, $0x10   }
0x1d5: {  	s3 =	sld [smem:$0x7CC];
	_ =	sdelay $0x1  }
0x1d6: {  	s19 =	sadd.s32 $0x20, s13  }
0x1d7: {  	[hbm:s19@s30], [sflag:s14] =	dma.strided [spmem:s3@s30], $0xE0, s29, $0x10   }
0x1d8: {  	s3 =	sld [smem:$0x7CD];
	_ =	sdelay $0x1  }
0x1d9: {  	s2 =	sadd.s32 $0x30, s13  }
0x1da: {  	[hbm:s2@s30], [sflag:s14] =	dma.strided [spmem:s3@s30], $0xE0, s29, $0x10   }
0x1db: {  	s3 =	sld [smem:$0x7CE];
	_ =	sdelay $0x1  }
0x1dc: {  	s17 =	sadd.s32 $0x40, s13  }
0x1dd: {  	[hbm:s17@s30], [sflag:s14] =	dma.strided [spmem:s3@s30], $0xE0, s29, $0x10   }
0x1de: {  	s3 =	sld [smem:$0x7CF];
	_ =	sdelay $0x1  }
0x1df: {  	s18 =	sadd.s32 $0x50, s13  }
0x1e0: {  	[hbm:s18@s30], [sflag:s14] =	dma.strided [spmem:s3@s30], $0xE0, s29, $0x10   }
0x1e1: {  	s3 =	sld [smem:$0x7D0];
	_ =	sdelay $0x1  }
0x1e2: {  	s19 =	sadd.s32 $0x60, s13  }
0x1e3: {  	[hbm:s19@s30], [sflag:s14] =	dma.strided [spmem:s3@s30], $0xE0, s29, $0x10   }
0x1e4: {  	s3 =	sld [smem:$0x7D1];
	_ =	sdelay $0x1  }
0x1e5: {  	s13 =	sadd.s32 $0x70, s13  }
0x1e6: {  	[hbm:s13@s30], [sflag:s14] =	dma.strided [spmem:s3@s30], $0xE0, s29, $0x10   }
0x1e7: {  	s17 =	sld [smem:$0x7F5]  }
0x1e8: {  	s3 =	sld [smem:$0x7D2];
	_ =	sdelay $0x1  }
0x1e9: {  	s13 =	sadd.s32 s17, s6  }
0x1ea: {  	[hbm:s13@s30], [sflag:s14] =	dma.strided [spmem:s3@s30], $0xE0, s29, $0x10   }
0x1eb: {  	s3 =	sld [smem:$0x7D3];
	_ =	sdelay $0x1  }
0x1ec: {  	s2 =	sadd.s32 $0x10, s13  }
0x1ed: {  	[hbm:s2@s30], [sflag:s14] =	dma.strided [spmem:s3@s30], $0xE0, s29, $0x10   }
0x1ee: {  	s3 =	sld [smem:$0x7D4];
	_ =	sdelay $0x1  }
0x1ef: {  	s18 =	sadd.s32 $0x20, s13  }
0x1f0: {  	[hbm:s18@s30], [sflag:s14] =	dma.strided [spmem:s3@s30], $0xE0, s29, $0x10   }
0x1f1: {  	s3 =	sld [smem:$0x7D5];
	_ =	sdelay $0x1  }
0x1f2: {  	s19 =	sadd.s32 $0x30, s13  }
0x1f3: {  	[hbm:s19@s30], [sflag:s14] =	dma.strided [spmem:s3@s30], $0xE0, s29, $0x10   }
0x1f4: {  	s3 =	sld [smem:$0x7D6];
	_ =	sdelay $0x1  }
0x1f5: {  	s2 =	sadd.s32 $0x40, s13  }
0x1f6: {  	[hbm:s2@s30], [sflag:s14] =	dma.strided [spmem:s3@s30], $0xE0, s29, $0x10   }
0x1f7: {  	s3 =	sld [smem:$0x7D7];
	_ =	sdelay $0x1  }
0x1f8: {  	s18 =	sadd.s32 $0x50, s13  }
0x1f9: {  	[hbm:s18@s30], [sflag:s14] =	dma.strided [spmem:s3@s30], $0xE0, s29, $0x10   }
0x1fa: {  	s3 =	sld [smem:$0x7D8];
	_ =	sdelay $0x1  }
0x1fb: {  	s19 =	sadd.s32 $0x60, s13  }
0x1fc: {  	[hbm:s19@s30], [sflag:s14] =	dma.strided [spmem:s3@s30], $0xE0, s29, $0x10   }
0x1fd: {  	s3 =	sld [smem:$0x7D9];
	_ =	sdelay $0x1  }
0x1fe: {  	s13 =	sadd.s32 $0x70, s13  }
0x1ff: {  	[hbm:s13@s30], [sflag:s14] =	dma.strided [spmem:s3@s30], $0xE0, s29, $0x10   }
0x200: {  	s18 =	sld [smem:$0x7F6]  }
0x201: {  	s3 =	sld [smem:$0x7DA];
	_ =	sdelay $0x1  }
0x202: {  	s13 =	sadd.s32 s18, s6  }
0x203: {  	[hbm:s13@s30], [sflag:s14] =	dma.strided [spmem:s3@s30], $0xE0, s29, $0x10   }
0x204: {  	s3 =	sld [smem:$0x7DB];
	_ =	sdelay $0x1  }
0x205: {  	s2 =	sadd.s32 $0x10, s13  }
0x206: {  	[hbm:s2@s30], [sflag:s14] =	dma.strided [spmem:s3@s30], $0xE0, s29, $0x10   }
0x207: {  	s3 =	sld [smem:$0x7DC];
	_ =	sdelay $0x1  }
0x208: {  	s19 =	sadd.s32 $0x20, s13  }
0x209: {  	[hbm:s19@s30], [sflag:s14] =	dma.strided [spmem:s3@s30], $0xE0, s29, $0x10   }
0x20a: {  	s3 =	sld [smem:$0x7DD];
	_ =	sdelay $0x1  }
0x20b: {  	s2 =	sadd.s32 $0x30, s13  }
0x20c: {  	[hbm:s2@s30], [sflag:s14] =	dma.strided [spmem:s3@s30], $0xE0, s29, $0x10   }
0x20d: {  	s3 =	sld [smem:$0x7DE];
	_ =	sdelay $0x1  }
0x20e: {  	s19 =	sadd.s32 $0x40, s13  }
0x20f: {  	[hbm:s19@s30], [sflag:s14] =	dma.strided [spmem:s3@s30], $0xE0, s29, $0x10   }
0x210: {  	s3 =	sld [smem:$0x7DF];
	_ =	sdelay $0x1  }
0x211: {  	s2 =	sadd.s32 $0x50, s13  }
0x212: {  	[hbm:s2@s30], [sflag:s14] =	dma.strided [spmem:s3@s30], $0xE0, s29, $0x10   }
0x213: {  	s3 =	sld [smem:$0x7E0];
	_ =	sdelay $0x1  }
0x214: {  	s19 =	sadd.s32 $0x60, s13  }
0x215: {  	[hbm:s19@s30], [sflag:s14] =	dma.strided [spmem:s3@s30], $0xE0, s29, $0x10   }
0x216: {  	s3 =	sld [smem:$0x7E1];
	_ =	sdelay $0x1  }
0x217: {  	s13 =	sadd.s32 $0x70, s13  }
0x218: {  	[hbm:s13@s30], [sflag:s14] =	dma.strided [spmem:s3@s30], $0xE0, s29, $0x10   }
0x219: {  	s19 =	sld [smem:$0x7F7]  }
0x21a: {  	s3 =	sld [smem:$0x7E2];
	_ =	sdelay $0x1  }
0x21b: {  	s13 =	sadd.s32 s19, s6  }
0x21c: {  	[hbm:s13@s30], [sflag:s14] =	dma.strided [spmem:s3@s30], $0xE0, s29, $0x10   }
0x21d: {  	s3 =	sld [smem:$0x7E3];
	_ =	sdelay $0x1  }
0x21e: {  	s2 =	sadd.s32 $0x10, s13  }
0x21f: {  	[hbm:s2@s30], [sflag:s14] =	dma.strided [spmem:s3@s30], $0xE0, s29, $0x10   }
0x220: {  	s3 =	sld [smem:$0x7E4];
	_ =	sdelay $0x1  }
0x221: {  	s2 =	sadd.s32 $0x20, s13  }
0x222: {  	[hbm:s2@s30], [sflag:s14] =	dma.strided [spmem:s3@s30], $0xE0, s29, $0x10   }
0x223: {  	s3 =	sld [smem:$0x7E5];
	_ =	sdelay $0x1  }
0x224: {  	s2 =	sadd.s32 $0x30, s13  }
0x225: {  	[hbm:s2@s30], [sflag:s14] =	dma.strided [spmem:s3@s30], $0xE0, s29, $0x10   }
0x226: {  	s3 =	sld [smem:$0x7E6];
	_ =	sdelay $0x1  }
0x227: {  	s2 =	sadd.s32 $0x40, s13  }
0x228: {  	[hbm:s2@s30], [sflag:s14] =	dma.strided [spmem:s3@s30], $0xE0, s29, $0x10   }
0x229: {  	s3 =	sld [smem:$0x7E7];
	_ =	sdelay $0x1  }
0x22a: {  	s2 =	sadd.s32 $0x50, s13  }
0x22b: {  	[hbm:s2@s30], [sflag:s14] =	dma.strided [spmem:s3@s30], $0xE0, s29, $0x10   }
0x22c: {  	v63 =	vshrl.u32 v1, $0x3;
	s3 =	sld [smem:$0x7E8]  }
0x22d: {  	v5 =	vmul.u32 $0x1C00, v63  }
0x22e: {  	v1 =	vand.u32 $0x7, v1;
	s2 =	sadd.s32 $0x60, s13  }
0x22f: {  	v1 =	vor.u32 v1, v5;
	[hbm:s2@s30], [sflag:s14] =	dma.strided [spmem:s3@s30], $0xE0, s29, $0x10   }
0x230: {  	v3 =	vperm.xlane @!p0 v1, v3;
	s3 =	sld [smem:$0x7E9];
	_ =	sdelay $0x1  }
0x231: {  	v3 =	vadd.s32 @!p0 v2, v3;
	s15 =	simm.s32 @!p1 $0x6;
	s13 =	sadd.s32 $0x70, s13  }
0x232: {  	[hbm:s13@s30], [sflag:s14] =	dma.strided [spmem:s3@s30], $0xE0, s29, $0x10   }
0x233: {  	_ =	swait.ge @!p1 [sflag:s15], $0x7000  }
0x234: {  	[sflag:s15] =	ssyncset.done @!p1 $0x0  }
0x235: {  	s3 =	simm.s32 @!p0 $0x7080;
	[sflag:s15] =	ssyncadd.s32 @!p1 $0xFFFF9000  }
0x236: {  	[tilespmem:s3], [sflag:$0x4] =	stream.indirect_vreg.gather @!p0 [hbm4b:s22+s0], $0x80, v3, vm0, $0xb8;
	[tilespmem:$0x15080] =	vst v63  }
0x237: {  	s13 =	simm.s32 @!p0 $0x7880  }
0x238: {  	[tilespmem:s13], [sflag:$0x4] =	stream.indirect_vreg.gather @!p0 [hbm4b:s1+s0], $0x80, v3, vm0, $0xb8;
	[tilespmem:$0x15080] =	vst v63  }
0x239: {  	s13 =	simm.s32 @!p0 $0x8080  }
0x23a: {  	[tilespmem:s13], [sflag:$0x4] =	stream.indirect_vreg.gather @!p0 [hbm4b:s4+s0], $0x80, v3, vm0, $0xb8;
	[tilespmem:$0x15080] =	vst v63  }
0x23b: {  	s13 =	simm.s32 @!p0 $0x8880  }
0x23c: {  	[tilespmem:s13], [sflag:$0x4] =	stream.indirect_vreg.gather @!p0 [hbm4b:s5+s0], $0x80, v3, vm0, $0xb8;
	[tilespmem:$0x15080] =	vst v63  }
0x23d: {  	v4 =	vperm.xlane @!p0 v1, v4;
	s13 =	simm.s32 @!p0 $0x9080  }
0x23e: {  	[tilespmem:s13], [sflag:$0x4] =	stream.indirect_vreg.gather @!p0 [hbm4b:s7+s0], $0x80, v3, vm0, $0xb8;
	[tilespmem:$0x15080] =	vst v63  }
0x23f: {  	v2 =	vadd.s32 @!p0 v2, v4;
	s13 =	simm.s32 @!p0 $0x9880  }
0x240: {  	[tilespmem:s13], [sflag:$0x4] =	stream.indirect_vreg.gather @!p0 [hbm4b:s8+s0], $0x80, v3, vm0, $0xb8;
	[tilespmem:$0x15080] =	vst v63  }
0x241: {  	s13 =	simm.s32 @!p0 $0xA080  }
0x242: {  	[tilespmem:s13], [sflag:$0x4] =	stream.indirect_vreg.gather @!p0 [hbm4b:s9+s0], $0x80, v3, vm0, $0xb8;
	[tilespmem:$0x15080] =	vst v63  }
0x243: {  	s13 =	simm.s32 @!p0 $0xA880  }
0x244: {  	[tilespmem:s13], [sflag:$0x4] =	stream.indirect_vreg.gather @!p0 [hbm4b:s22+s0], $0x80, v2, vm0, $0xb8;
	[tilespmem:$0x15080] =	vst v63  }
0x245: {  	s13 =	simm.s32 @!p0 $0xB080  }
0x246: {  	[tilespmem:s13], [sflag:$0x4] =	stream.indirect_vreg.gather @!p0 [hbm4b:s1+s0], $0x80, v2, vm0, $0xb8;
	[tilespmem:$0x15080] =	vst v63  }
0x247: {  	s1 =	simm.s32 @!p0 $0xB880  }
0x248: {  	[tilespmem:s1], [sflag:$0x4] =	stream.indirect_vreg.gather @!p0 [hbm4b:s4+s0], $0x80, v2, vm0, $0xb8;
	[tilespmem:$0x15080] =	vst v63  }
0x249: {  	s1 =	simm.s32 @!p0 $0xC080  }
0x24a: {  	[tilespmem:s1], [sflag:$0x4] =	stream.indirect_vreg.gather @!p0 [hbm4b:s5+s0], $0x80, v2, vm0, $0xb8;
	[tilespmem:$0x15080] =	vst v63  }
0x24b: {  	s1 =	simm.s32 @!p0 $0xC880  }
0x24c: {  	[tilespmem:s1], [sflag:$0x4] =	stream.indirect_vreg.gather @!p0 [hbm4b:s7+s0], $0x80, v2, vm0, $0xb8;
	[tilespmem:$0x15080] =	vst v63  }
0x24d: {  	s1 =	simm.s32 @!p0 $0xD080  }
0x24e: {  	[tilespmem:s1], [sflag:$0x4] =	stream.indirect_vreg.gather @!p0 [hbm4b:s8+s0], $0x80, v2, vm0, $0xb8;
	[tilespmem:$0x15080] =	vst v63  }
0x24f: {  	s1 =	simm.s32 @!p0 $0xD880  }
0x250: {  	[tilespmem:s1], [sflag:$0x4] =	stream.indirect_vreg.gather @!p0 [hbm4b:s9+s0], $0x80, v2, vm0, $0xb8;
	[tilespmem:$0x15080] =	vst v63  }
0x251: {  	_ =	swait.ge @!p0 [sflag:s10], $0x7000  }
0x252: {  	s2 =	sld [smem:$0x7F2];
	_ =	sdelay $0x1  }
0x253: {  	[sflag:s10] =	ssyncset.done @!p0 $0x0  }
0x254: {  	[sflag:s10] =	ssyncadd.s32 @!p0 $0xFFFF9000;
	s0 =	sadd.s32 @!p0 s2, s6  }
0x255: {  	[hbm4b:s0+s12] =	stream.strided.scatter @!p0 [tilespmem:s3], [sflag:$0x6], $0x7000, s11, s12, $0x38;
	[tilespmem:$0x15080] =	vst v63  }
0x256: {  	_ =	swait.ge [sflag:s31], $0xE0  }
0x257: {  	[sflag:s31] =	ssyncset.done $0x0  }
0x258: {  	[sflag:s31] =	ssyncadd.s32 $0xFFFFFF20  }
0x259: {  	_ =	swait.ge [sflag:s31], $0xE0  }
0x25a: {  	[sflag:s31] =	ssyncset.done $0x0  }
0x25b: {  	[sflag:s31] =	ssyncadd.s32 $0xFFFFFF20  }
0x25c: {  	_ =	swait.ge [sflag:s31], $0xE0  }
0x25d: {  	[sflag:s31] =	ssyncset.done $0x0  }
0x25e: {  	[sflag:s31] =	ssyncadd.s32 $0xFFFFFF20  }
0x25f: {  	_ =	swait.ge [sflag:s31], $0xE0  }
0x260: {  	[sflag:s31] =	ssyncset.done $0x0  }
0x261: {  	[sflag:s31] =	ssyncadd.s32 $0xFFFFFF20  }
0x262: {  	_ =	swait.ge [sflag:s31], $0xE0  }
0x263: {  	[sflag:s31] =	ssyncset.done $0x0  }
0x264: {  	[sflag:s31] =	ssyncadd.s32 $0xFFFFFF20  }
0x265: {  	_ =	swait.ge [sflag:s31], $0xE0  }
0x266: {  	[sflag:s31] =	ssyncset.done $0x0  }
0x267: {  	[sflag:s31] =	ssyncadd.s32 $0xFFFFFF20  }
0x268: {  	_ =	swait.ge [sflag:s31], $0xE0  }
0x269: {  	[sflag:s31] =	ssyncset.done $0x0  }
0x26a: {  	[sflag:s31] =	ssyncadd.s32 $0xFFFFFF20  }
0x26b: {  	_ =	swait.ge [sflag:s31], $0xE0  }
0x26c: {  	[sflag:s31] =	ssyncset.done $0x0  }
0x26d: {  	[sflag:s31] =	ssyncadd.s32 $0xFFFFFF20  }
0x26e: {  	_ =	swait.ge [sflag:s31], $0xE0  }
0x26f: {  	[sflag:s31] =	ssyncset.done $0x0  }
0x270: {  	[sflag:s31] =	ssyncadd.s32 $0xFFFFFF20  }
0x271: {  	_ =	swait.ge [sflag:s31], $0xE0  }
0x272: {  	[sflag:s31] =	ssyncset.done $0x0  }
0x273: {  	[sflag:s31] =	ssyncadd.s32 $0xFFFFFF20  }
0x274: {  	_ =	swait.ge [sflag:s31], $0xE0  }
0x275: {  	[sflag:s31] =	ssyncset.done $0x0  }
0x276: {  	[sflag:s31] =	ssyncadd.s32 $0xFFFFFF20  }
0x277: {  	_ =	swait.ge [sflag:s31], $0xE0  }
0x278: {  	[sflag:s31] =	ssyncset.done $0x0  }
0x279: {  	[sflag:s31] =	ssyncadd.s32 $0xFFFFFF20  }
0x27a: {  	_ =	swait.ge [sflag:s31], $0xE0  }
0x27b: {  	[sflag:s31] =	ssyncset.done $0x0  }
0x27c: {  	[sflag:s31] =	ssyncadd.s32 $0xFFFFFF20  }
0x27d: {  	_ =	swait.ge [sflag:s31], $0xE0  }
0x27e: {  	[sflag:s31] =	ssyncset.done $0x0  }
0x27f: {  	[sflag:s31] =	ssyncadd.s32 $0xFFFFFF20  }
0x280: {  	_ =	swait.ge [sflag:s31], $0xE0  }
0x281: {  	[sflag:s31] =	ssyncset.done $0x0  }
0x282: {  	[sflag:s31] =	ssyncadd.s32 $0xFFFFFF20  }
0x283: {  	_ =	swait.ge [sflag:s31], $0xE0  }
0x284: {  	[sflag:s31] =	ssyncset.done $0x0  }
0x285: {  	[sflag:s31] =	ssyncadd.s32 $0xFFFFFF20  }
0x286: {  	_ =	swait.ge [sflag:s31], $0xE0  }
0x287: {  	[sflag:s31] =	ssyncset.done $0x0  }
0x288: {  	[sflag:s31] =	ssyncadd.s32 $0xFFFFFF20  }
0x289: {  	_ =	swait.ge [sflag:s31], $0xE0  }
0x28a: {  	[sflag:s31] =	ssyncset.done $0x0  }
0x28b: {  	[sflag:s31] =	ssyncadd.s32 $0xFFFFFF20  }
0x28c: {  	_ =	swait.ge [sflag:s31], $0xE0  }
0x28d: {  	[sflag:s31] =	ssyncset.done $0x0  }
0x28e: {  	[sflag:s31] =	ssyncadd.s32 $0xFFFFFF20  }
0x28f: {  	_ =	swait.ge [sflag:s31], $0xE0  }
0x290: {  	[sflag:s31] =	ssyncset.done $0x0  }
0x291: {  	[sflag:s31] =	ssyncadd.s32 $0xFFFFFF20  }
0x292: {  	_ =	swait.ge [sflag:s31], $0xE0  }
0x293: {  	[sflag:s31] =	ssyncset.done $0x0  }
0x294: {  	[sflag:s31] =	ssyncadd.s32 $0xFFFFFF20  }
0x295: {  	_ =	swait.ge [sflag:s31], $0xE0  }
0x296: {  	[sflag:s31] =	ssyncset.done $0x0  }
0x297: {  	[sflag:s31] =	ssyncadd.s32 $0xFFFFFF20  }
0x298: {  	_ =	swait.ge [sflag:s31], $0xE0  }
0x299: {  	[sflag:s31] =	ssyncset.done $0x0  }
0x29a: {  	[sflag:s31] =	ssyncadd.s32 $0xFFFFFF20  }
0x29b: {  	_ =	swait.ge [sflag:s31], $0xE0  }
0x29c: {  	[sflag:s31] =	ssyncset.done $0x0  }
0x29d: {  	[sflag:s31] =	ssyncadd.s32 $0xFFFFFF20  }
0x29e: {  	_ =	swait.ge [sflag:s31], $0xE0  }
0x29f: {  	[sflag:s31] =	ssyncset.done $0x0  }
0x2a0: {  	[sflag:s31] =	ssyncadd.s32 $0xFFFFFF20  }
0x2a1: {  	_ =	swait.ge [sflag:s31], $0xE0  }
0x2a2: {  	[sflag:s31] =	ssyncset.done $0x0  }
0x2a3: {  	[sflag:s31] =	ssyncadd.s32 $0xFFFFFF20  }
0x2a4: {  	_ =	swait.ge [sflag:s31], $0xE0  }
0x2a5: {  	[sflag:s31] =	ssyncset.done $0x0  }
0x2a6: {  	[sflag:s31] =	ssyncadd.s32 $0xFFFFFF20  }
0x2a7: {  	_ =	swait.ge [sflag:s31], $0xE0  }
0x2a8: {  	[sflag:s31] =	ssyncset.done $0x0  }
0x2a9: {  	[sflag:s31] =	ssyncadd.s32 $0xFFFFFF20  }
0x2aa: {  	_ =	swait.ge [sflag:s31], $0xE0  }
0x2ab: {  	[sflag:s31] =	ssyncset.done $0x0  }
0x2ac: {  	[sflag:s31] =	ssyncadd.s32 $0xFFFFFF20  }
0x2ad: {  	_ =	swait.ge [sflag:s31], $0xE0  }
0x2ae: {  	[sflag:s31] =	ssyncset.done $0x0  }
0x2af: {  	[sflag:s31] =	ssyncadd.s32 $0xFFFFFF20  }
0x2b0: {  	_ =	swait.ge [sflag:s31], $0xE0  }
0x2b1: {  	[sflag:s31] =	ssyncset.done $0x0  }
0x2b2: {  	[sflag:s31] =	ssyncadd.s32 $0xFFFFFF20  }
0x2b3: {  	_ =	swait.ge [sflag:s31], $0xE0  }
0x2b4: {  	[sflag:s31] =	ssyncset.done $0x0  }
0x2b5: {  	[sflag:s31] =	ssyncadd.s32 $0xFFFFFF20  }
0x2b6: {  	s28 =	smin.u32 s28, $0x12;
	[bflag:$0x0] =	sbarrier.arrive $0xFFFF  }
0x2b7: {  	s20 =	sadd.s32 $0x700, s20;
	s21 =	sadd.s32 $0xE00, s21;
	s15 =	rddreg [dreg:$0x7]  }
0x2b8: {  	s17 =	sadd.s32 $0xE00, s17;
	s18 =	sadd.s32 $0xE00, s18;
	s1 =	sadd.s32 s28, s15  }
0x2b9: {  	s19 =	sadd.s32 $0xE00, s19;
	s22 =	sadd.s32 $0x700, s22;
	s1 =	smul.u32 $0x3800, s1  }
0x2ba: {  	s7 =	simm.s32 $0x2;
	s8 =	sadd.s32 $0xE00, s16;
	s16 =	sadd.s32 $0xE00, s23  }
0x2bb: {  	s23 =	simm.s32 $0x0;
	s9 =	sadd.s32 $0xE00, s24;
	s1 =	sadd.s32 s26, s1  }
0x2bc: {  	s10 =	sadd.s32 $0x700, s2;
	s0 =	sadd.s32 $0xE00, s25;
	s1 =	sshrl.u32 s1, $0x3  }
.LBB2_2:
0x2bd: {  	s3 =	sld [smem:$0x7AB]  }
0x2be: {  	s4 =	sld [smem:$0x7AC]  }
0x2bf: {  	s2 =	rddreg [dreg:$0x1]  }
0x2c0: {  	[smem:$0x7A9] =	sst s9;
	s1 =	sadd.s32 s2, s1  }
0x2c1: {  	[spmem:s4], [sflag:s3] =	dma.local [hbm:s1], $0x700  }
0x2c2: {  	_ =	swait.ge [sflag:s29], $0x700  }
0x2c3: {  	[sflag:s29] =	ssyncset.done $0x0  }
0x2c4: {  	[sflag:s29] =	ssyncadd.s32 $0xFFFFF900  }
0x2c5: {  	[bflag:$0x0] =	sbarrier.arrive $0xFFFF  }
0x2c6: {  	s28 =	sadd.s32 s0, s6;
	s26 =	rddreg [dreg:$0x8]  }
0x2c7: {  	[hbm:s28@s30], [sflag:s14] =	dma.strided [spmem:s26@s30], $0xE0, s29, $0x10   }
0x2c8: {  	s5 =	sadd.s32 $0x10, s28;
	s1 =	rddreg [dreg:$0x9]  }
0x2c9: {  	[hbm:s5@s30], [sflag:s14] =	dma.strided [spmem:s1@s30], $0xE0, s29, $0x10   }
0x2ca: {  	s11 =	sadd.s32 $0x20, s28;
	s1 =	rddreg [dreg:$0xa]  }
0x2cb: {  	[hbm:s11@s30], [sflag:s14] =	dma.strided [spmem:s1@s30], $0xE0, s29, $0x10   }
0x2cc: {  	s12 =	sadd.s32 $0x30, s28;
	s1 =	rddreg [dreg:$0xb]  }
0x2cd: {  	[hbm:s12@s30], [sflag:s14] =	dma.strided [spmem:s1@s30], $0xE0, s29, $0x10   }
0x2ce: {  	s13 =	sadd.s32 $0x40, s28;
	s1 =	rddreg [dreg:$0xc]  }
0x2cf: {  	[hbm:s13@s30], [sflag:s14] =	dma.strided [spmem:s1@s30], $0xE0, s29, $0x10   }
0x2d0: {  	s15 =	sadd.s32 $0x50, s28;
	s1 =	rddreg [dreg:$0xd]  }
0x2d1: {  	[hbm:s15@s30], [sflag:s14] =	dma.strided [spmem:s1@s30], $0xE0, s29, $0x10   }
0x2d2: {  	s25 =	sadd.s32 $0x60, s28;
	s1 =	rddreg [dreg:$0xe]  }
0x2d3: {  	[hbm:s25@s30], [sflag:s14] =	dma.strided [spmem:s1@s30], $0xE0, s29, $0x10   }
0x2d4: {  	s3 =	sadd.s32 $0x70, s28;
	s1 =	rddreg [dreg:$0xf]  }
0x2d5: {  	[hbm:s3@s30], [sflag:s14] =	dma.strided [spmem:s1@s30], $0xE0, s29, $0x10   }
0x2d6: {  	s26 =	sadd.s32 s9, s6;
	s1 =	rddreg [dreg:$0x10]  }
0x2d7: {  	[hbm:s26@s30], [sflag:s14] =	dma.strided [spmem:s1@s30], $0xE0, s29, $0x10   }
0x2d8: {  	s28 =	sadd.s32 $0x10, s26;
	s1 =	rddreg [dreg:$0x11]  }
0x2d9: {  	[hbm:s28@s30], [sflag:s14] =	dma.strided [spmem:s1@s30], $0xE0, s29, $0x10   }
0x2da: {  	s5 =	sadd.s32 $0x20, s26;
	s1 =	rddreg [dreg:$0x12]  }
0x2db: {  	[hbm:s5@s30], [sflag:s14] =	dma.strided [spmem:s1@s30], $0xE0, s29, $0x10   }
0x2dc: {  	s9 =	sadd.s32 $0x30, s26;
	s1 =	rddreg [dreg:$0x13]  }
0x2dd: {  	[hbm:s9@s30], [sflag:s14] =	dma.strided [spmem:s1@s30], $0xE0, s29, $0x10   }
0x2de: {  	s11 =	sadd.s32 $0x40, s26;
	s1 =	rddreg [dreg:$0x14]  }
0x2df: {  	[hbm:s11@s30], [sflag:s14] =	dma.strided [spmem:s1@s30], $0xE0, s29, $0x10   }
0x2e0: {  	s12 =	sadd.s32 $0x50, s26;
	s1 =	rddreg [dreg:$0x15]  }
0x2e1: {  	[hbm:s12@s30], [sflag:s14] =	dma.strided [spmem:s1@s30], $0xE0, s29, $0x10   }
0x2e2: {  	s13 =	sadd.s32 $0x60, s26;
	s1 =	rddreg [dreg:$0x16]  }
0x2e3: {  	[hbm:s13@s30], [sflag:s14] =	dma.strided [spmem:s1@s30], $0xE0, s29, $0x10   }
0x2e4: {  	s3 =	sadd.s32 $0x70, s26;
	s1 =	rddreg [dreg:$0x17]  }
0x2e5: {  	[hbm:s3@s30], [sflag:s14] =	dma.strided [spmem:s1@s30], $0xE0, s29, $0x10   }
0x2e6: {  	s15 =	sadd.s32 s16, s6;
	s1 =	rddreg [dreg:$0x18]  }
0x2e7: {  	[hbm:s15@s30], [sflag:s14] =	dma.strided [spmem:s1@s30], $0xE0, s29, $0x10   }
0x2e8: {  	s25 =	sadd.s32 $0x10, s15;
	s1 =	rddreg [dreg:$0x19]  }
0x2e9: {  	[hbm:s25@s30], [sflag:s14] =	dma.strided [spmem:s1@s30], $0xE0, s29, $0x10   }
0x2ea: {  	s26 =	sadd.s32 $0x20, s15;
	s1 =	rddreg [dreg:$0x1a]  }
0x2eb: {  	[hbm:s26@s30], [sflag:s14] =	dma.strided [spmem:s1@s30], $0xE0, s29, $0x10   }
0x2ec: {  	s28 =	sadd.s32 $0x30, s15;
	s1 =	rddreg [dreg:$0x1b]  }
0x2ed: {  	[hbm:s28@s30], [sflag:s14] =	dma.strided [spmem:s1@s30], $0xE0, s29, $0x10   }
0x2ee: {  	s5 =	sadd.s32 $0x40, s15;
	s1 =	rddreg [dreg:$0x1c]  }
0x2ef: {  	[hbm:s5@s30], [sflag:s14] =	dma.strided [spmem:s1@s30], $0xE0, s29, $0x10   }
0x2f0: {  	s9 =	sadd.s32 $0x50, s15;
	s1 =	rddreg [dreg:$0x1d]  }
0x2f1: {  	[hbm:s9@s30], [sflag:s14] =	dma.strided [spmem:s1@s30], $0xE0, s29, $0x10   }
0x2f2: {  	s11 =	sadd.s32 $0x60, s15;
	s1 =	rddreg [dreg:$0x1e]  }
0x2f3: {  	[hbm:s11@s30], [sflag:s14] =	dma.strided [spmem:s1@s30], $0xE0, s29, $0x10   }
0x2f4: {  	s3 =	sadd.s32 $0x70, s15;
	s1 =	rddreg [dreg:$0x1f]  }
0x2f5: {  	[hbm:s3@s30], [sflag:s14] =	dma.strided [spmem:s1@s30], $0xE0, s29, $0x10   }
0x2f6: {  	s1 =	sld [smem:$0x7C1];
	_ =	sdelay $0x1  }
0x2f7: {  	s12 =	sadd.s32 s8, s6  }
0x2f8: {  	[hbm:s12@s30], [sflag:s14] =	dma.strided [spmem:s1@s30], $0xE0, s29, $0x10   }
0x2f9: {  	s1 =	sld [smem:$0x7C2];
	_ =	sdelay $0x1  }
0x2fa: {  	s13 =	sadd.s32 $0x10, s12  }
0x2fb: {  	[hbm:s13@s30], [sflag:s14] =	dma.strided [spmem:s1@s30], $0xE0, s29, $0x10   }
0x2fc: {  	s1 =	sld [smem:$0x7C3];
	_ =	sdelay $0x1  }
0x2fd: {  	s15 =	sadd.s32 $0x20, s12  }
0x2fe: {  	[hbm:s15@s30], [sflag:s14] =	dma.strided [spmem:s1@s30], $0xE0, s29, $0x10   }
0x2ff: {  	s1 =	sld [smem:$0x7C4];
	_ =	sdelay $0x1  }
0x300: {  	s25 =	sadd.s32 $0x30, s12  }
0x301: {  	[hbm:s25@s30], [sflag:s14] =	dma.strided [spmem:s1@s30], $0xE0, s29, $0x10   }
0x302: {  	s1 =	sld [smem:$0x7C5];
	_ =	sdelay $0x1  }
0x303: {  	s26 =	sadd.s32 $0x40, s12  }
0x304: {  	[hbm:s26@s30], [sflag:s14] =	dma.strided [spmem:s1@s30], $0xE0, s29, $0x10   }
0x305: {  	s1 =	sld [smem:$0x7C6];
	_ =	sdelay $0x1  }
0x306: {  	s28 =	sadd.s32 $0x50, s12  }
0x307: {  	[hbm:s28@s30], [sflag:s14] =	dma.strided [spmem:s1@s30], $0xE0, s29, $0x10   }
0x308: {  	s1 =	sld [smem:$0x7C7]  }
0x309: {  	s24 =	smov.u32 s7  }
0x30a: {  	s23 =	sadd.s32 $0x1, s23;
	p1 =	seq.s32 s24, $0x14;
	s5 =	sadd.s32 $0x60, s12  }
0x30b: {  	v2 =	vlaneseq.u32 @!p1;
	[hbm:s5@s30], [sflag:s14] =	dma.strided [spmem:s1@s30], $0xE0, s29, $0x10   }
0x30c: {  	p2 =	seq.s32 s23, $0x0;
	v3 =	vand.u32 @!p1 $0x7, v2;
	v4 =	vshrl.u32 @!p1 v2, $0x3;
	s1 =	sld [smem:$0x7C8]  }
0x30d: {  	p3 =	seq.s32 @!p2 s23, $0xA;
	v5 =	vor.u32 @!p1 $0x8, v2;
	v6 =	vperm.xlane @!p1 v0, v3;
	v2 =	vmul.u32 @!p1 $0x8, v4  }
0x30e: {  	p2 =	por p3, p2;
	v7 =	vperm.xlane @!p1 v0, v5;
	s3 =	sadd.s32 $0x70, s12  }
0x30f: {  	v4 =	vperm.xlane @!p1 v1, v3;
	v3 =	vperm.xlane @!p1 v1, v5;
	v5 =	vadd.s32 @!p1 v2, v6;
	[hbm:s3@s30], [sflag:s14] =	dma.strided [spmem:s1@s30], $0xE0, s29, $0x10   }
0x310: {  	s1 =	simm.s32 @!p2 $0x5  }
0x311: {  	_ =	swait.ge @!p2 [sflag:s1], $0x7000  }
0x312: {  	[sflag:s1] =	ssyncset.done @!p2 $0x0  }
0x313: {  	vm0 =	vmmov @!p1 $0xffff;
	s25 =	simm.s32 @!p1 $0x0;
	s3 =	simm.s32 @!p1 $0x80;
	[sflag:s1] =	ssyncadd.s32 @!p2 $0xFFFF9000  }
0x314: {  	[tilespmem:s3], [sflag:$0x4] =	stream.indirect_vreg.gather @!p1 [hbm4b:s22+s25], $0x80, v5, vm0, $0xb8;
	[tilespmem:$0x15080] =	vst v63  }
0x315: {  	s9 =	sadd.s32 @!p1 $0x100, s22;
	s1 =	simm.s32 @!p1 $0x880  }
0x316: {  	[tilespmem:s1], [sflag:$0x4] =	stream.indirect_vreg.gather @!p1 [hbm4b:s9+s25], $0x80, v5, vm0, $0xb8;
	[tilespmem:$0x15080] =	vst v63  }
0x317: {  	s15 =	sadd.s32 @!p1 $0x200, s22;
	s1 =	simm.s32 @!p1 $0x1080  }
0x318: {  	[tilespmem:s1], [sflag:$0x4] =	stream.indirect_vreg.gather @!p1 [hbm4b:s15+s25], $0x80, v5, vm0, $0xb8;
	[tilespmem:$0x15080] =	vst v63  }
0x319: {  	s4 =	sadd.s32 @!p1 $0x300, s22;
	s5 =	simm.s32 @!p1 $0x1880  }
0x31a: {  	[tilespmem:s5], [sflag:$0x4] =	stream.indirect_vreg.gather @!p1 [hbm4b:s4+s25], $0x80, v5, vm0, $0xb8;
	[tilespmem:$0x15080] =	vst v63  }
0x31b: {  	s1 =	simm.s32 @!p1 $0x2080;
	s5 =	sadd.s32 @!p1 $0x400, s22  }
0x31c: {  	[tilespmem:s1], [sflag:$0x4] =	stream.indirect_vreg.gather @!p1 [hbm4b:s5+s25], $0x80, v5, vm0, $0xb8;
	[tilespmem:$0x15080] =	vst v63  }
0x31d: {  	v6 =	vadd.s32 @!p1 v2, v7;
	s11 =	simm.s32 @!p1 $0x2880;
	s1 =	sadd.s32 @!p1 $0x500, s22  }
0x31e: {  	[tilespmem:s11], [sflag:$0x4] =	stream.indirect_vreg.gather @!p1 [hbm4b:s1+s25], $0x80, v5, vm0, $0xb8;
	[tilespmem:$0x15080] =	vst v63  }
0x31f: {  	s26 =	sadd.s32 @!p1 $0x600, s22;
	s11 =	simm.s32 @!p1 $0x3080  }
0x320: {  	[tilespmem:s11], [sflag:$0x4] =	stream.indirect_vreg.gather @!p1 [hbm4b:s26+s25], $0x80, v5, vm0, $0xb8;
	[tilespmem:$0x15080] =	vst v63  }
0x321: {  	s11 =	simm.s32 @!p1 $0x3880  }
0x322: {  	[tilespmem:s11], [sflag:$0x4] =	stream.indirect_vreg.gather @!p1 [hbm4b:s22+s25], $0x80, v6, vm0, $0xb8;
	[tilespmem:$0x15080] =	vst v63  }
0x323: {  	s11 =	simm.s32 @!p1 $0x4080  }
0x324: {  	[tilespmem:s11], [sflag:$0x4] =	stream.indirect_vreg.gather @!p1 [hbm4b:s9+s25], $0x80, v6, vm0, $0xb8;
	[tilespmem:$0x15080] =	vst v63  }
0x325: {  	s11 =	simm.s32 @!p1 $0x4880  }
0x326: {  	[tilespmem:s11], [sflag:$0x4] =	stream.indirect_vreg.gather @!p1 [hbm4b:s15+s25], $0x80, v6, vm0, $0xb8;
	[tilespmem:$0x15080] =	vst v63  }
0x327: {  	s11 =	simm.s32 @!p1 $0x5080  }
0x328: {  	[tilespmem:s11], [sflag:$0x4] =	stream.indirect_vreg.gather @!p1 [hbm4b:s4+s25], $0x80, v6, vm0, $0xb8;
	[tilespmem:$0x15080] =	vst v63  }
0x329: {  	s11 =	simm.s32 @!p1 $0x5880  }
0x32a: {  	[tilespmem:s11], [sflag:$0x4] =	stream.indirect_vreg.gather @!p1 [hbm4b:s5+s25], $0x80, v6, vm0, $0xb8;
	[tilespmem:$0x15080] =	vst v63  }
0x32b: {  	s12 =	simm.s32 @!p1 $0x6080  }
0x32c: {  	[tilespmem:s12], [sflag:$0x4] =	stream.indirect_vreg.gather @!p1 [hbm4b:s1+s25], $0x80, v6, vm0, $0xb8;
	[tilespmem:$0x15080] =	vst v63  }
0x32d: {  	s11 =	simm.s32 @!p1 $0x4;
	s12 =	simm.s32 @!p1 $0x6880  }
0x32e: {  	[tilespmem:s12], [sflag:$0x4] =	stream.indirect_vreg.gather @!p1 [hbm4b:s26+s25], $0x80, v6, vm0, $0xb8;
	[tilespmem:$0x15080] =	vst v63  }
0x32f: {  	_ =	swait.ge @!p1 [sflag:s11], $0x7000  }
0x330: {  	s13 =	simm.s32 @!p1 $0x3800;
	s28 =	smov.u32 s6;
	[sflag:s11] =	ssyncset.done @!p1 $0x0  }
0x331: {  	s6 =	sadd.s32 @!p1 s20, s6;
	s12 =	simm.s32 @!p1 $0xE0000;
	[sflag:s11] =	ssyncadd.s32 @!p1 $0xFFFF9000  }
0x332: {  	[hbm4b:s6+s13] =	stream.strided.scatter @!p1 [tilespmem:s3], [sflag:$0x5], $0x7000, s12, s13, $0x38;
	[tilespmem:$0x15080] =	vst v63  }
0x333: {  	_ =	swait.ge [sflag:s31], $0xE0  }
0x334: {  	[sflag:s31] =	ssyncset.done $0x0  }
0x335: {  	[sflag:s31] =	ssyncadd.s32 $0xFFFFFF20  }
0x336: {  	_ =	swait.ge [sflag:s31], $0xE0  }
0x337: {  	[sflag:s31] =	ssyncset.done $0x0  }
0x338: {  	[sflag:s31] =	ssyncadd.s32 $0xFFFFFF20  }
0x339: {  	_ =	swait.ge [sflag:s31], $0xE0  }
0x33a: {  	[sflag:s31] =	ssyncset.done $0x0  }
0x33b: {  	[sflag:s31] =	ssyncadd.s32 $0xFFFFFF20  }
0x33c: {  	_ =	swait.ge [sflag:s31], $0xE0  }
0x33d: {  	[sflag:s31] =	ssyncset.done $0x0  }
0x33e: {  	[sflag:s31] =	ssyncadd.s32 $0xFFFFFF20  }
0x33f: {  	_ =	swait.ge [sflag:s31], $0xE0  }
0x340: {  	[sflag:s31] =	ssyncset.done $0x0  }
0x341: {  	[sflag:s31] =	ssyncadd.s32 $0xFFFFFF20  }
0x342: {  	_ =	swait.ge [sflag:s31], $0xE0  }
0x343: {  	[sflag:s31] =	ssyncset.done $0x0  }
0x344: {  	[sflag:s31] =	ssyncadd.s32 $0xFFFFFF20  }
0x345: {  	_ =	swait.ge [sflag:s31], $0xE0  }
0x346: {  	[sflag:s31] =	ssyncset.done $0x0  }
0x347: {  	[sflag:s31] =	ssyncadd.s32 $0xFFFFFF20  }
0x348: {  	_ =	swait.ge [sflag:s31], $0xE0  }
0x349: {  	[sflag:s31] =	ssyncset.done $0x0  }
0x34a: {  	[sflag:s31] =	ssyncadd.s32 $0xFFFFFF20  }
0x34b: {  	_ =	swait.ge [sflag:s31], $0xE0  }
0x34c: {  	[sflag:s31] =	ssyncset.done $0x0  }
0x34d: {  	[sflag:s31] =	ssyncadd.s32 $0xFFFFFF20  }
0x34e: {  	_ =	swait.ge [sflag:s31], $0xE0  }
0x34f: {  	[sflag:s31] =	ssyncset.done $0x0  }
0x350: {  	[sflag:s31] =	ssyncadd.s32 $0xFFFFFF20  }
0x351: {  	_ =	swait.ge [sflag:s31], $0xE0  }
0x352: {  	[sflag:s31] =	ssyncset.done $0x0  }
0x353: {  	[sflag:s31] =	ssyncadd.s32 $0xFFFFFF20  }
0x354: {  	_ =	swait.ge [sflag:s31], $0xE0  }
0x355: {  	[sflag:s31] =	ssyncset.done $0x0  }
0x356: {  	[sflag:s31] =	ssyncadd.s32 $0xFFFFFF20  }
0x357: {  	_ =	swait.ge [sflag:s31], $0xE0  }
0x358: {  	[sflag:s31] =	ssyncset.done $0x0  }
0x359: {  	[sflag:s31] =	ssyncadd.s32 $0xFFFFFF20  }
0x35a: {  	_ =	swait.ge [sflag:s31], $0xE0  }
0x35b: {  	[sflag:s31] =	ssyncset.done $0x0  }
0x35c: {  	[sflag:s31] =	ssyncadd.s32 $0xFFFFFF20  }
0x35d: {  	_ =	swait.ge [sflag:s31], $0xE0  }
0x35e: {  	[sflag:s31] =	ssyncset.done $0x0  }
0x35f: {  	[sflag:s31] =	ssyncadd.s32 $0xFFFFFF20  }
0x360: {  	_ =	swait.ge [sflag:s31], $0xE0  }
0x361: {  	[sflag:s31] =	ssyncset.done $0x0  }
0x362: {  	[sflag:s31] =	ssyncadd.s32 $0xFFFFFF20  }
0x363: {  	_ =	swait.ge [sflag:s31], $0xE0  }
0x364: {  	[sflag:s31] =	ssyncset.done $0x0  }
0x365: {  	[sflag:s31] =	ssyncadd.s32 $0xFFFFFF20  }
0x366: {  	_ =	swait.ge [sflag:s31], $0xE0  }
0x367: {  	[sflag:s31] =	ssyncset.done $0x0  }
0x368: {  	[sflag:s31] =	ssyncadd.s32 $0xFFFFFF20  }
0x369: {  	_ =	swait.ge [sflag:s31], $0xE0  }
0x36a: {  	[sflag:s31] =	ssyncset.done $0x0  }
0x36b: {  	[sflag:s31] =	ssyncadd.s32 $0xFFFFFF20  }
0x36c: {  	_ =	swait.ge [sflag:s31], $0xE0  }
0x36d: {  	[sflag:s31] =	ssyncset.done $0x0  }
0x36e: {  	[sflag:s31] =	ssyncadd.s32 $0xFFFFFF20  }
0x36f: {  	_ =	swait.ge [sflag:s31], $0xE0  }
0x370: {  	[sflag:s31] =	ssyncset.done $0x0  }
0x371: {  	[sflag:s31] =	ssyncadd.s32 $0xFFFFFF20  }
0x372: {  	_ =	swait.ge [sflag:s31], $0xE0  }
0x373: {  	[sflag:s31] =	ssyncset.done $0x0  }
0x374: {  	[sflag:s31] =	ssyncadd.s32 $0xFFFFFF20  }
0x375: {  	_ =	swait.ge [sflag:s31], $0xE0  }
0x376: {  	[sflag:s31] =	ssyncset.done $0x0  }
0x377: {  	[sflag:s31] =	ssyncadd.s32 $0xFFFFFF20  }
0x378: {  	_ =	swait.ge [sflag:s31], $0xE0  }
0x379: {  	[sflag:s31] =	ssyncset.done $0x0  }
0x37a: {  	[sflag:s31] =	ssyncadd.s32 $0xFFFFFF20  }
0x37b: {  	_ =	swait.ge [sflag:s31], $0xE0  }
0x37c: {  	[sflag:s31] =	ssyncset.done $0x0  }
0x37d: {  	[sflag:s31] =	ssyncadd.s32 $0xFFFFFF20  }
0x37e: {  	_ =	swait.ge [sflag:s31], $0xE0  }
0x37f: {  	[sflag:s31] =	ssyncset.done $0x0  }
0x380: {  	[sflag:s31] =	ssyncadd.s32 $0xFFFFFF20  }
0x381: {  	_ =	swait.ge [sflag:s31], $0xE0  }
0x382: {  	[sflag:s31] =	ssyncset.done $0x0  }
0x383: {  	[sflag:s31] =	ssyncadd.s32 $0xFFFFFF20  }
0x384: {  	_ =	swait.ge [sflag:s31], $0xE0  }
0x385: {  	[sflag:s31] =	ssyncset.done $0x0  }
0x386: {  	[sflag:s31] =	ssyncadd.s32 $0xFFFFFF20  }
0x387: {  	_ =	swait.ge [sflag:s31], $0xE0  }
0x388: {  	[sflag:s31] =	ssyncset.done $0x0  }
0x389: {  	[sflag:s31] =	ssyncadd.s32 $0xFFFFFF20  }
0x38a: {  	_ =	swait.ge [sflag:s31], $0xE0  }
0x38b: {  	[sflag:s31] =	ssyncset.done $0x0  }
0x38c: {  	[sflag:s31] =	ssyncadd.s32 $0xFFFFFF20  }
0x38d: {  	_ =	swait.ge [sflag:s31], $0xE0  }
0x38e: {  	[sflag:s31] =	ssyncset.done $0x0  }
0x38f: {  	[sflag:s31] =	ssyncadd.s32 $0xFFFFFF20  }
0x390: {  	_ =	swait.ge [sflag:s31], $0xE0  }
0x391: {  	[sflag:s31] =	ssyncset.done $0x0  }
0x392: {  	[sflag:s31] =	ssyncadd.s32 $0xFFFFFF20  }
0x393: {  	[bflag:$0x0] =	sbarrier.arrive $0xFFFF  }
0x394: {  	s12 =	smin.u32 s24, $0x13;
	s6 =	rddreg [dreg:$0x6]  }
0x395: {  	s3 =	sadd.s32 s12, s6;
	s12 =	sld [smem:$0x7EA]  }
0x396: {  	s3 =	smul.u32 $0x3800, s3;
	_ =	sdelay $0x1  }
0x397: {  	s3 =	sadd.s32 s12, s3  }
0x398: {  	s6 =	sld [smem:$0x7FD];
	s3 =	sshrl.u32 s3, $0x3  }
0x399: {  	s3 =	sadd.s32 s2, s3;
	s2 =	sld [smem:$0x7C9];
	_ =	sdelay $0x2  }
0x39a: {  	[spmem:s2], [sflag:s6] =	dma.local [hbm:s3], $0x700  }
0x39b: {  	s6 =	simm.s32 $0x2  }
0x39c: {  	_ =	swait.ge [sflag:s6], $0x700  }
0x39d: {  	[sflag:s6] =	ssyncset.done $0x0  }
0x39e: {  	[sflag:s6] =	ssyncadd.s32 $0xFFFFF900  }
0x39f: {  	[bflag:$0x0] =	sbarrier.arrive $0xFFFF  }
0x3a0: {  	s2 =	sld [smem:$0x7CA];
	_ =	sdelay $0x1  }
0x3a1: {  	s6 =	sadd.s32 s21, s28  }
0x3a2: {  	[hbm:s6@s30], [sflag:s14] =	dma.strided [spmem:s2@s30], $0xE0, s29, $0x10   }
0x3a3: {  	s3 =	sld [smem:$0x7CB];
	_ =	sdelay $0x1  }
0x3a4: {  	s2 =	sadd.s32 $0x10, s6  }
0x3a5: {  	[hbm:s2@s30], [sflag:s14] =	dma.strided [spmem:s3@s30], $0xE0, s29, $0x10   }
0x3a6: {  	s2 =	sld [smem:$0x7CC];
	_ =	sdelay $0x1  }
0x3a7: {  	s3 =	sadd.s32 $0x20, s6  }
0x3a8: {  	[hbm:s3@s30], [sflag:s14] =	dma.strided [spmem:s2@s30], $0xE0, s29, $0x10   }
0x3a9: {  	s2 =	sld [smem:$0x7CD];
	_ =	sdelay $0x1  }
0x3aa: {  	s3 =	sadd.s32 $0x30, s6  }
0x3ab: {  	[hbm:s3@s30], [sflag:s14] =	dma.strided [spmem:s2@s30], $0xE0, s29, $0x10   }
0x3ac: {  	s2 =	sld [smem:$0x7CE];
	_ =	sdelay $0x1  }
0x3ad: {  	s3 =	sadd.s32 $0x40, s6  }
0x3ae: {  	[hbm:s3@s30], [sflag:s14] =	dma.strided [spmem:s2@s30], $0xE0, s29, $0x10   }
0x3af: {  	s2 =	sld [smem:$0x7CF];
	_ =	sdelay $0x1  }
0x3b0: {  	s3 =	sadd.s32 $0x50, s6  }
0x3b1: {  	[hbm:s3@s30], [sflag:s14] =	dma.strided [spmem:s2@s30], $0xE0, s29, $0x10   }
0x3b2: {  	s2 =	sld [smem:$0x7D0];
	_ =	sdelay $0x1  }
0x3b3: {  	s3 =	sadd.s32 $0x60, s6  }
0x3b4: {  	[hbm:s3@s30], [sflag:s14] =	dma.strided [spmem:s2@s30], $0xE0, s29, $0x10   }
0x3b5: {  	s2 =	sld [smem:$0x7D1];
	_ =	sdelay $0x1  }
0x3b6: {  	s6 =	sadd.s32 $0x70, s6  }
0x3b7: {  	[hbm:s6@s30], [sflag:s14] =	dma.strided [spmem:s2@s30], $0xE0, s29, $0x10   }
0x3b8: {  	s2 =	sld [smem:$0x7D2];
	_ =	sdelay $0x1  }
0x3b9: {  	s3 =	sadd.s32 s17, s28  }
0x3ba: {  	[hbm:s3@s30], [sflag:s14] =	dma.strided [spmem:s2@s30], $0xE0, s29, $0x10   }
0x3bb: {  	s2 =	sld [smem:$0x7D3];
	_ =	sdelay $0x1  }
0x3bc: {  	s6 =	sadd.s32 $0x10, s3  }
0x3bd: {  	[hbm:s6@s30], [sflag:s14] =	dma.strided [spmem:s2@s30], $0xE0, s29, $0x10   }
0x3be: {  	s2 =	sld [smem:$0x7D4];
	_ =	sdelay $0x1  }
0x3bf: {  	s6 =	sadd.s32 $0x20, s3  }
0x3c0: {  	[hbm:s6@s30], [sflag:s14] =	dma.strided [spmem:s2@s30], $0xE0, s29, $0x10   }
0x3c1: {  	s2 =	sld [smem:$0x7D5];
	_ =	sdelay $0x1  }
0x3c2: {  	s6 =	sadd.s32 $0x30, s3  }
0x3c3: {  	[hbm:s6@s30], [sflag:s14] =	dma.strided [spmem:s2@s30], $0xE0, s29, $0x10   }
0x3c4: {  	s2 =	sld [smem:$0x7D6];
	_ =	sdelay $0x1  }
0x3c5: {  	s6 =	sadd.s32 $0x40, s3  }
0x3c6: {  	[hbm:s6@s30], [sflag:s14] =	dma.strided [spmem:s2@s30], $0xE0, s29, $0x10   }
0x3c7: {  	s2 =	sld [smem:$0x7D7];
	_ =	sdelay $0x1  }
0x3c8: {  	s6 =	sadd.s32 $0x50, s3  }
0x3c9: {  	[hbm:s6@s30], [sflag:s14] =	dma.strided [spmem:s2@s30], $0xE0, s29, $0x10   }
0x3ca: {  	s2 =	sld [smem:$0x7D8];
	_ =	sdelay $0x1  }
0x3cb: {  	s6 =	sadd.s32 $0x60, s3  }
0x3cc: {  	[hbm:s6@s30], [sflag:s14] =	dma.strided [spmem:s2@s30], $0xE0, s29, $0x10   }
0x3cd: {  	s2 =	sld [smem:$0x7D9];
	_ =	sdelay $0x1  }
0x3ce: {  	s3 =	sadd.s32 $0x70, s3  }
0x3cf: {  	[hbm:s3@s30], [sflag:s14] =	dma.strided [spmem:s2@s30], $0xE0, s29, $0x10   }
0x3d0: {  	s2 =	sld [smem:$0x7DA];
	_ =	sdelay $0x1  }
0x3d1: {  	s3 =	sadd.s32 s18, s28  }
0x3d2: {  	[hbm:s3@s30], [sflag:s14] =	dma.strided [spmem:s2@s30], $0xE0, s29, $0x10   }
0x3d3: {  	s2 =	sld [smem:$0x7DB];
	_ =	sdelay $0x1  }
0x3d4: {  	s6 =	sadd.s32 $0x10, s3  }
0x3d5: {  	[hbm:s6@s30], [sflag:s14] =	dma.strided [spmem:s2@s30], $0xE0, s29, $0x10   }
0x3d6: {  	s2 =	sld [smem:$0x7DC];
	_ =	sdelay $0x1  }
0x3d7: {  	s6 =	sadd.s32 $0x20, s3  }
0x3d8: {  	[hbm:s6@s30], [sflag:s14] =	dma.strided [spmem:s2@s30], $0xE0, s29, $0x10   }
0x3d9: {  	s2 =	sld [smem:$0x7DD];
	_ =	sdelay $0x1  }
0x3da: {  	s6 =	sadd.s32 $0x30, s3  }
0x3db: {  	[hbm:s6@s30], [sflag:s14] =	dma.strided [spmem:s2@s30], $0xE0, s29, $0x10   }
0x3dc: {  	s2 =	sld [smem:$0x7DE];
	_ =	sdelay $0x1  }
0x3dd: {  	s6 =	sadd.s32 $0x40, s3  }
0x3de: {  	[hbm:s6@s30], [sflag:s14] =	dma.strided [spmem:s2@s30], $0xE0, s29, $0x10   }
0x3df: {  	s2 =	sld [smem:$0x7DF];
	_ =	sdelay $0x1  }
0x3e0: {  	s6 =	sadd.s32 $0x50, s3  }
0x3e1: {  	[hbm:s6@s30], [sflag:s14] =	dma.strided [spmem:s2@s30], $0xE0, s29, $0x10   }
0x3e2: {  	s2 =	sld [smem:$0x7E0];
	_ =	sdelay $0x1  }
0x3e3: {  	s6 =	sadd.s32 $0x60, s3  }
0x3e4: {  	[hbm:s6@s30], [sflag:s14] =	dma.strided [spmem:s2@s30], $0xE0, s29, $0x10   }
0x3e5: {  	s2 =	sld [smem:$0x7E1];
	_ =	sdelay $0x1  }
0x3e6: {  	s3 =	sadd.s32 $0x70, s3  }
0x3e7: {  	[hbm:s3@s30], [sflag:s14] =	dma.strided [spmem:s2@s30], $0xE0, s29, $0x10   }
0x3e8: {  	s2 =	sld [smem:$0x7E2];
	_ =	sdelay $0x1  }
0x3e9: {  	s3 =	sadd.s32 s19, s28  }
0x3ea: {  	[hbm:s3@s30], [sflag:s14] =	dma.strided [spmem:s2@s30], $0xE0, s29, $0x10   }
0x3eb: {  	s2 =	sld [smem:$0x7E3];
	_ =	sdelay $0x1  }
0x3ec: {  	s6 =	sadd.s32 $0x10, s3  }
0x3ed: {  	[hbm:s6@s30], [sflag:s14] =	dma.strided [spmem:s2@s30], $0xE0, s29, $0x10   }
0x3ee: {  	s2 =	sld [smem:$0x7E4];
	_ =	sdelay $0x1  }
0x3ef: {  	s6 =	sadd.s32 $0x20, s3  }
0x3f0: {  	[hbm:s6@s30], [sflag:s14] =	dma.strided [spmem:s2@s30], $0xE0, s29, $0x10   }
0x3f1: {  	s2 =	sld [smem:$0x7E5];
	_ =	sdelay $0x1  }
0x3f2: {  	s6 =	sadd.s32 $0x30, s3  }
0x3f3: {  	[hbm:s6@s30], [sflag:s14] =	dma.strided [spmem:s2@s30], $0xE0, s29, $0x10   }
0x3f4: {  	s2 =	sld [smem:$0x7E6];
	_ =	sdelay $0x1  }
0x3f5: {  	s6 =	sadd.s32 $0x40, s3  }
0x3f6: {  	[hbm:s6@s30], [sflag:s14] =	dma.strided [spmem:s2@s30], $0xE0, s29, $0x10   }
0x3f7: {  	s2 =	sld [smem:$0x7E7];
	_ =	sdelay $0x1  }
0x3f8: {  	s6 =	sadd.s32 $0x50, s3  }
0x3f9: {  	[hbm:s6@s30], [sflag:s14] =	dma.strided [spmem:s2@s30], $0xE0, s29, $0x10   }
0x3fa: {  	s2 =	sld [smem:$0x7E8];
	_ =	sdelay $0x1  }
0x3fb: {  	s6 =	sadd.s32 $0x60, s3  }
0x3fc: {  	[hbm:s6@s30], [sflag:s14] =	dma.strided [spmem:s2@s30], $0xE0, s29, $0x10   }
0x3fd: {  	s2 =	sld [smem:$0x7E9];
	_ =	sdelay $0x1  }
0x3fe: {  	v4 =	vadd.s32 @!p1 v2, v4;
	s3 =	sadd.s32 $0x70, s3;
	s6 =	simm.s32 @!p2 $0x6  }
0x3ff: {  	[hbm:s3@s30], [sflag:s14] =	dma.strided [spmem:s2@s30], $0xE0, s29, $0x10   }
0x400: {  	_ =	swait.ge @!p2 [sflag:s6], $0x7000  }
0x401: {  	[sflag:s6] =	ssyncset.done @!p2 $0x0  }
0x402: {  	s3 =	simm.s32 @!p1 $0x7080;
	[sflag:s6] =	ssyncadd.s32 @!p2 $0xFFFF9000  }
0x403: {  	[tilespmem:s3], [sflag:$0x4] =	stream.indirect_vreg.gather @!p1 [hbm4b:s22+s25], $0x80, v4, vm0, $0xb8;
	[tilespmem:$0x15080] =	vst v63  }
0x404: {  	s2 =	simm.s32 @!p1 $0x7880  }
0x405: {  	[tilespmem:s2], [sflag:$0x4] =	stream.indirect_vreg.gather @!p1 [hbm4b:s9+s25], $0x80, v4, vm0, $0xb8;
	[tilespmem:$0x15080] =	vst v63  }
0x406: {  	s6 =	simm.s32 @!p1 $0x8080  }
0x407: {  	[tilespmem:s6], [sflag:$0x4] =	stream.indirect_vreg.gather @!p1 [hbm4b:s15+s25], $0x80, v4, vm0, $0xb8;
	[tilespmem:$0x15080] =	vst v63  }
0x408: {  	s2 =	simm.s32 @!p1 $0x8880  }
0x409: {  	[tilespmem:s2], [sflag:$0x4] =	stream.indirect_vreg.gather @!p1 [hbm4b:s4+s25], $0x80, v4, vm0, $0xb8;
	[tilespmem:$0x15080] =	vst v63  }
0x40a: {  	s6 =	simm.s32 @!p1 $0x9080  }
0x40b: {  	[tilespmem:s6], [sflag:$0x4] =	stream.indirect_vreg.gather @!p1 [hbm4b:s5+s25], $0x80, v4, vm0, $0xb8;
	[tilespmem:$0x15080] =	vst v63  }
0x40c: {  	v2 =	vadd.s32 @!p1 v2, v3;
	s2 =	simm.s32 @!p1 $0x9880  }
0x40d: {  	[tilespmem:s2], [sflag:$0x4] =	stream.indirect_vreg.gather @!p1 [hbm4b:s1+s25], $0x80, v4, vm0, $0xb8;
	[tilespmem:$0x15080] =	vst v63  }
0x40e: {  	s6 =	simm.s32 @!p1 $0xA080  }
0x40f: {  	[tilespmem:s6], [sflag:$0x4] =	stream.indirect_vreg.gather @!p1 [hbm4b:s26+s25], $0x80, v4, vm0, $0xb8;
	[tilespmem:$0x15080] =	vst v63  }
0x410: {  	s2 =	simm.s32 @!p1 $0xA880  }
0x411: {  	[tilespmem:s2], [sflag:$0x4] =	stream.indirect_vreg.gather @!p1 [hbm4b:s22+s25], $0x80, v2, vm0, $0xb8;
	[tilespmem:$0x15080] =	vst v63  }
0x412: {  	s6 =	simm.s32 @!p1 $0xB080  }
0x413: {  	[tilespmem:s6], [sflag:$0x4] =	stream.indirect_vreg.gather @!p1 [hbm4b:s9+s25], $0x80, v2, vm0, $0xb8;
	[tilespmem:$0x15080] =	vst v63  }
0x414: {  	s2 =	simm.s32 @!p1 $0xB880  }
0x415: {  	[tilespmem:s2], [sflag:$0x4] =	stream.indirect_vreg.gather @!p1 [hbm4b:s15+s25], $0x80, v2, vm0, $0xb8;
	[tilespmem:$0x15080] =	vst v63  }
0x416: {  	s6 =	simm.s32 @!p1 $0xC080  }
0x417: {  	[tilespmem:s6], [sflag:$0x4] =	stream.indirect_vreg.gather @!p1 [hbm4b:s4+s25], $0x80, v2, vm0, $0xb8;
	[tilespmem:$0x15080] =	vst v63  }
0x418: {  	s2 =	simm.s32 @!p1 $0xC880  }
0x419: {  	[tilespmem:s2], [sflag:$0x4] =	stream.indirect_vreg.gather @!p1 [hbm4b:s5+s25], $0x80, v2, vm0, $0xb8;
	[tilespmem:$0x15080] =	vst v63  }
0x41a: {  	s4 =	simm.s32 @!p1 $0xD080  }
0x41b: {  	[tilespmem:s4], [sflag:$0x4] =	stream.indirect_vreg.gather @!p1 [hbm4b:s1+s25], $0x80, v2, vm0, $0xb8;
	[tilespmem:$0x15080] =	vst v63  }
0x41c: {  	s2 =	simm.s32 @!p1 $0xD880  }
0x41d: {  	[tilespmem:s2], [sflag:$0x4] =	stream.indirect_vreg.gather @!p1 [hbm4b:s26+s25], $0x80, v2, vm0, $0xb8;
	[tilespmem:$0x15080] =	vst v63  }
0x41e: {  	s9 =	sld [smem:$0x7A9];
	_ =	swait.ge @!p1 [sflag:s11], $0x7000  }
0x41f: {  	s13 =	simm.s32 @!p1 $0x3800;
	[sflag:s11] =	ssyncset.done @!p1 $0x0  }
0x420: {  	s1 =	sadd.s32 @!p1 s10, s28;
	s2 =	simm.s32 @!p1 $0xE0000;
	[sflag:s11] =	ssyncadd.s32 @!p1 $0xFFFF9000  }
0x421: {  	[hbm4b:s1+s13] =	stream.strided.scatter @!p1 [tilespmem:s3], [sflag:$0x6], $0x7000, s2, s13, $0x38;
	[tilespmem:$0x15080] =	vst v63  }
0x422: {  	_ =	swait.ge [sflag:s31], $0xE0  }
0x423: {  	[sflag:s31] =	ssyncset.done $0x0  }
0x424: {  	[sflag:s31] =	ssyncadd.s32 $0xFFFFFF20  }
0x425: {  	_ =	swait.ge [sflag:s31], $0xE0  }
0x426: {  	[sflag:s31] =	ssyncset.done $0x0  }
0x427: {  	[sflag:s31] =	ssyncadd.s32 $0xFFFFFF20  }
0x428: {  	_ =	swait.ge [sflag:s31], $0xE0  }
0x429: {  	[sflag:s31] =	ssyncset.done $0x0  }
0x42a: {  	[sflag:s31] =	ssyncadd.s32 $0xFFFFFF20  }
0x42b: {  	_ =	swait.ge [sflag:s31], $0xE0  }
0x42c: {  	[sflag:s31] =	ssyncset.done $0x0  }
0x42d: {  	[sflag:s31] =	ssyncadd.s32 $0xFFFFFF20  }
0x42e: {  	_ =	swait.ge [sflag:s31], $0xE0  }
0x42f: {  	[sflag:s31] =	ssyncset.done $0x0  }
0x430: {  	[sflag:s31] =	ssyncadd.s32 $0xFFFFFF20  }
0x431: {  	_ =	swait.ge [sflag:s31], $0xE0  }
0x432: {  	[sflag:s31] =	ssyncset.done $0x0  }
0x433: {  	[sflag:s31] =	ssyncadd.s32 $0xFFFFFF20  }
0x434: {  	_ =	swait.ge [sflag:s31], $0xE0  }
0x435: {  	[sflag:s31] =	ssyncset.done $0x0  }
0x436: {  	[sflag:s31] =	ssyncadd.s32 $0xFFFFFF20  }
0x437: {  	_ =	swait.ge [sflag:s31], $0xE0  }
0x438: {  	[sflag:s31] =	ssyncset.done $0x0  }
0x439: {  	[sflag:s31] =	ssyncadd.s32 $0xFFFFFF20  }
0x43a: {  	_ =	swait.ge [sflag:s31], $0xE0  }
0x43b: {  	[sflag:s31] =	ssyncset.done $0x0  }
0x43c: {  	[sflag:s31] =	ssyncadd.s32 $0xFFFFFF20  }
0x43d: {  	_ =	swait.ge [sflag:s31], $0xE0  }
0x43e: {  	[sflag:s31] =	ssyncset.done $0x0  }
0x43f: {  	[sflag:s31] =	ssyncadd.s32 $0xFFFFFF20  }
0x440: {  	_ =	swait.ge [sflag:s31], $0xE0  }
0x441: {  	[sflag:s31] =	ssyncset.done $0x0  }
0x442: {  	[sflag:s31] =	ssyncadd.s32 $0xFFFFFF20  }
0x443: {  	_ =	swait.ge [sflag:s31], $0xE0  }
0x444: {  	[sflag:s31] =	ssyncset.done $0x0  }
0x445: {  	[sflag:s31] =	ssyncadd.s32 $0xFFFFFF20  }
0x446: {  	_ =	swait.ge [sflag:s31], $0xE0  }
0x447: {  	[sflag:s31] =	ssyncset.done $0x0  }
0x448: {  	[sflag:s31] =	ssyncadd.s32 $0xFFFFFF20  }
0x449: {  	_ =	swait.ge [sflag:s31], $0xE0  }
0x44a: {  	[sflag:s31] =	ssyncset.done $0x0  }
0x44b: {  	[sflag:s31] =	ssyncadd.s32 $0xFFFFFF20  }
0x44c: {  	_ =	swait.ge [sflag:s31], $0xE0  }
0x44d: {  	[sflag:s31] =	ssyncset.done $0x0  }
0x44e: {  	[sflag:s31] =	ssyncadd.s32 $0xFFFFFF20  }
0x44f: {  	_ =	swait.ge [sflag:s31], $0xE0  }
0x450: {  	[sflag:s31] =	ssyncset.done $0x0  }
0x451: {  	[sflag:s31] =	ssyncadd.s32 $0xFFFFFF20  }
0x452: {  	_ =	swait.ge [sflag:s31], $0xE0  }
0x453: {  	[sflag:s31] =	ssyncset.done $0x0  }
0x454: {  	[sflag:s31] =	ssyncadd.s32 $0xFFFFFF20  }
0x455: {  	_ =	swait.ge [sflag:s31], $0xE0  }
0x456: {  	[sflag:s31] =	ssyncset.done $0x0  }
0x457: {  	[sflag:s31] =	ssyncadd.s32 $0xFFFFFF20  }
0x458: {  	_ =	swait.ge [sflag:s31], $0xE0  }
0x459: {  	[sflag:s31] =	ssyncset.done $0x0  }
0x45a: {  	[sflag:s31] =	ssyncadd.s32 $0xFFFFFF20  }
0x45b: {  	_ =	swait.ge [sflag:s31], $0xE0  }
0x45c: {  	[sflag:s31] =	ssyncset.done $0x0  }
0x45d: {  	[sflag:s31] =	ssyncadd.s32 $0xFFFFFF20  }
0x45e: {  	_ =	swait.ge [sflag:s31], $0xE0  }
0x45f: {  	[sflag:s31] =	ssyncset.done $0x0  }
0x460: {  	[sflag:s31] =	ssyncadd.s32 $0xFFFFFF20  }
0x461: {  	_ =	swait.ge [sflag:s31], $0xE0  }
0x462: {  	[sflag:s31] =	ssyncset.done $0x0  }
0x463: {  	[sflag:s31] =	ssyncadd.s32 $0xFFFFFF20  }
0x464: {  	_ =	swait.ge [sflag:s31], $0xE0  }
0x465: {  	[sflag:s31] =	ssyncset.done $0x0  }
0x466: {  	[sflag:s31] =	ssyncadd.s32 $0xFFFFFF20  }
0x467: {  	_ =	swait.ge [sflag:s31], $0xE0  }
0x468: {  	[sflag:s31] =	ssyncset.done $0x0  }
0x469: {  	[sflag:s31] =	ssyncadd.s32 $0xFFFFFF20  }
0x46a: {  	_ =	swait.ge [sflag:s31], $0xE0  }
0x46b: {  	[sflag:s31] =	ssyncset.done $0x0  }
0x46c: {  	[sflag:s31] =	ssyncadd.s32 $0xFFFFFF20  }
0x46d: {  	_ =	swait.ge [sflag:s31], $0xE0  }
0x46e: {  	[sflag:s31] =	ssyncset.done $0x0  }
0x46f: {  	[sflag:s31] =	ssyncadd.s32 $0xFFFFFF20  }
0x470: {  	_ =	swait.ge [sflag:s31], $0xE0  }
0x471: {  	[sflag:s31] =	ssyncset.done $0x0  }
0x472: {  	[sflag:s31] =	ssyncadd.s32 $0xFFFFFF20  }
0x473: {  	_ =	swait.ge [sflag:s31], $0xE0  }
0x474: {  	[sflag:s31] =	ssyncset.done $0x0  }
0x475: {  	[sflag:s31] =	ssyncadd.s32 $0xFFFFFF20  }
0x476: {  	_ =	swait.ge [sflag:s31], $0xE0  }
0x477: {  	[sflag:s31] =	ssyncset.done $0x0  }
0x478: {  	[sflag:s31] =	ssyncadd.s32 $0xFFFFFF20  }
0x479: {  	_ =	swait.ge [sflag:s31], $0xE0  }
0x47a: {  	[sflag:s31] =	ssyncset.done $0x0  }
0x47b: {  	[sflag:s31] =	ssyncadd.s32 $0xFFFFFF20  }
0x47c: {  	_ =	swait.ge [sflag:s31], $0xE0  }
0x47d: {  	[sflag:s31] =	ssyncset.done $0x0  }
0x47e: {  	[sflag:s31] =	ssyncadd.s32 $0xFFFFFF20  }
0x47f: {  	_ =	swait.ge [sflag:s31], $0xE0  }
0x480: {  	[sflag:s31] =	ssyncset.done $0x0  }
0x481: {  	s7 =	sadd.s32 $0x2, s7;
	[sflag:s31] =	ssyncadd.s32 $0xFFFFFF20  }
0x482: {  	s0 =	sadd.s32 $0xE00, s0;
	p0 =	sne.s32 s7, $0x16;
	[bflag:$0x0] =	sbarrier.arrive $0xFFFF  }
0x483: {  	s6 =	smov.u32 s28;
	s28 =	smin.u32 s24, $0x12;
	s26 =	rddreg [dreg:$0x7]  }
.Ltmp0:
0x484: {  	s16 =	sadd.s32 $0xE00, s16;
	s1 =	sadd.s32 s28, s26;
	(pc) =	sbr.rel @p0 .LBB2_2-.Ltmp0, $4  }
0x485: {  	s8 =	sadd.s32 $0xE00, s8;
	s20 =	sadd.s32 $0x700, s20;
	s1 =	smul.u32 $0x3800, s1  }
0x486: {  	s21 =	sadd.s32 $0xE00, s21;
	s17 =	sadd.s32 $0xE00, s17;
	s18 =	sadd.s32 $0xE00, s18  }
0x487: {  	s19 =	sadd.s32 $0xE00, s19;
	s22 =	sadd.s32 $0x700, s22;
	s1 =	sadd.s32 s12, s1  }
0x488: {  	s9 =	sadd.s32 $0xE00, s9;
	s10 =	sadd.s32 $0x700, s10;
	s1 =	sshrl.u32 s1, $0x3  }
0x489: {  	s22 =	sld [smem:$0x7AB]  }
0x48a: {  	s2 =	sld [smem:$0x7AC]  }
0x48b: {  	s0 =	rddreg [dreg:$0x1]  }
0x48c: {  	s0 =	sadd.s32 s0, s1  }
0x48d: {  	[spmem:s2], [sflag:s22] =	dma.local [hbm:s0], $0x700  }
0x48e: {  	_ =	swait.ge [sflag:s29], $0x700  }
0x48f: {  	[sflag:s29] =	ssyncset.done $0x0  }
0x490: {  	s23 =	simm.s32 $0x2;
	[sflag:s29] =	ssyncadd.s32 $0xFFFFF900  }
0x491: {  	_ =	swait.ge [sflag:s23], $0x700  }
0x492: {  	[sflag:s23] =	ssyncset.done $0x0  }
0x493: {  	s24 =	simm.s32 $0x5;
	[sflag:s23] =	ssyncadd.s32 $0xFFFFF900  }
0x494: {  	_ =	swait.ge [sflag:s24], $0x7000  }
0x495: {  	[sflag:s24] =	ssyncset.done $0x0  }
0x496: {  	s25 =	simm.s32 $0x6;
	[sflag:s24] =	ssyncadd.s32 $0xFFFF9000  }
0x497: {  	_ =	swait.ge [sflag:s25], $0x7000  }
0x498: {  	s26 =	sld [smem:$0x7AA]  }
0x499: {  	s28 =	sld [smem:$0x7F0];
	_ =	sdelay $0x1  }
0x49a: {  	s2 =	sadd.s32 $0x1, s26  }
0x49b: {  	p0 =	sne.s32 s2, s28  }
.Ltmp1:
0x49c: {  	_ = 	snop;
	(pc) =	sbr.rel @p0 .LBB2_1-.Ltmp1, $3  }
0x49d: {  	_ =	sdelay $0x1  }
0x49e: {  	[sflag:s25] =	ssyncset.done $0x0  }
0x49f: {  	s1 =	sld [smem:$0x7FD];
	[sflag:s25] =	ssyncadd.s32 $0xFFFF9000  }
0x4a0: {  	_ =	sfence.sel $0x180000  }
0x4a1: {  	[bflag:$0x0] =	sbarrier.arrive $0xFFFF  }
0x4a2: {  	_ =	strace $0x90000047  }
0x4a3: {  	s0 =	stileid.u32;
	[bflag:$0x2] =	sbarrier.arrive $0xFFFF  }
0x4a4: {  	p0 =	sne.s32 s0, $0x0;
	s0 =	rddreg [dreg:$0x5]  }
0x4a5: {  	s0 =	sadd.s32 @!p0 $0x100000, s0  }
0x4a6: {  	[sflag:s0] =	ssyncadd.tile.s32 @!p0 $0x1;
	_ =	shalt  }
.Lfunc_end2:
_tile_overlayer_lowered:
.L_overlay_start_2:
0x4a7: {  	(tag) =	ssettag $0x2  }
0x4a8: {  	s0 =	rddreg [dreg:$0x0];
	s2 =	stileid.u32  }
0x4a9: {  	s1 =	rddreg [dreg:$0x1];
	p0 =	sne.s32 s2, $0x0  }
0x4aa: {  	s3 =	rddreg [dreg:$0x2];
	[bflag:$0x3] =	sbarrier.arrive $0xFFFF;
	s2 =	simm.s32 @!p0 $0x1C07  }
0x4ab: {  	[timem:s3], [sflag:s2] =	dma.local @!p0 [hbm:s0], s1  }
0x4ac: {  	s0 =	simm.s32 @!p0 $0x7  }
0x4ad: {  	_ =	swait.ge @!p0 [sflag:s0], s1  }
0x4ae: {  	s1 =	ssub.s32 @!p0 $0x0, s1;
	[sflag:s0] =	ssyncset.done @!p0 $0x0  }
0x4af: {  	[sflag:s0] =	ssyncadd.s32 @!p0 s1  }
0x4b0: {  	[bflag:$0x3] =	sbarrier.arrive $0xFFFF  }
0x4b1: {  	_ =	shalt  }

</sc_bundles>
